<compile_context>
chip_gen: v7x
topology: tpu7x:2x2x1
jax: 0.10.2.dev20260603
libtpu: 0.0.44.dev20260713+nightly
codegen_flags: <defaults>
</compile_context>

<pallas_src>
import functools

import jax
import jax.numpy as jnp
from jax import lax
from jax.experimental import pallas as pl
from jax.experimental.pallas import tpu as pltpu
from jax.experimental.pallas import tpu_sc as plsc

N = 10000
NPAD = 10240
NH = NPAD // 2
NB = 512
NBLK = NPAD // NB
D = 256
H = 128
G = 64

E = 160000
NC = 2
NS = 16
NT = NC * NS
TILE_E = 10240
EPAD = TILE_E * NS
ROWS_E = EPAD // 128
NCHUNK_E = TILE_E // 128
TILE_D = 5120
EPAD_D = TILE_D * NT
ROWS_D = EPAD_D // 128
NCHUNK_D = TILE_D // 128
NROWS_T = NH // NS

_mesh = plsc.VectorSubcoreMesh(core_axis_name="c", subcore_axis_name="s")
_sc_params = pltpu.CompilerParams(needs_layout_passes=False)


@functools.partial(
    pl.kernel,
    out_type=jax.ShapeDtypeStruct((NT, NPAD), jnp.float32),
    scratch_types=[
        pltpu.VMEM((NCHUNK_D, 128), jnp.int32),
        pltpu.VMEM((NPAD,), jnp.float32),
        pltpu.SemaphoreType.DMA,
    ],
    mesh=_mesh,
    compiler_params=_sc_params,
)
def _deg_kernel(dst_h, out_h, idx_v, deg_v, sem):
    c = lax.axis_index("c")
    s = lax.axis_index("s")
    tile = s * NC + c
    zero = jnp.zeros((16,), jnp.float32)

    def fill(i, _):
        deg_v[pl.ds(i * 16, 16)] = zero
        return 0

    lax.fori_loop(0, NPAD // 16, fill, 0)
    pltpu.sync_copy(dst_h.at[pl.ds(tile * NCHUNK_D, NCHUNK_D)], idx_v)
    ones = jnp.full((16,), 1.0, jnp.float32)

    def chunk(j, _):
        for k in range(8):
            iv = idx_v[j, pl.ds(k * 16, 16)]
            plsc.addupdate_scatter(deg_v, [iv], ones)
        return 0

    lax.fori_loop(0, NCHUNK_D, chunk, 0)
    pltpu.sync_copy(deg_v, out_h.at[tile])


@functools.partial(
    pl.kernel,
    out_type=jax.ShapeDtypeStruct((2 * NPAD, 128), jnp.float32),
    scratch_types=[
        pltpu.VMEM((NCHUNK_E, 128), jnp.int32),
        pltpu.VMEM((NCHUNK_E, 128), jnp.int32),
        pltpu.VMEM((4, 128, 128), jnp.float32),
        pltpu.VMEM_SHARED((NH, 128), jnp.float32),
        pltpu.SemaphoreType.DMA((4,)),
    ],
    mesh=_mesh,
    compiler_params=_sc_params,
)
def _scatter(hp_h, src_h, dst_h, out_h, idxs_v, idxd_v, rows_v, acc_s, gsem):
    c = lax.axis_index("c")
    s = lax.axis_index("s")
    base = s * NROWS_T

    for p in (0, 1):
        pltpu.sync_copy(hp_h.at[pl.ds(c * NPAD + p * NH + base, NROWS_T)],
                        acc_s.at[pl.ds(base, NROWS_T)])
        plsc.subcore_barrier()

        pltpu.sync_copy(
            src_h.at[pl.ds((p * 2 + c) * ROWS_E + s * NCHUNK_E, NCHUNK_E)],
            idxs_v)
        pltpu.sync_copy(
            dst_h.at[pl.ds(p * ROWS_E + s * NCHUNK_E, NCHUNK_E)], idxd_v)

        def gather(j):
            b = lax.rem(j, 4)
            return pltpu.make_async_copy(
                hp_h.at[plsc.Indices(idxs_v.at[j], ignored_value=-1)],
                rows_v.at[b], gsem.at[b])

        gather(jnp.int32(0)).start()
        gather(jnp.int32(1)).start()
        gather(jnp.int32(2)).start()

        def chunk(j, _):
            b = lax.rem(j, 4)
            gather(j).wait()

            @pl.when(j < NCHUNK_E - 3)
            def _():
                gather(j + 3).start()

            pltpu.sync_copy(
                rows_v.at[b],
                acc_s.at[plsc.Indices(idxd_v.at[j], ignored_value=-1)],
                add=True)
            return 0

        lax.fori_loop(0, NCHUNK_E, chunk, 0)
        plsc.subcore_barrier()
        pltpu.sync_copy(acc_s.at[pl.ds(base, NROWS_T)],
                        out_h.at[pl.ds(c * NPAD + p * NH + base, NROWS_T)])
        plsc.subcore_barrier()


def _dinv128(degp_blk):
    deg = lax.dot_general(
        degp_blk, jnp.ones((NT, 128), jnp.float32),
        dimension_numbers=(((0,), (0,)), ((), ())),
        preferred_element_type=jnp.float32) + 1.0
    return lax.rsqrt(deg)


def _split_scaled(h, dinv):
    return jnp.stack([h[:, :128] * dinv, h[:, 128:] * dinv])


def _pre_body(x_ref, w_ref, degp_ref, hp_ref):
    dinv = _dinv128(degp_ref[...])
    h = jnp.dot(x_ref[...], w_ref[...], preferred_element_type=jnp.float32)
    hp_ref[...] = _split_scaled(h, dinv)


def _pre_call(xp, w1t, degp):
    return pl.pallas_call(
        _pre_body,
        grid=(NBLK,),
        in_specs=[
            pl.BlockSpec((NB, D), lambda nb: (nb, 0)),
            pl.BlockSpec((D, D), lambda nb: (0, 0)),
            pl.BlockSpec((NT, NB), lambda nb: (0, nb)),
        ],
        out_specs=pl.BlockSpec((2, NB, 128), lambda nb: (0, nb, 0)),
        out_shape=jax.ShapeDtypeStruct((2, NPAD, 128), jnp.float32),
    )(xp, w1t, degp)


def _seg_max(ho, bcol, lo, hi, p_ref):
    neg = jnp.float32(-jnp.inf)

    def seg(g, _):
        m = bcol == g.astype(jnp.float32)
        v = jnp.max(jnp.where(m, ho, neg), axis=0, keepdims=True)
        p_ref[pl.ds(g, 1), :] = jnp.maximum(p_ref[pl.ds(g, 1), :], v)
        return 0

    lax.fori_loop(lo, jnp.minimum(hi, G - 1) + 1, seg, 0)


def _update_body(acc_ref, degp_ref, b_ref, w_ref, bcol_ref, lo_ref, hi_ref,
                 hp_ref, p_ref):
    nb = pl.program_id(0)

    @pl.when(nb == 0)
    def _():
        p_ref[...] = jnp.full((G, D), -jnp.inf, jnp.float32)

    dinv = _dinv128(degp_ref[...])
    ho = jnp.concatenate([acc_ref[0] * dinv, acc_ref[1] * dinv], axis=-1)
    ho = jnp.maximum(ho + b_ref[...], 0.0)
    h = jnp.dot(ho, w_ref[...], preferred_element_type=jnp.float32)
    hp_ref[...] = _split_scaled(h, dinv)
    _seg_max(ho, bcol_ref[...], lo_ref[nb], hi_ref[nb], p_ref)


def _update_call(acc, degp, b, wt, bcol, lo, hi):
    return pl.pallas_call(
        _update_body,
        grid=(NBLK,),
        in_specs=[
            pl.BlockSpec((2, NB, 128), lambda nb: (0, nb, 0)),
            pl.BlockSpec((NT, NB), lambda nb: (0, nb)),
            pl.BlockSpec((1, D), lambda nb: (0, 0)),
            pl.BlockSpec((D, D), lambda nb: (0, 0)),
            pl.BlockSpec((NB, 1), lambda nb: (nb, 0)),
            pl.BlockSpec(memory_space=pltpu.MemorySpace.SMEM),
            pl.BlockSpec(memory_space=pltpu.MemorySpace.SMEM),
        ],
        out_specs=[
            pl.BlockSpec((2, NB, 128), lambda nb: (0, nb, 0)),
            pl.BlockSpec((G, D), lambda nb: (0, 0)),
        ],
        out_shape=[
            jax.ShapeDtypeStruct((2, NPAD, 128), jnp.float32),
            jax.ShapeDtypeStruct((G, D), jnp.float32),
        ],
    )(acc, degp, b, wt, bcol, lo, hi)


def _pool_body(acc_ref, degp_ref, b_ref, bcol_ref, lo_ref, hi_ref, p_ref):
    nb = pl.program_id(0)

    @pl.when(nb == 0)
    def _():
        p_ref[...] = jnp.full((G, D), -jnp.inf, jnp.float32)

    dinv = _dinv128(degp_ref[...])
    ho3 = jnp.concatenate([acc_ref[0] * dinv, acc_ref[1] * dinv], axis=-1)
    ho3 = jnp.maximum(ho3 + b_ref[...], 0.0)
    _seg_max(ho3, bcol_ref[...], lo_ref[nb], hi_ref[nb], p_ref)


def _pool_call(acc3, degp, b3, bcol, lo, hi):
    return pl.pallas_call(
        _pool_body,
        grid=(NBLK,),
        in_specs=[
            pl.BlockSpec((2, NB, 128), lambda nb: (0, nb, 0)),
            pl.BlockSpec((NT, NB), lambda nb: (0, nb)),
            pl.BlockSpec((1, D), lambda nb: (0, 0)),
            pl.BlockSpec((NB, 1), lambda nb: (nb, 0)),
            pl.BlockSpec(memory_space=pltpu.MemorySpace.SMEM),
            pl.BlockSpec(memory_space=pltpu.MemorySpace.SMEM),
        ],
        out_specs=pl.BlockSpec((G, D), lambda nb: (0, 0)),
        out_shape=jax.ShapeDtypeStruct((G, D), jnp.float32),
    )(acc3, degp, b3, bcol, lo, hi)


def _ln(x, g, b):
    m = jnp.mean(x, axis=-1, keepdims=True)
    v = jnp.mean((x - m) ** 2, axis=-1, keepdims=True)
    return (x - m) * lax.rsqrt(v + 1e-5) * g + b


def _head_body(pooled_ref, pi_ref, wgt_ref, bg_ref, gg_ref, gb_ref, wpt_ref,
               bp_ref, pg_ref, pb_ref, wf1a_ref, wf1b_ref, bf1_ref, f1g_ref,
               f1b_ref, wf2t_ref, bf2_ref, f2g_ref, f2b_ref, out_ref):
    ge = jnp.dot(pooled_ref[...], wgt_ref[...],
                 preferred_element_type=jnp.float32) + bg_ref[...]
    ge = jnp.maximum(_ln(ge, gg_ref[...], gb_ref[...]), 0.0)
    pe = jnp.dot(pi_ref[...], wpt_ref[...],
                 preferred_element_type=jnp.float32) + bp_ref[...]
    pe = jnp.maximum(_ln(pe, pg_ref[...], pb_ref[...]), 0.0)
    z = (jnp.dot(ge, wf1a_ref[...], preferred_element_type=jnp.float32)
         + jnp.dot(pe, wf1b_ref[...], preferred_element_type=jnp.float32)
         + bf1_ref[...])
    z = _ln(z, f1g_ref[...], f1b_ref[...])
    z = jnp.dot(z, wf2t_ref[...], preferred_element_type=jnp.float32) \
        + bf2_ref[...]
    out_ref[...] = _ln(z, f2g_ref[...], f2b_ref[...])


def _head_call(pooled, pi, *args):
    return pl.pallas_call(
        _head_body,
        out_shape=jax.ShapeDtypeStruct((G, 10), jnp.float32),
    )(pooled, pi, *args)


def _edge_indices(src, dst, dst_ok):
    srcqs, dstqs = [], []
    for p in (0, 1):
        keep = dst_ok & (dst // NH == p)
        srcqs.append(jnp.where(keep[None, :], src[None, :]
                               + jnp.array([[0], [NPAD]], jnp.int32), -1))
        dstqs.append(jnp.where(keep, dst - p * NH, -1))
    return (jnp.concatenate(srcqs).reshape(4 * ROWS_E, 128),
            jnp.concatenate(dstqs).reshape(2 * ROWS_E, 128))


def _layer_scatter(hp, srcq, dstq):
    return _scatter(hp.reshape(2 * NPAD, 128), srcq, dstq) \
        .reshape(2, NPAD, 128)


def kernel(x, edge_index, batch, pi, W1, b1, W2, b2, W3, b3, Wg, bg, gg, gb,
           Wp, bp, pg, pb, Wf1, bf1, f1g, f1b, Wf2, bf2, f2g, f2b):
    f32 = jnp.float32
    src = edge_index[0]
    dst = edge_index[1]

    srcp = jnp.concatenate([src, jnp.zeros((EPAD - E,), jnp.int32)])
    dstp = jnp.concatenate([dst, jnp.zeros((EPAD - E,), jnp.int32)])
    dst_ok = jnp.arange(EPAD, dtype=jnp.int32) < E
    dstd = jnp.concatenate([dst, jnp.full((EPAD_D - E,), N, jnp.int32)])

    xp = jnp.pad(x, ((0, NPAD - N), (0, 0)))
    batchp = jnp.concatenate([batch, jnp.full((NPAD - N,), G, jnp.int32)])
    bcol = batchp.astype(f32)[:, None]
    lo = batchp[::NB]
    hi = batchp[NB - 1::NB]

    degp = _deg_kernel(dstd.reshape(ROWS_D, 128))

    srcq, dstq = _edge_indices(srcp, dstp, dst_ok)
    hp1 = _pre_call(xp, W1.T, degp)
    acc1 = _layer_scatter(hp1, srcq, dstq)
    hp2, p1 = _update_call(acc1, degp, b1[None, :], W2.T, bcol, lo, hi)
    acc2 = _layer_scatter(hp2, srcq, dstq)
    hp3, p2 = _update_call(acc2, degp, b2[None, :], W3.T, bcol, lo, hi)
    acc3 = _layer_scatter(hp3, srcq, dstq)

    p3 = _pool_call(acc3, degp, b3[None, :], bcol, lo, hi)
    pooled = jnp.concatenate([p1, p2, p3], axis=1)

    return _head_call(
        pooled, pi, Wg.T, bg[None, :], gg[None, :], gb[None, :], Wp.T,
        bp[None, :], pg[None, :], pb[None, :], Wf1.T[:512], Wf1.T[512:],
        bf1[None, :], f1g[None, :], f1b[None, :], Wf2.T, bf2[None, :],
        f2g[None, :], f2b[None, :])

# --- scband reference (transcript-rebuilt; emitter-appended) ---
"""Pipeline reference for scband-single-gcn-661424964231 (READ-ONLY COPY).

The authoritative reference and input builder live on the scoring server;
editing this copy changes nothing except your own understanding.
"""

import jax, jax.numpy as jnp
import numpy as np

N = 10000
E = 160000
D_FEAT = 256
D_HID = 256
G = 64
D_PERS = 128
D_PERS_EMB = 128
D_GRAPH_EMB = 512
D_FC = 256
N_CLASSES = 10
N_LAYERS = 3


def _ln(x, g, b, eps=1e-5):
    m = jnp.mean(x, axis=-1, keepdims=True)
    v = jnp.var(x, axis=-1, keepdims=True)
    return (x - m) / jnp.sqrt(v + eps) * g + b


def _gcn_conv(x, src, dst, W, b):
    # torch_geometric GCNConv: lin(x) -> add self loops -> sym norm -> scatter-add -> + bias
    n = x.shape[0]
    loop = jnp.arange(n, dtype=src.dtype)
    s = jnp.concatenate([src, loop])
    d = jnp.concatenate([dst, loop])
    deg = jnp.zeros((n,), x.dtype).at[d].add(1.0)
    dinv = jnp.where(deg > 0, 1.0 / jnp.sqrt(deg), 0.0)
    norm = dinv[s] * dinv[d]
    h = x @ W.T
    out = jnp.zeros((n, W.shape[0]), x.dtype).at[d].add(h[s] * norm[:, None])
    return out + b


def setup_inputs(seed: int = 0):
    key = jax.random.key(seed)
    ks = jax.random.split(key, 32)
    x = jax.random.normal(ks[0], (N, D_FEAT), jnp.float32)
    edge_index = jax.random.randint(ks[1], (2, E), 0, N, jnp.int32)
    # sorted segment ids; force every graph id to appear at least once
    batch = jnp.sort(jnp.concatenate([jnp.arange(G, dtype=jnp.int32),
                                      jax.random.randint(ks[2], (N - G,), 0, G, jnp.int32)]))
    pi = jax.random.normal(ks[3], (G, D_PERS), jnp.float32)
    s = 0.05
    inp = {
        'x': x, 'edge_index': edge_index, 'batch': batch, 'pi': pi,
        'W1': jax.random.normal(ks[4], (D_HID, D_FEAT), jnp.float32) * s,
        'b1': jnp.zeros((D_HID,), jnp.float32),
        'W2': jax.random.normal(ks[5], (D_HID, D_HID), jnp.float32) * s,
        'b2': jnp.zeros((D_HID,), jnp.float32),
        'W3': jax.random.normal(ks[6], (D_HID, D_HID), jnp.float32) * s,
        'b3': jnp.zeros((D_HID,), jnp.float32),
        'Wg': jax.random.normal(ks[7], (D_GRAPH_EMB, N_LAYERS * D_HID), jnp.float32) * s,
        'bg': jnp.zeros((D_GRAPH_EMB,), jnp.float32),
        'gg': jnp.ones((D_GRAPH_EMB,), jnp.float32),
        'gb': jnp.zeros((D_GRAPH_EMB,), jnp.float32),
        'Wp': jax.random.normal(ks[8], (D_PERS_EMB, D_PERS), jnp.float32) * s,
        'bp': jnp.zeros((D_PERS_EMB,), jnp.float32),
        'pg': jnp.ones((D_PERS_EMB,), jnp.float32),
        'pb': jnp.zeros((D_PERS_EMB,), jnp.float32),
        'Wf1': jax.random.normal(ks[9], (D_FC, D_GRAPH_EMB + D_PERS_EMB), jnp.float32) * s,
        'bf1': jnp.zeros((D_FC,), jnp.float32),
        'f1g': jnp.ones((D_FC,), jnp.float32),
        'f1b': jnp.zeros((D_FC,), jnp.float32),
        'Wf2': jax.random.normal(ks[10], (N_CLASSES, D_FC), jnp.float32) * s,
        'bf2': jnp.zeros((N_CLASSES,), jnp.float32),
        'f2g': jnp.ones((N_CLASSES,), jnp.float32),
        'f2b': jnp.zeros((N_CLASSES,), jnp.float32),
    }
    return inp


def reference(x, edge_index, batch, pi, W1, b1, W2, b2, W3, b3, Wg, bg, gg, gb, Wp, bp, pg, pb, Wf1, bf1, f1g, f1b, Wf2, bf2, f2g, f2b):
    src, dst = edge_index[0], edge_index[1]
    h1 = jax.nn.relu(_gcn_conv(x, src, dst, W1, b1))
    h2 = jax.nn.relu(_gcn_conv(h1, src, dst, W2, b2))
    h3 = jax.nn.relu(_gcn_conv(h2, src, dst, W3, b3))
    jk = jnp.concatenate([h1, h2, h3], axis=1)
    pooled = jax.ops.segment_max(jk, batch, num_segments=G)
    ge = jax.nn.relu(_ln(pooled @ Wg.T + bg, gg, gb))  # dropout p=0.0 -> identity
    pe = jax.nn.relu(_ln(pi @ Wp.T + bp, pg, pb))
    z = jnp.concatenate([ge, pe], axis=1)
    z = _ln(z @ Wf1.T + bf1, f1g, f1b)
    z = _ln(z @ Wf2.T + bf2, f2g, f2b)
    return z

if __name__ == "__main__":
    import jax
    _d = setup_inputs()
    print(jax.jit(kernel)(*tuple(_d.values())))

</pallas_src>

<mosaic_0001>
#map = affine_map<(d0, d1) -> (0, 0)>
module attributes {stable_mosaic.version = 14 : i64} {
  func.func @_scatter(%arg0: i32, %arg1: i32, %arg2: memref<20480x128xf32, #tpu.memory_space<hbm>>, %arg3: memref<5120x128xi32, #tpu.memory_space<hbm>>, %arg4: memref<2560x128xi32, #tpu.memory_space<hbm>>, %arg5: memref<20480x128xf32, #tpu.memory_space<hbm>>, %arg6: memref<80x128xi32, #tpu.memory_space<vmem>>, %arg7: memref<80x128xi32, #tpu.memory_space<vmem>>, %arg8: memref<4x128x128xf32, #tpu.memory_space<vmem>>, %arg9: memref<5120x128xf32, #tpu.memory_space<vmem_shared>>, %arg10: memref<4x!tpu.dma_semaphore, #tpu.memory_space<semaphore_mem>>) attributes {dimension_semantics = [#tpu.dimension_semantics<core_parallel>, #tpu.dimension_semantics<subcore_parallel>], iteration_bounds = array<i64: 2, 16>, scalar_prefetch = 0 : i64, scratch_operands = 5 : i64, tpu.core_type = #tpu.core_type<sc_vector_subcore>, window_params = [{transform_indices = #map}, {transform_indices = #map}, {transform_indices = #map}, {transform_indices = #map}]} {
    %mul3A = arith.constant 320 : i32
    %mul3A_0 = arith.muli %arg1, %mul3A : i32
    %mul3A_1 = arith.constant 10240 : i32
    %mul3A_2 = arith.muli %arg0, %mul3A_1 : i32
    %add3A = arith.constant 0 : i32
    %add3A_3 = arith.addi %mul3A_2, %add3A : i32
    %add3A_4 = arith.addi %add3A_3, %mul3A_0 : i32
    "tpu.region"() ({
      %run_scoped3A = tpu.sem_alloc : memref<!tpu.dma_semaphore, #tpu.memory_space<semaphore_mem>>
      %dma_start3A_160 = arith.constant 0 : i32
      %dma_start3A_161 = tpu.memref_slice %arg9[%mul3A_0, %dma_start3A_160] : memref<5120x128xf32, #tpu.memory_space<vmem_shared>> -> memref<320x128xf32, #tpu.memory_space<vmem_shared>>
      %dma_start3A_162 = arith.constant 0 : i32
      %dma_start3A_163 = tpu.memref_slice %arg2[%add3A_4, %dma_start3A_162] : memref<20480x128xf32, #tpu.memory_space<hbm>> -> memref<320x128xf32, #tpu.memory_space<hbm>>
      tpu.enqueue_dma source(%dma_start3A_163 : memref<320x128xf32, #tpu.memory_space<hbm>>) target(%dma_start3A_161 : memref<320x128xf32, #tpu.memory_space<vmem_shared>>) target_semaphore(%run_scoped3A : memref<!tpu.dma_semaphore, #tpu.memory_space<semaphore_mem>>)
      %dma_wait3A = arith.constant 0 : i32
      %dma_wait3A_164 = tpu.memref_slice %arg9[%mul3A_0, %dma_wait3A] : memref<5120x128xf32, #tpu.memory_space<vmem_shared>> -> memref<320x128xf32, #tpu.memory_space<vmem_shared>>
      %dma_wait3A_165 = arith.constant 0 : i32
      %dma_wait3A_166 = tpu.memref_slice %arg2[%add3A_4, %dma_wait3A_165] : memref<20480x128xf32, #tpu.memory_space<hbm>> -> memref<320x128xf32, #tpu.memory_space<hbm>>
      tpu.wait_dma2 semaphore(%run_scoped3A : memref<!tpu.dma_semaphore, #tpu.memory_space<semaphore_mem>>) src(%dma_wait3A_166 : memref<320x128xf32, #tpu.memory_space<hbm>>) dst(%dma_wait3A_164 : memref<320x128xf32, #tpu.memory_space<vmem_shared>>)
      tpu.yield
    }) : () -> ()
    %barrier3A = arith.constant 0 : index
    tpu.barrier barrier_id(%barrier3A)
    %add3A_5 = arith.constant 0 : i32
    %add3A_6 = arith.addi %add3A_5, %arg0 : i32
    %mul3A_7 = arith.constant 1280 : i32
    %mul3A_8 = arith.muli %add3A_6, %mul3A_7 : i32
    %mul3A_9 = arith.constant 80 : i32
    %mul3A_10 = arith.muli %arg1, %mul3A_9 : i32
    %add3A_11 = arith.addi %mul3A_8, %mul3A_10 : i32
    "tpu.region"() ({
      %run_scoped3A = tpu.sem_alloc : memref<!tpu.dma_semaphore, #tpu.memory_space<semaphore_mem>>
      %dma_start3A_160 = arith.constant 0 : i32
      %dma_start3A_161 = tpu.memref_slice %arg3[%add3A_11, %dma_start3A_160] : memref<5120x128xi32, #tpu.memory_space<hbm>> -> memref<80x128xi32, #tpu.memory_space<hbm>>
      %dma_start3A_162 = arith.constant 0 : i32
      %dma_start3A_163 = tpu.memref_slice %arg3[%add3A_11, %dma_start3A_162] : memref<5120x128xi32, #tpu.memory_space<hbm>> -> memref<80x128xi32, #tpu.memory_space<hbm>>
      tpu.enqueue_dma source(%dma_start3A_163 : memref<80x128xi32, #tpu.memory_space<hbm>>) target(%arg6 : memref<80x128xi32, #tpu.memory_space<vmem>>) target_semaphore(%run_scoped3A : memref<!tpu.dma_semaphore, #tpu.memory_space<semaphore_mem>>)
      %dma_wait3A = arith.constant 0 : i32
      %dma_wait3A_164 = tpu.memref_slice %arg3[%add3A_11, %dma_wait3A] : memref<5120x128xi32, #tpu.memory_space<hbm>> -> memref<80x128xi32, #tpu.memory_space<hbm>>
      %dma_wait3A_165 = arith.constant 0 : i32
      %dma_wait3A_166 = tpu.memref_slice %arg3[%add3A_11, %dma_wait3A_165] : memref<5120x128xi32, #tpu.memory_space<hbm>> -> memref<80x128xi32, #tpu.memory_space<hbm>>
      tpu.wait_dma2 semaphore(%run_scoped3A : memref<!tpu.dma_semaphore, #tpu.memory_space<semaphore_mem>>) src(%dma_wait3A_166 : memref<80x128xi32, #tpu.memory_space<hbm>>) dst(%arg6 : memref<80x128xi32, #tpu.memory_space<vmem>>)
      tpu.yield
    }) : () -> ()
    %mul3A_12 = arith.constant 80 : i32
    %mul3A_13 = arith.muli %arg1, %mul3A_12 : i32
    %add3A_14 = arith.constant 0 : i32
    %add3A_15 = arith.addi %add3A_14, %mul3A_13 : i32
    "tpu.region"() ({
      %run_scoped3A = tpu.sem_alloc : memref<!tpu.dma_semaphore, #tpu.memory_space<semaphore_mem>>
      %dma_start3A_160 = arith.constant 0 : i32
      %dma_start3A_161 = tpu.memref_slice %arg4[%add3A_15, %dma_start3A_160] : memref<2560x128xi32, #tpu.memory_space<hbm>> -> memref<80x128xi32, #tpu.memory_space<hbm>>
      %dma_start3A_162 = arith.constant 0 : i32
      %dma_start3A_163 = tpu.memref_slice %arg4[%add3A_15, %dma_start3A_162] : memref<2560x128xi32, #tpu.memory_space<hbm>> -> memref<80x128xi32, #tpu.memory_space<hbm>>
      tpu.enqueue_dma source(%dma_start3A_163 : memref<80x128xi32, #tpu.memory_space<hbm>>) target(%arg7 : memref<80x128xi32, #tpu.memory_space<vmem>>) target_semaphore(%run_scoped3A : memref<!tpu.dma_semaphore, #tpu.memory_space<semaphore_mem>>)
      %dma_wait3A = arith.constant 0 : i32
      %dma_wait3A_164 = tpu.memref_slice %arg4[%add3A_15, %dma_wait3A] : memref<2560x128xi32, #tpu.memory_space<hbm>> -> memref<80x128xi32, #tpu.memory_space<hbm>>
      %dma_wait3A_165 = arith.constant 0 : i32
      %dma_wait3A_166 = tpu.memref_slice %arg4[%add3A_15, %dma_wait3A_165] : memref<2560x128xi32, #tpu.memory_space<hbm>> -> memref<80x128xi32, #tpu.memory_space<hbm>>
      tpu.wait_dma2 semaphore(%run_scoped3A : memref<!tpu.dma_semaphore, #tpu.memory_space<semaphore_mem>>) src(%dma_wait3A_166 : memref<80x128xi32, #tpu.memory_space<hbm>>) dst(%arg7 : memref<80x128xi32, #tpu.memory_space<vmem>>)
      tpu.yield
    }) : () -> ()
    %rem3A = arith.constant 0 : i32
    %rem3A_16 = arith.constant 4 : i32
    %rem3A_17 = arith.remsi %rem3A, %rem3A_16 : i32
    %dma_start3A = arith.constant 0 : i32
    %dma_start3A_18 = arith.constant 0 : i32
    %dma_start3A_19 = arith.constant 0 : i32
    %dma_start3A_20 = tpu.memref_slice %arg8[%rem3A_17, %dma_start3A_18, %dma_start3A_19] : memref<4x128x128xf32, #tpu.memory_space<vmem>> -> memref<1x128x128xf32, #tpu.memory_space<vmem>>
    %dma_start3A_21 = tpu.memref_squeeze %dma_start3A_20 : memref<1x128x128xf32, #tpu.memory_space<vmem>> -> memref<128x128xf32, #tpu.memory_space<vmem>>
    %dma_start3A_22 = arith.constant 0 : i32
    %dma_start3A_23 = tpu.memref_slice %arg6[%dma_start3A, %dma_start3A_22] : memref<80x128xi32, #tpu.memory_space<vmem>> -> memref<1x128xi32, #tpu.memory_space<vmem>>
    %dma_start3A_24 = tpu.memref_squeeze %dma_start3A_23 : memref<1x128xi32, #tpu.memory_space<vmem>> -> memref<128xi32, #tpu.memory_space<vmem>>
    %dma_start3A_25 = arith.constant 0 : i32
    %dma_start3A_26 = arith.constant 0 : i32
    %dma_start3A_27 = tpu.memref_slice %arg2[%dma_start3A_25, %dma_start3A_26] : memref<20480x128xf32, #tpu.memory_space<hbm>> -> memref<20480x128xf32, #tpu.memory_space<hbm>>
    %dma_start3A_28 = arith.constant -1 : i32
    %dma_start3A_29 = tpu.memref_slice %arg10[%rem3A_17] : memref<4x!tpu.dma_semaphore, #tpu.memory_space<semaphore_mem>> -> memref<1x!tpu.dma_semaphore, #tpu.memory_space<semaphore_mem>>
    %dma_start3A_30 = tpu.memref_squeeze %dma_start3A_29 : memref<1x!tpu.dma_semaphore, #tpu.memory_space<semaphore_mem>> -> memref<!tpu.dma_semaphore, #tpu.memory_space<semaphore_mem>>
    tpu.enqueue_indirect_dma source(%dma_start3A_27 : memref<20480x128xf32, #tpu.memory_space<hbm>>) target(%dma_start3A_21 : memref<128x128xf32, #tpu.memory_space<vmem>>) offsets(%dma_start3A_24 : memref<128xi32, #tpu.memory_space<vmem>>) offset_filter(%dma_start3A_28) semaphore(%dma_start3A_30 : memref<!tpu.dma_semaphore, #tpu.memory_space<semaphore_mem>>)
    %rem3A_31 = arith.constant 1 : i32
    %rem3A_32 = arith.constant 4 : i32
    %rem3A_33 = arith.remsi %rem3A_31, %rem3A_32 : i32
    %dma_start3A_34 = arith.constant 1 : i32
    %dma_start3A_35 = arith.constant 0 : i32
    %dma_start3A_36 = arith.constant 0 : i32
    %dma_start3A_37 = tpu.memref_slice %arg8[%rem3A_33, %dma_start3A_35, %dma_start3A_36] : memref<4x128x128xf32, #tpu.memory_space<vmem>> -> memref<1x128x128xf32, #tpu.memory_space<vmem>>
    %dma_start3A_38 = tpu.memref_squeeze %dma_start3A_37 : memref<1x128x128xf32, #tpu.memory_space<vmem>> -> memref<128x128xf32, #tpu.memory_space<vmem>>
    %dma_start3A_39 = arith.constant 0 : i32
    %dma_start3A_40 = tpu.memref_slice %arg6[%dma_start3A_34, %dma_start3A_39] : memref<80x128xi32, #tpu.memory_space<vmem>> -> memref<1x128xi32, #tpu.memory_space<vmem>>
    %dma_start3A_41 = tpu.memref_squeeze %dma_start3A_40 : memref<1x128xi32, #tpu.memory_space<vmem>> -> memref<128xi32, #tpu.memory_space<vmem>>
    %dma_start3A_42 = arith.constant 0 : i32
    %dma_start3A_43 = arith.constant 0 : i32
    %dma_start3A_44 = tpu.memref_slice %arg2[%dma_start3A_42, %dma_start3A_43] : memref<20480x128xf32, #tpu.memory_space<hbm>> -> memref<20480x128xf32, #tpu.memory_space<hbm>>
    %dma_start3A_45 = arith.constant -1 : i32
    %dma_start3A_46 = tpu.memref_slice %arg10[%rem3A_33] : memref<4x!tpu.dma_semaphore, #tpu.memory_space<semaphore_mem>> -> memref<1x!tpu.dma_semaphore, #tpu.memory_space<semaphore_mem>>
    %dma_start3A_47 = tpu.memref_squeeze %dma_start3A_46 : memref<1x!tpu.dma_semaphore, #tpu.memory_space<semaphore_mem>> -> memref<!tpu.dma_semaphore, #tpu.memory_space<semaphore_mem>>
    tpu.enqueue_indirect_dma source(%dma_start3A_44 : memref<20480x128xf32, #tpu.memory_space<hbm>>) target(%dma_start3A_38 : memref<128x128xf32, #tpu.memory_space<vmem>>) offsets(%dma_start3A_41 : memref<128xi32, #tpu.memory_space<vmem>>) offset_filter(%dma_start3A_45) semaphore(%dma_start3A_47 : memref<!tpu.dma_semaphore, #tpu.memory_space<semaphore_mem>>)
    %rem3A_48 = arith.constant 2 : i32
    %rem3A_49 = arith.constant 4 : i32
    %rem3A_50 = arith.remsi %rem3A_48, %rem3A_49 : i32
    %dma_start3A_51 = arith.constant 2 : i32
    %dma_start3A_52 = arith.constant 0 : i32
    %dma_start3A_53 = arith.constant 0 : i32
    %dma_start3A_54 = tpu.memref_slice %arg8[%rem3A_50, %dma_start3A_52, %dma_start3A_53] : memref<4x128x128xf32, #tpu.memory_space<vmem>> -> memref<1x128x128xf32, #tpu.memory_space<vmem>>
    %dma_start3A_55 = tpu.memref_squeeze %dma_start3A_54 : memref<1x128x128xf32, #tpu.memory_space<vmem>> -> memref<128x128xf32, #tpu.memory_space<vmem>>
    %dma_start3A_56 = arith.constant 0 : i32
    %dma_start3A_57 = tpu.memref_slice %arg6[%dma_start3A_51, %dma_start3A_56] : memref<80x128xi32, #tpu.memory_space<vmem>> -> memref<1x128xi32, #tpu.memory_space<vmem>>
    %dma_start3A_58 = tpu.memref_squeeze %dma_start3A_57 : memref<1x128xi32, #tpu.memory_space<vmem>> -> memref<128xi32, #tpu.memory_space<vmem>>
    %dma_start3A_59 = arith.constant 0 : i32
    %dma_start3A_60 = arith.constant 0 : i32
    %dma_start3A_61 = tpu.memref_slice %arg2[%dma_start3A_59, %dma_start3A_60] : memref<20480x128xf32, #tpu.memory_space<hbm>> -> memref<20480x128xf32, #tpu.memory_space<hbm>>
    %dma_start3A_62 = arith.constant -1 : i32
    %dma_start3A_63 = tpu.memref_slice %arg10[%rem3A_50] : memref<4x!tpu.dma_semaphore, #tpu.memory_space<semaphore_mem>> -> memref<1x!tpu.dma_semaphore, #tpu.memory_space<semaphore_mem>>
    %dma_start3A_64 = tpu.memref_squeeze %dma_start3A_63 : memref<1x!tpu.dma_semaphore, #tpu.memory_space<semaphore_mem>> -> memref<!tpu.dma_semaphore, #tpu.memory_space<semaphore_mem>>
    tpu.enqueue_indirect_dma source(%dma_start3A_61 : memref<20480x128xf32, #tpu.memory_space<hbm>>) target(%dma_start3A_55 : memref<128x128xf32, #tpu.memory_space<vmem>>) offsets(%dma_start3A_58 : memref<128xi32, #tpu.memory_space<vmem>>) offset_filter(%dma_start3A_62) semaphore(%dma_start3A_64 : memref<!tpu.dma_semaphore, #tpu.memory_space<semaphore_mem>>)
    %scan3A = arith.constant 0 : i32
    %scan3A_65 = arith.constant 0 : i32
    %scan3A_66 = arith.constant 80 : i32
    %scan3A_67 = arith.addi %scan3A_65, %scan3A_66 : i32
    %scan3A_68 = arith.constant 1 : i32
    %scan3A_69 = scf.for %scan3A_160 = %scan3A_65 to %scan3A_67 step %scan3A_68 iter_args(%scan3A_161 = %scan3A) -> (i32)  : i32 {
      %rem3A_162 = arith.constant 4 : i32
      %rem3A_163 = arith.remsi %scan3A_160, %rem3A_162 : i32
      %rem3A_164 = arith.constant 4 : i32
      %rem3A_165 = arith.remsi %scan3A_160, %rem3A_164 : i32
      %dma_wait3A = arith.constant 0 : i32
      %dma_wait3A_166 = arith.constant 0 : i32
      %dma_wait3A_167 = tpu.memref_slice %arg8[%rem3A_165, %dma_wait3A, %dma_wait3A_166] : memref<4x128x128xf32, #tpu.memory_space<vmem>> -> memref<1x128x128xf32, #tpu.memory_space<vmem>>
      %dma_wait3A_168 = tpu.memref_squeeze %dma_wait3A_167 : memref<1x128x128xf32, #tpu.memory_space<vmem>> -> memref<128x128xf32, #tpu.memory_space<vmem>>
      %dma_wait3A_169 = arith.constant 0 : i32
      %dma_wait3A_170 = tpu.memref_slice %arg6[%scan3A_160, %dma_wait3A_169] : memref<80x128xi32, #tpu.memory_space<vmem>> -> memref<1x128xi32, #tpu.memory_space<vmem>>
      %dma_wait3A_171 = tpu.memref_squeeze %dma_wait3A_170 : memref<1x128xi32, #tpu.memory_space<vmem>> -> memref<128xi32, #tpu.memory_space<vmem>>
      %dma_wait3A_172 = arith.constant 0 : i32
      %dma_wait3A_173 = arith.constant 0 : i32
      %dma_wait3A_174 = tpu.memref_slice %arg2[%dma_wait3A_172, %dma_wait3A_173] : memref<20480x128xf32, #tpu.memory_space<hbm>> -> memref<20480x128xf32, #tpu.memory_space<hbm>>
      %dma_wait3A_175 = tpu.memref_slice %arg10[%rem3A_165] : memref<4x!tpu.dma_semaphore, #tpu.memory_space<semaphore_mem>> -> memref<1x!tpu.dma_semaphore, #tpu.memory_space<semaphore_mem>>
      %dma_wait3A_176 = tpu.memref_squeeze %dma_wait3A_175 : memref<1x!tpu.dma_semaphore, #tpu.memory_space<semaphore_mem>> -> memref<!tpu.dma_semaphore, #tpu.memory_space<semaphore_mem>>
      tpu.wait_indirect_dma semaphore(%dma_wait3A_176 : memref<!tpu.dma_semaphore, #tpu.memory_space<semaphore_mem>>) src(%dma_wait3A_174 : memref<20480x128xf32, #tpu.memory_space<hbm>>) dst(%dma_wait3A_168 : memref<128x128xf32, #tpu.memory_space<vmem>>)
      %lt3A = arith.constant 77 : i32
      %lt3A_177 = arith.cmpi slt, %scan3A_160, %lt3A : i32
      %convert_element_type3A = arith.extui %lt3A_177 : i1 to i32
      %cond3A = arith.constant 0 : i32
      %cond3A_178 = arith.cmpi ne, %convert_element_type3A, %cond3A : i32
      scf.if %cond3A_178 {
        %add3A_180 = arith.constant 3 : i32
        %add3A_181 = arith.addi %scan3A_160, %add3A_180 : i32
        %rem3A_182 = arith.constant 4 : i32
        %rem3A_183 = arith.remsi %add3A_181, %rem3A_182 : i32
        %dma_start3A_184 = arith.constant 0 : i32
        %dma_start3A_185 = arith.constant 0 : i32
        %dma_start3A_186 = tpu.memref_slice %arg8[%rem3A_183, %dma_start3A_184, %dma_start3A_185] : memref<4x128x128xf32, #tpu.memory_space<vmem>> -> memref<1x128x128xf32, #tpu.memory_space<vmem>>
        %dma_start3A_187 = tpu.memref_squeeze %dma_start3A_186 : memref<1x128x128xf32, #tpu.memory_space<vmem>> -> memref<128x128xf32, #tpu.memory_space<vmem>>
        %dma_start3A_188 = arith.constant 0 : i32
        %dma_start3A_189 = tpu.memref_slice %arg6[%add3A_181, %dma_start3A_188] : memref<80x128xi32, #tpu.memory_space<vmem>> -> memref<1x128xi32, #tpu.memory_space<vmem>>
        %dma_start3A_190 = tpu.memref_squeeze %dma_start3A_189 : memref<1x128xi32, #tpu.memory_space<vmem>> -> memref<128xi32, #tpu.memory_space<vmem>>
        %dma_start3A_191 = arith.constant 0 : i32
        %dma_start3A_192 = arith.constant 0 : i32
        %dma_start3A_193 = tpu.memref_slice %arg2[%dma_start3A_191, %dma_start3A_192] : memref<20480x128xf32, #tpu.memory_space<hbm>> -> memref<20480x128xf32, #tpu.memory_space<hbm>>
        %dma_start3A_194 = arith.constant -1 : i32
        %dma_start3A_195 = tpu.memref_slice %arg10[%rem3A_183] : memref<4x!tpu.dma_semaphore, #tpu.memory_space<semaphore_mem>> -> memref<1x!tpu.dma_semaphore, #tpu.memory_space<semaphore_mem>>
        %dma_start3A_196 = tpu.memref_squeeze %dma_start3A_195 : memref<1x!tpu.dma_semaphore, #tpu.memory_space<semaphore_mem>> -> memref<!tpu.dma_semaphore, #tpu.memory_space<semaphore_mem>>
        tpu.enqueue_indirect_dma source(%dma_start3A_193 : memref<20480x128xf32, #tpu.memory_space<hbm>>) target(%dma_start3A_187 : memref<128x128xf32, #tpu.memory_space<vmem>>) offsets(%dma_start3A_190 : memref<128xi32, #tpu.memory_space<vmem>>) offset_filter(%dma_start3A_194) semaphore(%dma_start3A_196 : memref<!tpu.dma_semaphore, #tpu.memory_space<semaphore_mem>>)
      } else {
      }
      "tpu.region"() ({
        %run_scoped3A = tpu.sem_alloc : memref<!tpu.dma_semaphore, #tpu.memory_space<semaphore_mem>>
        %dma_start3A_180 = arith.constant 0 : i32
        %dma_start3A_181 = arith.constant 0 : i32
        %dma_start3A_182 = tpu.memref_slice %arg8[%rem3A_163, %dma_start3A_180, %dma_start3A_181] : memref<4x128x128xf32, #tpu.memory_space<vmem>> -> memref<1x128x128xf32, #tpu.memory_space<vmem>>
        %dma_start3A_183 = tpu.memref_squeeze %dma_start3A_182 : memref<1x128x128xf32, #tpu.memory_space<vmem>> -> memref<128x128xf32, #tpu.memory_space<vmem>>
        %dma_start3A_184 = arith.constant 0 : i32
        %dma_start3A_185 = tpu.memref_slice %arg7[%scan3A_160, %dma_start3A_184] : memref<80x128xi32, #tpu.memory_space<vmem>> -> memref<1x128xi32, #tpu.memory_space<vmem>>
        %dma_start3A_186 = tpu.memref_squeeze %dma_start3A_185 : memref<1x128xi32, #tpu.memory_space<vmem>> -> memref<128xi32, #tpu.memory_space<vmem>>
        %dma_start3A_187 = arith.constant 0 : i32
        %dma_start3A_188 = arith.constant 0 : i32
        %dma_start3A_189 = tpu.memref_slice %arg9[%dma_start3A_187, %dma_start3A_188] : memref<5120x128xf32, #tpu.memory_space<vmem_shared>> -> memref<5120x128xf32, #tpu.memory_space<vmem_shared>>
        %dma_start3A_190 = arith.constant -1 : i32
        tpu.enqueue_indirect_dma source(%dma_start3A_183 : memref<128x128xf32, #tpu.memory_space<vmem>>) target(%dma_start3A_189 : memref<5120x128xf32, #tpu.memory_space<vmem_shared>>) offsets(%dma_start3A_186 : memref<128xi32, #tpu.memory_space<vmem>>) offset_filter(%dma_start3A_190) semaphore(%run_scoped3A : memref<!tpu.dma_semaphore, #tpu.memory_space<semaphore_mem>>) {add = true}
        %dma_wait3A_191 = arith.constant 0 : i32
        %dma_wait3A_192 = arith.constant 0 : i32
        %dma_wait3A_193 = tpu.memref_slice %arg8[%rem3A_163, %dma_wait3A_191, %dma_wait3A_192] : memref<4x128x128xf32, #tpu.memory_space<vmem>> -> memref<1x128x128xf32, #tpu.memory_space<vmem>>
        %dma_wait3A_194 = tpu.memref_squeeze %dma_wait3A_193 : memref<1x128x128xf32, #tpu.memory_space<vmem>> -> memref<128x128xf32, #tpu.memory_space<vmem>>
        %dma_wait3A_195 = arith.constant 0 : i32
        %dma_wait3A_196 = tpu.memref_slice %arg7[%scan3A_160, %dma_wait3A_195] : memref<80x128xi32, #tpu.memory_space<vmem>> -> memref<1x128xi32, #tpu.memory_space<vmem>>
        %dma_wait3A_197 = tpu.memref_squeeze %dma_wait3A_196 : memref<1x128xi32, #tpu.memory_space<vmem>> -> memref<128xi32, #tpu.memory_space<vmem>>
        %dma_wait3A_198 = arith.constant 0 : i32
        %dma_wait3A_199 = arith.constant 0 : i32
        %dma_wait3A_200 = tpu.memref_slice %arg9[%dma_wait3A_198, %dma_wait3A_199] : memref<5120x128xf32, #tpu.memory_space<vmem_shared>> -> memref<5120x128xf32, #tpu.memory_space<vmem_shared>>
        tpu.wait_indirect_dma semaphore(%run_scoped3A : memref<!tpu.dma_semaphore, #tpu.memory_space<semaphore_mem>>) src(%dma_wait3A_194 : memref<128x128xf32, #tpu.memory_space<vmem>>) dst(%dma_wait3A_200 : memref<5120x128xf32, #tpu.memory_space<vmem_shared>>)
        tpu.yield
      }) : () -> ()
      %scan3A_179 = arith.constant 0 : i32
      scf.yield %scan3A_179 : i32
    }
    %scan3A_70 = arith.constant 80 : i32
    %barrier3A_71 = arith.constant 0 : index
    tpu.barrier barrier_id(%barrier3A_71)
    %mul3A_72 = arith.constant 10240 : i32
    %mul3A_73 = arith.muli %arg0, %mul3A_72 : i32
    %add3A_74 = arith.constant 0 : i32
    %add3A_75 = arith.addi %mul3A_73, %add3A_74 : i32
    %add3A_76 = arith.addi %add3A_75, %mul3A_0 : i32
    "tpu.region"() ({
      %run_scoped3A = tpu.sem_alloc : memref<!tpu.dma_semaphore, #tpu.memory_space<semaphore_mem>>
      %dma_start3A_160 = arith.constant 0 : i32
      %dma_start3A_161 = tpu.memref_slice %arg5[%add3A_76, %dma_start3A_160] : memref<20480x128xf32, #tpu.memory_space<hbm>> -> memref<320x128xf32, #tpu.memory_space<hbm>>
      %dma_start3A_162 = arith.constant 0 : i32
      %dma_start3A_163 = tpu.memref_slice %arg9[%mul3A_0, %dma_start3A_162] : memref<5120x128xf32, #tpu.memory_space<vmem_shared>> -> memref<320x128xf32, #tpu.memory_space<vmem_shared>>
      tpu.enqueue_dma source(%dma_start3A_163 : memref<320x128xf32, #tpu.memory_space<vmem_shared>>) target(%dma_start3A_161 : memref<320x128xf32, #tpu.memory_space<hbm>>) target_semaphore(%run_scoped3A : memref<!tpu.dma_semaphore, #tpu.memory_space<semaphore_mem>>)
      %dma_wait3A = arith.constant 0 : i32
      %dma_wait3A_164 = tpu.memref_slice %arg5[%add3A_76, %dma_wait3A] : memref<20480x128xf32, #tpu.memory_space<hbm>> -> memref<320x128xf32, #tpu.memory_space<hbm>>
      %dma_wait3A_165 = arith.constant 0 : i32
      %dma_wait3A_166 = tpu.memref_slice %arg9[%mul3A_0, %dma_wait3A_165] : memref<5120x128xf32, #tpu.memory_space<vmem_shared>> -> memref<320x128xf32, #tpu.memory_space<vmem_shared>>
      tpu.wait_dma2 semaphore(%run_scoped3A : memref<!tpu.dma_semaphore, #tpu.memory_space<semaphore_mem>>) src(%dma_wait3A_166 : memref<320x128xf32, #tpu.memory_space<vmem_shared>>) dst(%dma_wait3A_164 : memref<320x128xf32, #tpu.memory_space<hbm>>)
      tpu.yield
    }) : () -> ()
    %barrier3A_77 = arith.constant 0 : index
    tpu.barrier barrier_id(%barrier3A_77)
    %mul3A_78 = arith.constant 10240 : i32
    %mul3A_79 = arith.muli %arg0, %mul3A_78 : i32
    %add3A_80 = arith.constant 5120 : i32
    %add3A_81 = arith.addi %mul3A_79, %add3A_80 : i32
    %add3A_82 = arith.addi %add3A_81, %mul3A_0 : i32
    "tpu.region"() ({
      %run_scoped3A = tpu.sem_alloc : memref<!tpu.dma_semaphore, #tpu.memory_space<semaphore_mem>>
      %dma_start3A_160 = arith.constant 0 : i32
      %dma_start3A_161 = tpu.memref_slice %arg9[%mul3A_0, %dma_start3A_160] : memref<5120x128xf32, #tpu.memory_space<vmem_shared>> -> memref<320x128xf32, #tpu.memory_space<vmem_shared>>
      %dma_start3A_162 = arith.constant 0 : i32
      %dma_start3A_163 = tpu.memref_slice %arg2[%add3A_82, %dma_start3A_162] : memref<20480x128xf32, #tpu.memory_space<hbm>> -> memref<320x128xf32, #tpu.memory_space<hbm>>
      tpu.enqueue_dma source(%dma_start3A_163 : memref<320x128xf32, #tpu.memory_space<hbm>>) target(%dma_start3A_161 : memref<320x128xf32, #tpu.memory_space<vmem_shared>>) target_semaphore(%run_scoped3A : memref<!tpu.dma_semaphore, #tpu.memory_space<semaphore_mem>>)
      %dma_wait3A = arith.constant 0 : i32
      %dma_wait3A_164 = tpu.memref_slice %arg9[%mul3A_0, %dma_wait3A] : memref<5120x128xf32, #tpu.memory_space<vmem_shared>> -> memref<320x128xf32, #tpu.memory_space<vmem_shared>>
      %dma_wait3A_165 = arith.constant 0 : i32
      %dma_wait3A_166 = tpu.memref_slice %arg2[%add3A_82, %dma_wait3A_165] : memref<20480x128xf32, #tpu.memory_space<hbm>> -> memref<320x128xf32, #tpu.memory_space<hbm>>
      tpu.wait_dma2 semaphore(%run_scoped3A : memref<!tpu.dma_semaphore, #tpu.memory_space<semaphore_mem>>) src(%dma_wait3A_166 : memref<320x128xf32, #tpu.memory_space<hbm>>) dst(%dma_wait3A_164 : memref<320x128xf32, #tpu.memory_space<vmem_shared>>)
      tpu.yield
    }) : () -> ()
    %barrier3A_83 = arith.constant 0 : index
    tpu.barrier barrier_id(%barrier3A_83)
    %add3A_84 = arith.constant 2 : i32
    %add3A_85 = arith.addi %add3A_84, %arg0 : i32
    %mul3A_86 = arith.constant 1280 : i32
    %mul3A_87 = arith.muli %add3A_85, %mul3A_86 : i32
    %mul3A_88 = arith.constant 80 : i32
    %mul3A_89 = arith.muli %arg1, %mul3A_88 : i32
    %add3A_90 = arith.addi %mul3A_87, %mul3A_89 : i32
    "tpu.region"() ({
      %run_scoped3A = tpu.sem_alloc : memref<!tpu.dma_semaphore, #tpu.memory_space<semaphore_mem>>
      %dma_start3A_160 = arith.constant 0 : i32
      %dma_start3A_161 = tpu.memref_slice %arg3[%add3A_90, %dma_start3A_160] : memref<5120x128xi32, #tpu.memory_space<hbm>> -> memref<80x128xi32, #tpu.memory_space<hbm>>
      %dma_start3A_162 = arith.constant 0 : i32
      %dma_start3A_163 = tpu.memref_slice %arg3[%add3A_90, %dma_start3A_162] : memref<5120x128xi32, #tpu.memory_space<hbm>> -> memref<80x128xi32, #tpu.memory_space<hbm>>
      tpu.enqueue_dma source(%dma_start3A_163 : memref<80x128xi32, #tpu.memory_space<hbm>>) target(%arg6 : memref<80x128xi32, #tpu.memory_space<vmem>>) target_semaphore(%run_scoped3A : memref<!tpu.dma_semaphore, #tpu.memory_space<semaphore_mem>>)
      %dma_wait3A = arith.constant 0 : i32
      %dma_wait3A_164 = tpu.memref_slice %arg3[%add3A_90, %dma_wait3A] : memref<5120x128xi32, #tpu.memory_space<hbm>> -> memref<80x128xi32, #tpu.memory_space<hbm>>
      %dma_wait3A_165 = arith.constant 0 : i32
      %dma_wait3A_166 = tpu.memref_slice %arg3[%add3A_90, %dma_wait3A_165] : memref<5120x128xi32, #tpu.memory_space<hbm>> -> memref<80x128xi32, #tpu.memory_space<hbm>>
      tpu.wait_dma2 semaphore(%run_scoped3A : memref<!tpu.dma_semaphore, #tpu.memory_space<semaphore_mem>>) src(%dma_wait3A_166 : memref<80x128xi32, #tpu.memory_space<hbm>>) dst(%arg6 : memref<80x128xi32, #tpu.memory_space<vmem>>)
      tpu.yield
    }) : () -> ()
    %mul3A_91 = arith.constant 80 : i32
    %mul3A_92 = arith.muli %arg1, %mul3A_91 : i32
    %add3A_93 = arith.constant 1280 : i32
    %add3A_94 = arith.addi %add3A_93, %mul3A_92 : i32
    "tpu.region"() ({
      %run_scoped3A = tpu.sem_alloc : memref<!tpu.dma_semaphore, #tpu.memory_space<semaphore_mem>>
      %dma_start3A_160 = arith.constant 0 : i32
      %dma_start3A_161 = tpu.memref_slice %arg4[%add3A_94, %dma_start3A_160] : memref<2560x128xi32, #tpu.memory_space<hbm>> -> memref<80x128xi32, #tpu.memory_space<hbm>>
      %dma_start3A_162 = arith.constant 0 : i32
      %dma_start3A_163 = tpu.memref_slice %arg4[%add3A_94, %dma_start3A_162] : memref<2560x128xi32, #tpu.memory_space<hbm>> -> memref<80x128xi32, #tpu.memory_space<hbm>>
      tpu.enqueue_dma source(%dma_start3A_163 : memref<80x128xi32, #tpu.memory_space<hbm>>) target(%arg7 : memref<80x128xi32, #tpu.memory_space<vmem>>) target_semaphore(%run_scoped3A : memref<!tpu.dma_semaphore, #tpu.memory_space<semaphore_mem>>)
      %dma_wait3A = arith.constant 0 : i32
      %dma_wait3A_164 = tpu.memref_slice %arg4[%add3A_94, %dma_wait3A] : memref<2560x128xi32, #tpu.memory_space<hbm>> -> memref<80x128xi32, #tpu.memory_space<hbm>>
      %dma_wait3A_165 = arith.constant 0 : i32
      %dma_wait3A_166 = tpu.memref_slice %arg4[%add3A_94, %dma_wait3A_165] : memref<2560x128xi32, #tpu.memory_space<hbm>> -> memref<80x128xi32, #tpu.memory_space<hbm>>
      tpu.wait_dma2 semaphore(%run_scoped3A : memref<!tpu.dma_semaphore, #tpu.memory_space<semaphore_mem>>) src(%dma_wait3A_166 : memref<80x128xi32, #tpu.memory_space<hbm>>) dst(%arg7 : memref<80x128xi32, #tpu.memory_space<vmem>>)
      tpu.yield
    }) : () -> ()
    %rem3A_95 = arith.constant 0 : i32
    %rem3A_96 = arith.constant 4 : i32
    %rem3A_97 = arith.remsi %rem3A_95, %rem3A_96 : i32
    %dma_start3A_98 = arith.constant 0 : i32
    %dma_start3A_99 = arith.constant 0 : i32
    %dma_start3A_100 = arith.constant 0 : i32
    %dma_start3A_101 = tpu.memref_slice %arg8[%rem3A_97, %dma_start3A_99, %dma_start3A_100] : memref<4x128x128xf32, #tpu.memory_space<vmem>> -> memref<1x128x128xf32, #tpu.memory_space<vmem>>
    %dma_start3A_102 = tpu.memref_squeeze %dma_start3A_101 : memref<1x128x128xf32, #tpu.memory_space<vmem>> -> memref<128x128xf32, #tpu.memory_space<vmem>>
    %dma_start3A_103 = arith.constant 0 : i32
    %dma_start3A_104 = tpu.memref_slice %arg6[%dma_start3A_98, %dma_start3A_103] : memref<80x128xi32, #tpu.memory_space<vmem>> -> memref<1x128xi32, #tpu.memory_space<vmem>>
    %dma_start3A_105 = tpu.memref_squeeze %dma_start3A_104 : memref<1x128xi32, #tpu.memory_space<vmem>> -> memref<128xi32, #tpu.memory_space<vmem>>
    %dma_start3A_106 = arith.constant 0 : i32
    %dma_start3A_107 = arith.constant 0 : i32
    %dma_start3A_108 = tpu.memref_slice %arg2[%dma_start3A_106, %dma_start3A_107] : memref<20480x128xf32, #tpu.memory_space<hbm>> -> memref<20480x128xf32, #tpu.memory_space<hbm>>
    %dma_start3A_109 = arith.constant -1 : i32
    %dma_start3A_110 = tpu.memref_slice %arg10[%rem3A_97] : memref<4x!tpu.dma_semaphore, #tpu.memory_space<semaphore_mem>> -> memref<1x!tpu.dma_semaphore, #tpu.memory_space<semaphore_mem>>
    %dma_start3A_111 = tpu.memref_squeeze %dma_start3A_110 : memref<1x!tpu.dma_semaphore, #tpu.memory_space<semaphore_mem>> -> memref<!tpu.dma_semaphore, #tpu.memory_space<semaphore_mem>>
    tpu.enqueue_indirect_dma source(%dma_start3A_108 : memref<20480x128xf32, #tpu.memory_space<hbm>>) target(%dma_start3A_102 : memref<128x128xf32, #tpu.memory_space<vmem>>) offsets(%dma_start3A_105 : memref<128xi32, #tpu.memory_space<vmem>>) offset_filter(%dma_start3A_109) semaphore(%dma_start3A_111 : memref<!tpu.dma_semaphore, #tpu.memory_space<semaphore_mem>>)
    %rem3A_112 = arith.constant 1 : i32
    %rem3A_113 = arith.constant 4 : i32
    %rem3A_114 = arith.remsi %rem3A_112, %rem3A_113 : i32
    %dma_start3A_115 = arith.constant 1 : i32
    %dma_start3A_116 = arith.constant 0 : i32
    %dma_start3A_117 = arith.constant 0 : i32
    %dma_start3A_118 = tpu.memref_slice %arg8[%rem3A_114, %dma_start3A_116, %dma_start3A_117] : memref<4x128x128xf32, #tpu.memory_space<vmem>> -> memref<1x128x128xf32, #tpu.memory_space<vmem>>
    %dma_start3A_119 = tpu.memref_squeeze %dma_start3A_118 : memref<1x128x128xf32, #tpu.memory_space<vmem>> -> memref<128x128xf32, #tpu.memory_space<vmem>>
    %dma_start3A_120 = arith.constant 0 : i32
    %dma_start3A_121 = tpu.memref_slice %arg6[%dma_start3A_115, %dma_start3A_120] : memref<80x128xi32, #tpu.memory_space<vmem>> -> memref<1x128xi32, #tpu.memory_space<vmem>>
    %dma_start3A_122 = tpu.memref_squeeze %dma_start3A_121 : memref<1x128xi32, #tpu.memory_space<vmem>> -> memref<128xi32, #tpu.memory_space<vmem>>
    %dma_start3A_123 = arith.constant 0 : i32
    %dma_start3A_124 = arith.constant 0 : i32
    %dma_start3A_125 = tpu.memref_slice %arg2[%dma_start3A_123, %dma_start3A_124] : memref<20480x128xf32, #tpu.memory_space<hbm>> -> memref<20480x128xf32, #tpu.memory_space<hbm>>
    %dma_start3A_126 = arith.constant -1 : i32
    %dma_start3A_127 = tpu.memref_slice %arg10[%rem3A_114] : memref<4x!tpu.dma_semaphore, #tpu.memory_space<semaphore_mem>> -> memref<1x!tpu.dma_semaphore, #tpu.memory_space<semaphore_mem>>
    %dma_start3A_128 = tpu.memref_squeeze %dma_start3A_127 : memref<1x!tpu.dma_semaphore, #tpu.memory_space<semaphore_mem>> -> memref<!tpu.dma_semaphore, #tpu.memory_space<semaphore_mem>>
    tpu.enqueue_indirect_dma source(%dma_start3A_125 : memref<20480x128xf32, #tpu.memory_space<hbm>>) target(%dma_start3A_119 : memref<128x128xf32, #tpu.memory_space<vmem>>) offsets(%dma_start3A_122 : memref<128xi32, #tpu.memory_space<vmem>>) offset_filter(%dma_start3A_126) semaphore(%dma_start3A_128 : memref<!tpu.dma_semaphore, #tpu.memory_space<semaphore_mem>>)
    %rem3A_129 = arith.constant 2 : i32
    %rem3A_130 = arith.constant 4 : i32
    %rem3A_131 = arith.remsi %rem3A_129, %rem3A_130 : i32
    %dma_start3A_132 = arith.constant 2 : i32
    %dma_start3A_133 = arith.constant 0 : i32
    %dma_start3A_134 = arith.constant 0 : i32
    %dma_start3A_135 = tpu.memref_slice %arg8[%rem3A_131, %dma_start3A_133, %dma_start3A_134] : memref<4x128x128xf32, #tpu.memory_space<vmem>> -> memref<1x128x128xf32, #tpu.memory_space<vmem>>
    %dma_start3A_136 = tpu.memref_squeeze %dma_start3A_135 : memref<1x128x128xf32, #tpu.memory_space<vmem>> -> memref<128x128xf32, #tpu.memory_space<vmem>>
    %dma_start3A_137 = arith.constant 0 : i32
    %dma_start3A_138 = tpu.memref_slice %arg6[%dma_start3A_132, %dma_start3A_137] : memref<80x128xi32, #tpu.memory_space<vmem>> -> memref<1x128xi32, #tpu.memory_space<vmem>>
    %dma_start3A_139 = tpu.memref_squeeze %dma_start3A_138 : memref<1x128xi32, #tpu.memory_space<vmem>> -> memref<128xi32, #tpu.memory_space<vmem>>
    %dma_start3A_140 = arith.constant 0 : i32
    %dma_start3A_141 = arith.constant 0 : i32
    %dma_start3A_142 = tpu.memref_slice %arg2[%dma_start3A_140, %dma_start3A_141] : memref<20480x128xf32, #tpu.memory_space<hbm>> -> memref<20480x128xf32, #tpu.memory_space<hbm>>
    %dma_start3A_143 = arith.constant -1 : i32
    %dma_start3A_144 = tpu.memref_slice %arg10[%rem3A_131] : memref<4x!tpu.dma_semaphore, #tpu.memory_space<semaphore_mem>> -> memref<1x!tpu.dma_semaphore, #tpu.memory_space<semaphore_mem>>
    %dma_start3A_145 = tpu.memref_squeeze %dma_start3A_144 : memref<1x!tpu.dma_semaphore, #tpu.memory_space<semaphore_mem>> -> memref<!tpu.dma_semaphore, #tpu.memory_space<semaphore_mem>>
    tpu.enqueue_indirect_dma source(%dma_start3A_142 : memref<20480x128xf32, #tpu.memory_space<hbm>>) target(%dma_start3A_136 : memref<128x128xf32, #tpu.memory_space<vmem>>) offsets(%dma_start3A_139 : memref<128xi32, #tpu.memory_space<vmem>>) offset_filter(%dma_start3A_143) semaphore(%dma_start3A_145 : memref<!tpu.dma_semaphore, #tpu.memory_space<semaphore_mem>>)
    %scan3A_146 = arith.constant 0 : i32
    %scan3A_147 = arith.constant 0 : i32
    %scan3A_148 = arith.constant 80 : i32
    %scan3A_149 = arith.addi %scan3A_147, %scan3A_148 : i32
    %scan3A_150 = arith.constant 1 : i32
    %scan3A_151 = scf.for %scan3A_160 = %scan3A_147 to %scan3A_149 step %scan3A_150 iter_args(%scan3A_161 = %scan3A_146) -> (i32)  : i32 {
      %rem3A_162 = arith.constant 4 : i32
      %rem3A_163 = arith.remsi %scan3A_160, %rem3A_162 : i32
      %rem3A_164 = arith.constant 4 : i32
      %rem3A_165 = arith.remsi %scan3A_160, %rem3A_164 : i32
      %dma_wait3A = arith.constant 0 : i32
      %dma_wait3A_166 = arith.constant 0 : i32
      %dma_wait3A_167 = tpu.memref_slice %arg8[%rem3A_165, %dma_wait3A, %dma_wait3A_166] : memref<4x128x128xf32, #tpu.memory_space<vmem>> -> memref<1x128x128xf32, #tpu.memory_space<vmem>>
      %dma_wait3A_168 = tpu.memref_squeeze %dma_wait3A_167 : memref<1x128x128xf32, #tpu.memory_space<vmem>> -> memref<128x128xf32, #tpu.memory_space<vmem>>
      %dma_wait3A_169 = arith.constant 0 : i32
      %dma_wait3A_170 = tpu.memref_slice %arg6[%scan3A_160, %dma_wait3A_169] : memref<80x128xi32, #tpu.memory_space<vmem>> -> memref<1x128xi32, #tpu.memory_space<vmem>>
      %dma_wait3A_171 = tpu.memref_squeeze %dma_wait3A_170 : memref<1x128xi32, #tpu.memory_space<vmem>> -> memref<128xi32, #tpu.memory_space<vmem>>
      %dma_wait3A_172 = arith.constant 0 : i32
      %dma_wait3A_173 = arith.constant 0 : i32
      %dma_wait3A_174 = tpu.memref_slice %arg2[%dma_wait3A_172, %dma_wait3A_173] : memref<20480x128xf32, #tpu.memory_space<hbm>> -> memref<20480x128xf32, #tpu.memory_space<hbm>>
      %dma_wait3A_175 = tpu.memref_slice %arg10[%rem3A_165] : memref<4x!tpu.dma_semaphore, #tpu.memory_space<semaphore_mem>> -> memref<1x!tpu.dma_semaphore, #tpu.memory_space<semaphore_mem>>
      %dma_wait3A_176 = tpu.memref_squeeze %dma_wait3A_175 : memref<1x!tpu.dma_semaphore, #tpu.memory_space<semaphore_mem>> -> memref<!tpu.dma_semaphore, #tpu.memory_space<semaphore_mem>>
      tpu.wait_indirect_dma semaphore(%dma_wait3A_176 : memref<!tpu.dma_semaphore, #tpu.memory_space<semaphore_mem>>) src(%dma_wait3A_174 : memref<20480x128xf32, #tpu.memory_space<hbm>>) dst(%dma_wait3A_168 : memref<128x128xf32, #tpu.memory_space<vmem>>)
      %lt3A = arith.constant 77 : i32
      %lt3A_177 = arith.cmpi slt, %scan3A_160, %lt3A : i32
      %convert_element_type3A = arith.extui %lt3A_177 : i1 to i32
      %cond3A = arith.constant 0 : i32
      %cond3A_178 = arith.cmpi ne, %convert_element_type3A, %cond3A : i32
      scf.if %cond3A_178 {
        %add3A_180 = arith.constant 3 : i32
        %add3A_181 = arith.addi %scan3A_160, %add3A_180 : i32
        %rem3A_182 = arith.constant 4 : i32
        %rem3A_183 = arith.remsi %add3A_181, %rem3A_182 : i32
        %dma_start3A_184 = arith.constant 0 : i32
        %dma_start3A_185 = arith.constant 0 : i32
        %dma_start3A_186 = tpu.memref_slice %arg8[%rem3A_183, %dma_start3A_184, %dma_start3A_185] : memref<4x128x128xf32, #tpu.memory_space<vmem>> -> memref<1x128x128xf32, #tpu.memory_space<vmem>>
        %dma_start3A_187 = tpu.memref_squeeze %dma_start3A_186 : memref<1x128x128xf32, #tpu.memory_space<vmem>> -> memref<128x128xf32, #tpu.memory_space<vmem>>
        %dma_start3A_188 = arith.constant 0 : i32
        %dma_start3A_189 = tpu.memref_slice %arg6[%add3A_181, %dma_start3A_188] : memref<80x128xi32, #tpu.memory_space<vmem>> -> memref<1x128xi32, #tpu.memory_space<vmem>>
        %dma_start3A_190 = tpu.memref_squeeze %dma_start3A_189 : memref<1x128xi32, #tpu.memory_space<vmem>> -> memref<128xi32, #tpu.memory_space<vmem>>
        %dma_start3A_191 = arith.constant 0 : i32
        %dma_start3A_192 = arith.constant 0 : i32
        %dma_start3A_193 = tpu.memref_slice %arg2[%dma_start3A_191, %dma_start3A_192] : memref<20480x128xf32, #tpu.memory_space<hbm>> -> memref<20480x128xf32, #tpu.memory_space<hbm>>
        %dma_start3A_194 = arith.constant -1 : i32
        %dma_start3A_195 = tpu.memref_slice %arg10[%rem3A_183] : memref<4x!tpu.dma_semaphore, #tpu.memory_space<semaphore_mem>> -> memref<1x!tpu.dma_semaphore, #tpu.memory_space<semaphore_mem>>
        %dma_start3A_196 = tpu.memref_squeeze %dma_start3A_195 : memref<1x!tpu.dma_semaphore, #tpu.memory_space<semaphore_mem>> -> memref<!tpu.dma_semaphore, #tpu.memory_space<semaphore_mem>>
        tpu.enqueue_indirect_dma source(%dma_start3A_193 : memref<20480x128xf32, #tpu.memory_space<hbm>>) target(%dma_start3A_187 : memref<128x128xf32, #tpu.memory_space<vmem>>) offsets(%dma_start3A_190 : memref<128xi32, #tpu.memory_space<vmem>>) offset_filter(%dma_start3A_194) semaphore(%dma_start3A_196 : memref<!tpu.dma_semaphore, #tpu.memory_space<semaphore_mem>>)
      } else {
      }
      "tpu.region"() ({
        %run_scoped3A = tpu.sem_alloc : memref<!tpu.dma_semaphore, #tpu.memory_space<semaphore_mem>>
        %dma_start3A_180 = arith.constant 0 : i32
        %dma_start3A_181 = arith.constant 0 : i32
        %dma_start3A_182 = tpu.memref_slice %arg8[%rem3A_163, %dma_start3A_180, %dma_start3A_181] : memref<4x128x128xf32, #tpu.memory_space<vmem>> -> memref<1x128x128xf32, #tpu.memory_space<vmem>>
        %dma_start3A_183 = tpu.memref_squeeze %dma_start3A_182 : memref<1x128x128xf32, #tpu.memory_space<vmem>> -> memref<128x128xf32, #tpu.memory_space<vmem>>
        %dma_start3A_184 = arith.constant 0 : i32
        %dma_start3A_185 = tpu.memref_slice %arg7[%scan3A_160, %dma_start3A_184] : memref<80x128xi32, #tpu.memory_space<vmem>> -> memref<1x128xi32, #tpu.memory_space<vmem>>
        %dma_start3A_186 = tpu.memref_squeeze %dma_start3A_185 : memref<1x128xi32, #tpu.memory_space<vmem>> -> memref<128xi32, #tpu.memory_space<vmem>>
        %dma_start3A_187 = arith.constant 0 : i32
        %dma_start3A_188 = arith.constant 0 : i32
        %dma_start3A_189 = tpu.memref_slice %arg9[%dma_start3A_187, %dma_start3A_188] : memref<5120x128xf32, #tpu.memory_space<vmem_shared>> -> memref<5120x128xf32, #tpu.memory_space<vmem_shared>>
        %dma_start3A_190 = arith.constant -1 : i32
        tpu.enqueue_indirect_dma source(%dma_start3A_183 : memref<128x128xf32, #tpu.memory_space<vmem>>) target(%dma_start3A_189 : memref<5120x128xf32, #tpu.memory_space<vmem_shared>>) offsets(%dma_start3A_186 : memref<128xi32, #tpu.memory_space<vmem>>) offset_filter(%dma_start3A_190) semaphore(%run_scoped3A : memref<!tpu.dma_semaphore, #tpu.memory_space<semaphore_mem>>) {add = true}
        %dma_wait3A_191 = arith.constant 0 : i32
        %dma_wait3A_192 = arith.constant 0 : i32
        %dma_wait3A_193 = tpu.memref_slice %arg8[%rem3A_163, %dma_wait3A_191, %dma_wait3A_192] : memref<4x128x128xf32, #tpu.memory_space<vmem>> -> memref<1x128x128xf32, #tpu.memory_space<vmem>>
        %dma_wait3A_194 = tpu.memref_squeeze %dma_wait3A_193 : memref<1x128x128xf32, #tpu.memory_space<vmem>> -> memref<128x128xf32, #tpu.memory_space<vmem>>
        %dma_wait3A_195 = arith.constant 0 : i32
        %dma_wait3A_196 = tpu.memref_slice %arg7[%scan3A_160, %dma_wait3A_195] : memref<80x128xi32, #tpu.memory_space<vmem>> -> memref<1x128xi32, #tpu.memory_space<vmem>>
        %dma_wait3A_197 = tpu.memref_squeeze %dma_wait3A_196 : memref<1x128xi32, #tpu.memory_space<vmem>> -> memref<128xi32, #tpu.memory_space<vmem>>
        %dma_wait3A_198 = arith.constant 0 : i32
        %dma_wait3A_199 = arith.constant 0 : i32
        %dma_wait3A_200 = tpu.memref_slice %arg9[%dma_wait3A_198, %dma_wait3A_199] : memref<5120x128xf32, #tpu.memory_space<vmem_shared>> -> memref<5120x128xf32, #tpu.memory_space<vmem_shared>>
        tpu.wait_indirect_dma semaphore(%run_scoped3A : memref<!tpu.dma_semaphore, #tpu.memory_space<semaphore_mem>>) src(%dma_wait3A_194 : memref<128x128xf32, #tpu.memory_space<vmem>>) dst(%dma_wait3A_200 : memref<5120x128xf32, #tpu.memory_space<vmem_shared>>)
        tpu.yield
      }) : () -> ()
      %scan3A_179 = arith.constant 0 : i32
      scf.yield %scan3A_179 : i32
    }
    %scan3A_152 = arith.constant 80 : i32
    %barrier3A_153 = arith.constant 0 : index
    tpu.barrier barrier_id(%barrier3A_153)
    %mul3A_154 = arith.constant 10240 : i32
    %mul3A_155 = arith.muli %arg0, %mul3A_154 : i32
    %add3A_156 = arith.constant 5120 : i32
    %add3A_157 = arith.addi %mul3A_155, %add3A_156 : i32
    %add3A_158 = arith.addi %add3A_157, %mul3A_0 : i32
    "tpu.region"() ({
      %run_scoped3A = tpu.sem_alloc : memref<!tpu.dma_semaphore, #tpu.memory_space<semaphore_mem>>
      %dma_start3A_160 = arith.constant 0 : i32
      %dma_start3A_161 = tpu.memref_slice %arg5[%add3A_158, %dma_start3A_160] : memref<20480x128xf32, #tpu.memory_space<hbm>> -> memref<320x128xf32, #tpu.memory_space<hbm>>
      %dma_start3A_162 = arith.constant 0 : i32
      %dma_start3A_163 = tpu.memref_slice %arg9[%mul3A_0, %dma_start3A_162] : memref<5120x128xf32, #tpu.memory_space<vmem_shared>> -> memref<320x128xf32, #tpu.memory_space<vmem_shared>>
      tpu.enqueue_dma source(%dma_start3A_163 : memref<320x128xf32, #tpu.memory_space<vmem_shared>>) target(%dma_start3A_161 : memref<320x128xf32, #tpu.memory_space<hbm>>) target_semaphore(%run_scoped3A : memref<!tpu.dma_semaphore, #tpu.memory_space<semaphore_mem>>)
      %dma_wait3A = arith.constant 0 : i32
      %dma_wait3A_164 = tpu.memref_slice %arg5[%add3A_158, %dma_wait3A] : memref<20480x128xf32, #tpu.memory_space<hbm>> -> memref<320x128xf32, #tpu.memory_space<hbm>>
      %dma_wait3A_165 = arith.constant 0 : i32
      %dma_wait3A_166 = tpu.memref_slice %arg9[%mul3A_0, %dma_wait3A_165] : memref<5120x128xf32, #tpu.memory_space<vmem_shared>> -> memref<320x128xf32, #tpu.memory_space<vmem_shared>>
      tpu.wait_dma2 semaphore(%run_scoped3A : memref<!tpu.dma_semaphore, #tpu.memory_space<semaphore_mem>>) src(%dma_wait3A_166 : memref<320x128xf32, #tpu.memory_space<vmem_shared>>) dst(%dma_wait3A_164 : memref<320x128xf32, #tpu.memory_space<hbm>>)
      tpu.yield
    }) : () -> ()
    %barrier3A_159 = arith.constant 0 : index
    tpu.barrier barrier_id(%barrier3A_159)
    return
  }
}

#map = affine_map<(d0, d1) -> (0, 0)>
module attributes {stable_mosaic.version = 14 : i64} {
  func.func @_scatter(%arg0: i32, %arg1: i32, %arg2: memref<20480x128xf32, #tpu.memory_space<hbm>>, %arg3: memref<5120x128xi32, #tpu.memory_space<hbm>>, %arg4: memref<2560x128xi32, #tpu.memory_space<hbm>>, %arg5: memref<20480x128xf32, #tpu.memory_space<hbm>>, %arg6: memref<80x128xi32, #tpu.memory_space<vmem>>, %arg7: memref<80x128xi32, #tpu.memory_space<vmem>>, %arg8: memref<4x128x128xf32, #tpu.memory_space<vmem>>, %arg9: memref<5120x128xf32, #tpu.memory_space<vmem_shared>>, %arg10: memref<4x!tpu.dma_semaphore, #tpu.memory_space<semaphore_mem>>) attributes {dimension_semantics = [#tpu.dimension_semantics<core_parallel>, #tpu.dimension_semantics<subcore_parallel>], iteration_bounds = array<i64: 2, 16>, scalar_prefetch = 0 : i64, scratch_operands = 5 : i64, tpu.core_type = #tpu.core_type<sc_vector_subcore>, window_params = [{transform_indices = #map}, {transform_indices = #map}, {transform_indices = #map}, {transform_indices = #map}]} {
    %mul3A = arith.constant 320 : i32
    %mul3A_0 = arith.muli %arg1, %mul3A : i32
    %mul3A_1 = arith.constant 10240 : i32
    %mul3A_2 = arith.muli %arg0, %mul3A_1 : i32
    %add3A = arith.constant 0 : i32
    %add3A_3 = arith.addi %mul3A_2, %add3A : i32
    %add3A_4 = arith.addi %add3A_3, %mul3A_0 : i32
    "tpu.region"() ({
      %run_scoped3A = tpu.sem_alloc : memref<!tpu.dma_semaphore, #tpu.memory_space<semaphore_mem>>
      %dma_start3A_160 = arith.constant 0 : i32
      %dma_start3A_161 = tpu.memref_slice %arg9[%mul3A_0, %dma_start3A_160] : memref<5120x128xf32, #tpu.memory_space<vmem_shared>> -> memref<320x128xf32, #tpu.memory_space<vmem_shared>>
      %dma_start3A_162 = arith.constant 0 : i32
      %dma_start3A_163 = tpu.memref_slice %arg2[%add3A_4, %dma_start3A_162] : memref<20480x128xf32, #tpu.memory_space<hbm>> -> memref<320x128xf32, #tpu.memory_space<hbm>>
      tpu.enqueue_dma source(%dma_start3A_163 : memref<320x128xf32, #tpu.memory_space<hbm>>) target(%dma_start3A_161 : memref<320x128xf32, #tpu.memory_space<vmem_shared>>) target_semaphore(%run_scoped3A : memref<!tpu.dma_semaphore, #tpu.memory_space<semaphore_mem>>)
      %dma_wait3A = arith.constant 0 : i32
      %dma_wait3A_164 = tpu.memref_slice %arg9[%mul3A_0, %dma_wait3A] : memref<5120x128xf32, #tpu.memory_space<vmem_shared>> -> memref<320x128xf32, #tpu.memory_space<vmem_shared>>
      %dma_wait3A_165 = arith.constant 0 : i32
      %dma_wait3A_166 = tpu.memref_slice %arg2[%add3A_4, %dma_wait3A_165] : memref<20480x128xf32, #tpu.memory_space<hbm>> -> memref<320x128xf32, #tpu.memory_space<hbm>>
      tpu.wait_dma2 semaphore(%run_scoped3A : memref<!tpu.dma_semaphore, #tpu.memory_space<semaphore_mem>>) src(%dma_wait3A_166 : memref<320x128xf32, #tpu.memory_space<hbm>>) dst(%dma_wait3A_164 : memref<320x128xf32, #tpu.memory_space<vmem_shared>>)
      tpu.yield
    }) : () -> ()
    %barrier3A = arith.constant 0 : index
    tpu.barrier barrier_id(%barrier3A)
    %add3A_5 = arith.constant 0 : i32
    %add3A_6 = arith.addi %add3A_5, %arg0 : i32
    %mul3A_7 = arith.constant 1280 : i32
    %mul3A_8 = arith.muli %add3A_6, %mul3A_7 : i32
    %mul3A_9 = arith.constant 80 : i32
    %mul3A_10 = arith.muli %arg1, %mul3A_9 : i32
    %add3A_11 = arith.addi %mul3A_8, %mul3A_10 : i32
    "tpu.region"() ({
      %run_scoped3A = tpu.sem_alloc : memref<!tpu.dma_semaphore, #tpu.memory_space<semaphore_mem>>
      %dma_start3A_160 = arith.constant 0 : i32
      %dma_start3A_161 = tpu.memref_slice %arg3[%add3A_11, %dma_start3A_160] : memref<5120x128xi32, #tpu.memory_space<hbm>> -> memref<80x128xi32, #tpu.memory_space<hbm>>
      %dma_start3A_162 = arith.constant 0 : i32
      %dma_start3A_163 = tpu.memref_slice %arg3[%add3A_11, %dma_start3A_162] : memref<5120x128xi32, #tpu.memory_space<hbm>> -> memref<80x128xi32, #tpu.memory_space<hbm>>
      tpu.enqueue_dma source(%dma_start3A_163 : memref<80x128xi32, #tpu.memory_space<hbm>>) target(%arg6 : memref<80x128xi32, #tpu.memory_space<vmem>>) target_semaphore(%run_scoped3A : memref<!tpu.dma_semaphore, #tpu.memory_space<semaphore_mem>>)
      %dma_wait3A = arith.constant 0 : i32
      %dma_wait3A_164 = tpu.memref_slice %arg3[%add3A_11, %dma_wait3A] : memref<5120x128xi32, #tpu.memory_space<hbm>> -> memref<80x128xi32, #tpu.memory_space<hbm>>
      %dma_wait3A_165 = arith.constant 0 : i32
      %dma_wait3A_166 = tpu.memref_slice %arg3[%add3A_11, %dma_wait3A_165] : memref<5120x128xi32, #tpu.memory_space<hbm>> -> memref<80x128xi32, #tpu.memory_space<hbm>>
      tpu.wait_dma2 semaphore(%run_scoped3A : memref<!tpu.dma_semaphore, #tpu.memory_space<semaphore_mem>>) src(%dma_wait3A_166 : memref<80x128xi32, #tpu.memory_space<hbm>>) dst(%arg6 : memref<80x128xi32, #tpu.memory_space<vmem>>)
      tpu.yield
    }) : () -> ()
    %mul3A_12 = arith.constant 80 : i32
    %mul3A_13 = arith.muli %arg1, %mul3A_12 : i32
    %add3A_14 = arith.constant 0 : i32
    %add3A_15 = arith.addi %add3A_14, %mul3A_13 : i32
    "tpu.region"() ({
      %run_scoped3A = tpu.sem_alloc : memref<!tpu.dma_semaphore, #tpu.memory_space<semaphore_mem>>
      %dma_start3A_160 = arith.constant 0 : i32
      %dma_start3A_161 = tpu.memref_slice %arg4[%add3A_15, %dma_start3A_160] : memref<2560x128xi32, #tpu.memory_space<hbm>> -> memref<80x128xi32, #tpu.memory_space<hbm>>
      %dma_start3A_162 = arith.constant 0 : i32
      %dma_start3A_163 = tpu.memref_slice %arg4[%add3A_15, %dma_start3A_162] : memref<2560x128xi32, #tpu.memory_space<hbm>> -> memref<80x128xi32, #tpu.memory_space<hbm>>
      tpu.enqueue_dma source(%dma_start3A_163 : memref<80x128xi32, #tpu.memory_space<hbm>>) target(%arg7 : memref<80x128xi32, #tpu.memory_space<vmem>>) target_semaphore(%run_scoped3A : memref<!tpu.dma_semaphore, #tpu.memory_space<semaphore_mem>>)
      %dma_wait3A = arith.constant 0 : i32
      %dma_wait3A_164 = tpu.memref_slice %arg4[%add3A_15, %dma_wait3A] : memref<2560x128xi32, #tpu.memory_space<hbm>> -> memref<80x128xi32, #tpu.memory_space<hbm>>
      %dma_wait3A_165 = arith.constant 0 : i32
      %dma_wait3A_166 = tpu.memref_slice %arg4[%add3A_15, %dma_wait3A_165] : memref<2560x128xi32, #tpu.memory_space<hbm>> -> memref<80x128xi32, #tpu.memory_space<hbm>>
      tpu.wait_dma2 semaphore(%run_scoped3A : memref<!tpu.dma_semaphore, #tpu.memory_space<semaphore_mem>>) src(%dma_wait3A_166 : memref<80x128xi32, #tpu.memory_space<hbm>>) dst(%arg7 : memref<80x128xi32, #tpu.memory_space<vmem>>)
      tpu.yield
    }) : () -> ()
    %rem3A = arith.constant 0 : i32
    %rem3A_16 = arith.constant 4 : i32
    %rem3A_17 = arith.remsi %rem3A, %rem3A_16 : i32
    %dma_start3A = arith.constant 0 : i32
    %dma_start3A_18 = arith.constant 0 : i32
    %dma_start3A_19 = arith.constant 0 : i32
    %dma_start3A_20 = tpu.memref_slice %arg8[%rem3A_17, %dma_start3A_18, %dma_start3A_19] : memref<4x128x128xf32, #tpu.memory_space<vmem>> -> memref<1x128x128xf32, #tpu.memory_space<vmem>>
    %dma_start3A_21 = tpu.memref_squeeze %dma_start3A_20 : memref<1x128x128xf32, #tpu.memory_space<vmem>> -> memref<128x128xf32, #tpu.memory_space<vmem>>
    %dma_start3A_22 = arith.constant 0 : i32
    %dma_start3A_23 = tpu.memref_slice %arg6[%dma_start3A, %dma_start3A_22] : memref<80x128xi32, #tpu.memory_space<vmem>> -> memref<1x128xi32, #tpu.memory_space<vmem>>
    %dma_start3A_24 = tpu.memref_squeeze %dma_start3A_23 : memref<1x128xi32, #tpu.memory_space<vmem>> -> memref<128xi32, #tpu.memory_space<vmem>>
    %dma_start3A_25 = arith.constant 0 : i32
    %dma_start3A_26 = arith.constant 0 : i32
    %dma_start3A_27 = tpu.memref_slice %arg2[%dma_start3A_25, %dma_start3A_26] : memref<20480x128xf32, #tpu.memory_space<hbm>> -> memref<20480x128xf32, #tpu.memory_space<hbm>>
    %dma_start3A_28 = arith.constant -1 : i32
    %dma_start3A_29 = tpu.memref_slice %arg10[%rem3A_17] : memref<4x!tpu.dma_semaphore, #tpu.memory_space<semaphore_mem>> -> memref<1x!tpu.dma_semaphore, #tpu.memory_space<semaphore_mem>>
    %dma_start3A_30 = tpu.memref_squeeze %dma_start3A_29 : memref<1x!tpu.dma_semaphore, #tpu.memory_space<semaphore_mem>> -> memref<!tpu.dma_semaphore, #tpu.memory_space<semaphore_mem>>
    tpu.enqueue_indirect_dma source(%dma_start3A_27 : memref<20480x128xf32, #tpu.memory_space<hbm>>) target(%dma_start3A_21 : memref<128x128xf32, #tpu.memory_space<vmem>>) offsets(%dma_start3A_24 : memref<128xi32, #tpu.memory_space<vmem>>) offset_filter(%dma_start3A_28) semaphore(%dma_start3A_30 : memref<!tpu.dma_semaphore, #tpu.memory_space<semaphore_mem>>)
    %rem3A_31 = arith.constant 1 : i32
    %rem3A_32 = arith.constant 4 : i32
    %rem3A_33 = arith.remsi %rem3A_31, %rem3A_32 : i32
    %dma_start3A_34 = arith.constant 1 : i32
    %dma_start3A_35 = arith.constant 0 : i32
    %dma_start3A_36 = arith.constant 0 : i32
    %dma_start3A_37 = tpu.memref_slice %arg8[%rem3A_33, %dma_start3A_35, %dma_start3A_36] : memref<4x128x128xf32, #tpu.memory_space<vmem>> -> memref<1x128x128xf32, #tpu.memory_space<vmem>>
    %dma_start3A_38 = tpu.memref_squeeze %dma_start3A_37 : memref<1x128x128xf32, #tpu.memory_space<vmem>> -> memref<128x128xf32, #tpu.memory_space<vmem>>
    %dma_start3A_39 = arith.constant 0 : i32
    %dma_start3A_40 = tpu.memref_slice %arg6[%dma_start3A_34, %dma_start3A_39] : memref<80x128xi32, #tpu.memory_space<vmem>> -> memref<1x128xi32, #tpu.memory_space<vmem>>
    %dma_start3A_41 = tpu.memref_squeeze %dma_start3A_40 : memref<1x128xi32, #tpu.memory_space<vmem>> -> memref<128xi32, #tpu.memory_space<vmem>>
    %dma_start3A_42 = arith.constant 0 : i32
    %dma_start3A_43 = arith.constant 0 : i32
    %dma_start3A_44 = tpu.memref_slice %arg2[%dma_start3A_42, %dma_start3A_43] : memref<20480x128xf32, #tpu.memory_space<hbm>> -> memref<20480x128xf32, #tpu.memory_space<hbm>>
    %dma_start3A_45 = arith.constant -1 : i32
    %dma_start3A_46 = tpu.memref_slice %arg10[%rem3A_33] : memref<4x!tpu.dma_semaphore, #tpu.memory_space<semaphore_mem>> -> memref<1x!tpu.dma_semaphore, #tpu.memory_space<semaphore_mem>>
    %dma_start3A_47 = tpu.memref_squeeze %dma_start3A_46 : memref<1x!tpu.dma_semaphore, #tpu.memory_space<semaphore_mem>> -> memref<!tpu.dma_semaphore, #tpu.memory_space<semaphore_mem>>
    tpu.enqueue_indirect_dma source(%dma_start3A_44 : memref<20480x128xf32, #tpu.memory_space<hbm>>) target(%dma_start3A_38 : memref<128x128xf32, #tpu.memory_space<vmem>>) offsets(%dma_start3A_41 : memref<128xi32, #tpu.memory_space<vmem>>) offset_filter(%dma_start3A_45) semaphore(%dma_start3A_47 : memref<!tpu.dma_semaphore, #tpu.memory_space<semaphore_mem>>)
    %rem3A_48 = arith.constant 2 : i32
    %rem3A_49 = arith.constant 4 : i32
    %rem3A_50 = arith.remsi %rem3A_48, %rem3A_49 : i32
    %dma_start3A_51 = arith.constant 2 : i32
    %dma_start3A_52 = arith.constant 0 : i32
    %dma_start3A_53 = arith.constant 0 : i32
    %dma_start3A_54 = tpu.memref_slice %arg8[%rem3A_50, %dma_start3A_52, %dma_start3A_53] : memref<4x128x128xf32, #tpu.memory_space<vmem>> -> memref<1x128x128xf32, #tpu.memory_space<vmem>>
    %dma_start3A_55 = tpu.memref_squeeze %dma_start3A_54 : memref<1x128x128xf32, #tpu.memory_space<vmem>> -> memref<128x128xf32, #tpu.memory_space<vmem>>
    %dma_start3A_56 = arith.constant 0 : i32
    %dma_start3A_57 = tpu.memref_slice %arg6[%dma_start3A_51, %dma_start3A_56] : memref<80x128xi32, #tpu.memory_space<vmem>> -> memref<1x128xi32, #tpu.memory_space<vmem>>
    %dma_start3A_58 = tpu.memref_squeeze %dma_start3A_57 : memref<1x128xi32, #tpu.memory_space<vmem>> -> memref<128xi32, #tpu.memory_space<vmem>>
    %dma_start3A_59 = arith.constant 0 : i32
    %dma_start3A_60 = arith.constant 0 : i32
    %dma_start3A_61 = tpu.memref_slice %arg2[%dma_start3A_59, %dma_start3A_60] : memref<20480x128xf32, #tpu.memory_space<hbm>> -> memref<20480x128xf32, #tpu.memory_space<hbm>>
    %dma_start3A_62 = arith.constant -1 : i32
    %dma_start3A_63 = tpu.memref_slice %arg10[%rem3A_50] : memref<4x!tpu.dma_semaphore, #tpu.memory_space<semaphore_mem>> -> memref<1x!tpu.dma_semaphore, #tpu.memory_space<semaphore_mem>>
    %dma_start3A_64 = tpu.memref_squeeze %dma_start3A_63 : memref<1x!tpu.dma_semaphore, #tpu.memory_space<semaphore_mem>> -> memref<!tpu.dma_semaphore, #tpu.memory_space<semaphore_mem>>
    tpu.enqueue_indirect_dma source(%dma_start3A_61 : memref<20480x128xf32, #tpu.memory_space<hbm>>) target(%dma_start3A_55 : memref<128x128xf32, #tpu.memory_space<vmem>>) offsets(%dma_start3A_58 : memref<128xi32, #tpu.memory_space<vmem>>) offset_filter(%dma_start3A_62) semaphore(%dma_start3A_64 : memref<!tpu.dma_semaphore, #tpu.memory_space<semaphore_mem>>)
    %scan3A = arith.constant 0 : i32
    %scan3A_65 = arith.constant 0 : i32
    %scan3A_66 = arith.constant 80 : i32
    %scan3A_67 = arith.addi %scan3A_65, %scan3A_66 : i32
    %scan3A_68 = arith.constant 1 : i32
    %scan3A_69 = scf.for %scan3A_160 = %scan3A_65 to %scan3A_67 step %scan3A_68 iter_args(%scan3A_161 = %scan3A) -> (i32)  : i32 {
      %rem3A_162 = arith.constant 4 : i32
      %rem3A_163 = arith.remsi %scan3A_160, %rem3A_162 : i32
      %rem3A_164 = arith.constant 4 : i32
      %rem3A_165 = arith.remsi %scan3A_160, %rem3A_164 : i32
      %dma_wait3A = arith.constant 0 : i32
      %dma_wait3A_166 = arith.constant 0 : i32
      %dma_wait3A_167 = tpu.memref_slice %arg8[%rem3A_165, %dma_wait3A, %dma_wait3A_166] : memref<4x128x128xf32, #tpu.memory_space<vmem>> -> memref<1x128x128xf32, #tpu.memory_space<vmem>>
      %dma_wait3A_168 = tpu.memref_squeeze %dma_wait3A_167 : memref<1x128x128xf32, #tpu.memory_space<vmem>> -> memref<128x128xf32, #tpu.memory_space<vmem>>
      %dma_wait3A_169 = arith.constant 0 : i32
      %dma_wait3A_170 = tpu.memref_slice %arg6[%scan3A_160, %dma_wait3A_169] : memref<80x128xi32, #tpu.memory_space<vmem>> -> memref<1x128xi32, #tpu.memory_space<vmem>>
      %dma_wait3A_171 = tpu.memref_squeeze %dma_wait3A_170 : memref<1x128xi32, #tpu.memory_space<vmem>> -> memref<128xi32, #tpu.memory_space<vmem>>
      %dma_wait3A_172 = arith.constant 0 : i32
      %dma_wait3A_173 = arith.constant 0 : i32
      %dma_wait3A_174 = tpu.memref_slice %arg2[%dma_wait3A_172, %dma_wait3A_173] : memref<20480x128xf32, #tpu.memory_space<hbm>> -> memref<20480x128xf32, #tpu.memory_space<hbm>>
      %dma_wait3A_175 = tpu.memref_slice %arg10[%rem3A_165] : memref<4x!tpu.dma_semaphore, #tpu.memory_space<semaphore_mem>> -> memref<1x!tpu.dma_semaphore, #tpu.memory_space<semaphore_mem>>
      %dma_wait3A_176 = tpu.memref_squeeze %dma_wait3A_175 : memref<1x!tpu.dma_semaphore, #tpu.memory_space<semaphore_mem>> -> memref<!tpu.dma_semaphore, #tpu.memory_space<semaphore_mem>>
      tpu.wait_indirect_dma semaphore(%dma_wait3A_176 : memref<!tpu.dma_semaphore, #tpu.memory_space<semaphore_mem>>) src(%dma_wait3A_174 : memref<20480x128xf32, #tpu.memory_space<hbm>>) dst(%dma_wait3A_168 : memref<128x128xf32, #tpu.memory_space<vmem>>)
      %lt3A = arith.constant 77 : i32
      %lt3A_177 = arith.cmpi slt, %scan3A_160, %lt3A : i32
      %convert_element_type3A = arith.extui %lt3A_177 : i1 to i32
      %cond3A = arith.constant 0 : i32
      %cond3A_178 = arith.cmpi ne, %convert_element_type3A, %cond3A : i32
      scf.if %cond3A_178 {
        %add3A_180 = arith.constant 3 : i32
        %add3A_181 = arith.addi %scan3A_160, %add3A_180 : i32
        %rem3A_182 = arith.constant 4 : i32
        %rem3A_183 = arith.remsi %add3A_181, %rem3A_182 : i32
        %dma_start3A_184 = arith.constant 0 : i32
        %dma_start3A_185 = arith.constant 0 : i32
        %dma_start3A_186 = tpu.memref_slice %arg8[%rem3A_183, %dma_start3A_184, %dma_start3A_185] : memref<4x128x128xf32, #tpu.memory_space<vmem>> -> memref<1x128x128xf32, #tpu.memory_space<vmem>>
        %dma_start3A_187 = tpu.memref_squeeze %dma_start3A_186 : memref<1x128x128xf32, #tpu.memory_space<vmem>> -> memref<128x128xf32, #tpu.memory_space<vmem>>
        %dma_start3A_188 = arith.constant 0 : i32
        %dma_start3A_189 = tpu.memref_slice %arg6[%add3A_181, %dma_start3A_188] : memref<80x128xi32, #tpu.memory_space<vmem>> -> memref<1x128xi32, #tpu.memory_space<vmem>>
        %dma_start3A_190 = tpu.memref_squeeze %dma_start3A_189 : memref<1x128xi32, #tpu.memory_space<vmem>> -> memref<128xi32, #tpu.memory_space<vmem>>
        %dma_start3A_191 = arith.constant 0 : i32
        %dma_start3A_192 = arith.constant 0 : i32
        %dma_start3A_193 = tpu.memref_slice %arg2[%dma_start3A_191, %dma_start3A_192] : memref<20480x128xf32, #tpu.memory_space<hbm>> -> memref<20480x128xf32, #tpu.memory_space<hbm>>
        %dma_start3A_194 = arith.constant -1 : i32
        %dma_start3A_195 = tpu.memref_slice %arg10[%rem3A_183] : memref<4x!tpu.dma_semaphore, #tpu.memory_space<semaphore_mem>> -> memref<1x!tpu.dma_semaphore, #tpu.memory_space<semaphore_mem>>
        %dma_start3A_196 = tpu.memref_squeeze %dma_start3A_195 : memref<1x!tpu.dma_semaphore, #tpu.memory_space<semaphore_mem>> -> memref<!tpu.dma_semaphore, #tpu.memory_space<semaphore_mem>>
        tpu.enqueue_indirect_dma source(%dma_start3A_193 : memref<20480x128xf32, #tpu.memory_space<hbm>>) target(%dma_start3A_187 : memref<128x128xf32, #tpu.memory_space<vmem>>) offsets(%dma_start3A_190 : memref<128xi32, #tpu.memory_space<vmem>>) offset_filter(%dma_start3A_194) semaphore(%dma_start3A_196 : memref<!tpu.dma_semaphore, #tpu.memory_space<semaphore_mem>>)
      } else {
      }
      "tpu.region"() ({
        %run_scoped3A = tpu.sem_alloc : memref<!tpu.dma_semaphore, #tpu.memory_space<semaphore_mem>>
        %dma_start3A_180 = arith.constant 0 : i32
        %dma_start3A_181 = arith.constant 0 : i32
        %dma_start3A_182 = tpu.memref_slice %arg8[%rem3A_163, %dma_start3A_180, %dma_start3A_181] : memref<4x128x128xf32, #tpu.memory_space<vmem>> -> memref<1x128x128xf32, #tpu.memory_space<vmem>>
        %dma_start3A_183 = tpu.memref_squeeze %dma_start3A_182 : memref<1x128x128xf32, #tpu.memory_space<vmem>> -> memref<128x128xf32, #tpu.memory_space<vmem>>
        %dma_start3A_184 = arith.constant 0 : i32
        %dma_start3A_185 = tpu.memref_slice %arg7[%scan3A_160, %dma_start3A_184] : memref<80x128xi32, #tpu.memory_space<vmem>> -> memref<1x128xi32, #tpu.memory_space<vmem>>
        %dma_start3A_186 = tpu.memref_squeeze %dma_start3A_185 : memref<1x128xi32, #tpu.memory_space<vmem>> -> memref<128xi32, #tpu.memory_space<vmem>>
        %dma_start3A_187 = arith.constant 0 : i32
        %dma_start3A_188 = arith.constant 0 : i32
        %dma_start3A_189 = tpu.memref_slice %arg9[%dma_start3A_187, %dma_start3A_188] : memref<5120x128xf32, #tpu.memory_space<vmem_shared>> -> memref<5120x128xf32, #tpu.memory_space<vmem_shared>>
        %dma_start3A_190 = arith.constant -1 : i32
        tpu.enqueue_indirect_dma source(%dma_start3A_183 : memref<128x128xf32, #tpu.memory_space<vmem>>) target(%dma_start3A_189 : memref<5120x128xf32, #tpu.memory_space<vmem_shared>>) offsets(%dma_start3A_186 : memref<128xi32, #tpu.memory_space<vmem>>) offset_filter(%dma_start3A_190) semaphore(%run_scoped3A : memref<!tpu.dma_semaphore, #tpu.memory_space<semaphore_mem>>) {add = true}
        %dma_wait3A_191 = arith.constant 0 : i32
        %dma_wait3A_192 = arith.constant 0 : i32
        %dma_wait3A_193 = tpu.memref_slice %arg8[%rem3A_163, %dma_wait3A_191, %dma_wait3A_192] : memref<4x128x128xf32, #tpu.memory_space<vmem>> -> memref<1x128x128xf32, #tpu.memory_space<vmem>>
        %dma_wait3A_194 = tpu.memref_squeeze %dma_wait3A_193 : memref<1x128x128xf32, #tpu.memory_space<vmem>> -> memref<128x128xf32, #tpu.memory_space<vmem>>
        %dma_wait3A_195 = arith.constant 0 : i32
        %dma_wait3A_196 = tpu.memref_slice %arg7[%scan3A_160, %dma_wait3A_195] : memref<80x128xi32, #tpu.memory_space<vmem>> -> memref<1x128xi32, #tpu.memory_space<vmem>>
        %dma_wait3A_197 = tpu.memref_squeeze %dma_wait3A_196 : memref<1x128xi32, #tpu.memory_space<vmem>> -> memref<128xi32, #tpu.memory_space<vmem>>
        %dma_wait3A_198 = arith.constant 0 : i32
        %dma_wait3A_199 = arith.constant 0 : i32
        %dma_wait3A_200 = tpu.memref_slice %arg9[%dma_wait3A_198, %dma_wait3A_199] : memref<5120x128xf32, #tpu.memory_space<vmem_shared>> -> memref<5120x128xf32, #tpu.memory_space<vmem_shared>>
        tpu.wait_indirect_dma semaphore(%run_scoped3A : memref<!tpu.dma_semaphore, #tpu.memory_space<semaphore_mem>>) src(%dma_wait3A_194 : memref<128x128xf32, #tpu.memory_space<vmem>>) dst(%dma_wait3A_200 : memref<5120x128xf32, #tpu.memory_space<vmem_shared>>)
        tpu.yield
      }) : () -> ()
      %scan3A_179 = arith.constant 0 : i32
      scf.yield %scan3A_179 : i32
    }
    %scan3A_70 = arith.constant 80 : i32
    %barrier3A_71 = arith.constant 0 : index
    tpu.barrier barrier_id(%barrier3A_71)
    %mul3A_72 = arith.constant 10240 : i32
    %mul3A_73 = arith.muli %arg0, %mul3A_72 : i32
    %add3A_74 = arith.constant 0 : i32
    %add3A_75 = arith.addi %mul3A_73, %add3A_74 : i32
    %add3A_76 = arith.addi %add3A_75, %mul3A_0 : i32
    "tpu.region"() ({
      %run_scoped3A = tpu.sem_alloc : memref<!tpu.dma_semaphore, #tpu.memory_space<semaphore_mem>>
      %dma_start3A_160 = arith.constant 0 : i32
      %dma_start3A_161 = tpu.memref_slice %arg5[%add3A_76, %dma_start3A_160] : memref<20480x128xf32, #tpu.memory_space<hbm>> -> memref<320x128xf32, #tpu.memory_space<hbm>>
      %dma_start3A_162 = arith.constant 0 : i32
      %dma_start3A_163 = tpu.memref_slice %arg9[%mul3A_0, %dma_start3A_162] : memref<5120x128xf32, #tpu.memory_space<vmem_shared>> -> memref<320x128xf32, #tpu.memory_space<vmem_shared>>
      tpu.enqueue_dma source(%dma_start3A_163 : memref<320x128xf32, #tpu.memory_space<vmem_shared>>) target(%dma_start3A_161 : memref<320x128xf32, #tpu.memory_space<hbm>>) target_semaphore(%run_scoped3A : memref<!tpu.dma_semaphore, #tpu.memory_space<semaphore_mem>>)
      %dma_wait3A = arith.constant 0 : i32
      %dma_wait3A_164 = tpu.memref_slice %arg5[%add3A_76, %dma_wait3A] : memref<20480x128xf32, #tpu.memory_space<hbm>> -> memref<320x128xf32, #tpu.memory_space<hbm>>
      %dma_wait3A_165 = arith.constant 0 : i32
      %dma_wait3A_166 = tpu.memref_slice %arg9[%mul3A_0, %dma_wait3A_165] : memref<5120x128xf32, #tpu.memory_space<vmem_shared>> -> memref<320x128xf32, #tpu.memory_space<vmem_shared>>
      tpu.wait_dma2 semaphore(%run_scoped3A : memref<!tpu.dma_semaphore, #tpu.memory_space<semaphore_mem>>) src(%dma_wait3A_166 : memref<320x128xf32, #tpu.memory_space<vmem_shared>>) dst(%dma_wait3A_164 : memref<320x128xf32, #tpu.memory_space<hbm>>)
      tpu.yield
    }) : () -> ()
    %barrier3A_77 = arith.constant 0 : index
    tpu.barrier barrier_id(%barrier3A_77)
    %mul3A_78 = arith.constant 10240 : i32
    %mul3A_79 = arith.muli %arg0, %mul3A_78 : i32
    %add3A_80 = arith.constant 5120 : i32
    %add3A_81 = arith.addi %mul3A_79, %add3A_80 : i32
    %add3A_82 = arith.addi %add3A_81, %mul3A_0 : i32
    "tpu.region"() ({
      %run_scoped3A = tpu.sem_alloc : memref<!tpu.dma_semaphore, #tpu.memory_space<semaphore_mem>>
      %dma_start3A_160 = arith.constant 0 : i32
      %dma_start3A_161 = tpu.memref_slice %arg9[%mul3A_0, %dma_start3A_160] : memref<5120x128xf32, #tpu.memory_space<vmem_shared>> -> memref<320x128xf32, #tpu.memory_space<vmem_shared>>
      %dma_start3A_162 = arith.constant 0 : i32
      %dma_start3A_163 = tpu.memref_slice %arg2[%add3A_82, %dma_start3A_162] : memref<20480x128xf32, #tpu.memory_space<hbm>> -> memref<320x128xf32, #tpu.memory_space<hbm>>
      tpu.enqueue_dma source(%dma_start3A_163 : memref<320x128xf32, #tpu.memory_space<hbm>>) target(%dma_start3A_161 : memref<320x128xf32, #tpu.memory_space<vmem_shared>>) target_semaphore(%run_scoped3A : memref<!tpu.dma_semaphore, #tpu.memory_space<semaphore_mem>>)
      %dma_wait3A = arith.constant 0 : i32
      %dma_wait3A_164 = tpu.memref_slice %arg9[%mul3A_0, %dma_wait3A] : memref<5120x128xf32, #tpu.memory_space<vmem_shared>> -> memref<320x128xf32, #tpu.memory_space<vmem_shared>>
      %dma_wait3A_165 = arith.constant 0 : i32
      %dma_wait3A_166 = tpu.memref_slice %arg2[%add3A_82, %dma_wait3A_165] : memref<20480x128xf32, #tpu.memory_space<hbm>> -> memref<320x128xf32, #tpu.memory_space<hbm>>
      tpu.wait_dma2 semaphore(%run_scoped3A : memref<!tpu.dma_semaphore, #tpu.memory_space<semaphore_mem>>) src(%dma_wait3A_166 : memref<320x128xf32, #tpu.memory_space<hbm>>) dst(%dma_wait3A_164 : memref<320x128xf32, #tpu.memory_space<vmem_shared>>)
      tpu.yield
    }) : () -> ()
    %barrier3A_83 = arith.constant 0 : index
    tpu.barrier barrier_id(%barrier3A_83)
    %add3A_84 = arith.constant 2 : i32
    %add3A_85 = arith.addi %add3A_84, %arg0 : i32
    %mul3A_86 = arith.constant 1280 : i32
    %mul3A_87 = arith.muli %add3A_85, %mul3A_86 : i32
    %mul3A_88 = arith.constant 80 : i32
    %mul3A_89 = arith.muli %arg1, %mul3A_88 : i32
    %add3A_90 = arith.addi %mul3A_87, %mul3A_89 : i32
    "tpu.region"() ({
      %run_scoped3A = tpu.sem_alloc : memref<!tpu.dma_semaphore, #tpu.memory_space<semaphore_mem>>
      %dma_start3A_160 = arith.constant 0 : i32
      %dma_start3A_161 = tpu.memref_slice %arg3[%add3A_90, %dma_start3A_160] : memref<5120x128xi32, #tpu.memory_space<hbm>> -> memref<80x128xi32, #tpu.memory_space<hbm>>
      %dma_start3A_162 = arith.constant 0 : i32
      %dma_start3A_163 = tpu.memref_slice %arg3[%add3A_90, %dma_start3A_162] : memref<5120x128xi32, #tpu.memory_space<hbm>> -> memref<80x128xi32, #tpu.memory_space<hbm>>
      tpu.enqueue_dma source(%dma_start3A_163 : memref<80x128xi32, #tpu.memory_space<hbm>>) target(%arg6 : memref<80x128xi32, #tpu.memory_space<vmem>>) target_semaphore(%run_scoped3A : memref<!tpu.dma_semaphore, #tpu.memory_space<semaphore_mem>>)
      %dma_wait3A = arith.constant 0 : i32
      %dma_wait3A_164 = tpu.memref_slice %arg3[%add3A_90, %dma_wait3A] : memref<5120x128xi32, #tpu.memory_space<hbm>> -> memref<80x128xi32, #tpu.memory_space<hbm>>
      %dma_wait3A_165 = arith.constant 0 : i32
      %dma_wait3A_166 = tpu.memref_slice %arg3[%add3A_90, %dma_wait3A_165] : memref<5120x128xi32, #tpu.memory_space<hbm>> -> memref<80x128xi32, #tpu.memory_space<hbm>>
      tpu.wait_dma2 semaphore(%run_scoped3A : memref<!tpu.dma_semaphore, #tpu.memory_space<semaphore_mem>>) src(%dma_wait3A_166 : memref<80x128xi32, #tpu.memory_space<hbm>>) dst(%arg6 : memref<80x128xi32, #tpu.memory_space<vmem>>)
      tpu.yield
    }) : () -> ()
    %mul3A_91 = arith.constant 80 : i32
    %mul3A_92 = arith.muli %arg1, %mul3A_91 : i32
    %add3A_93 = arith.constant 1280 : i32
    %add3A_94 = arith.addi %add3A_93, %mul3A_92 : i32
    "tpu.region"() ({
      %run_scoped3A = tpu.sem_alloc : memref<!tpu.dma_semaphore, #tpu.memory_space<semaphore_mem>>
      %dma_start3A_160 = arith.constant 0 : i32
      %dma_start3A_161 = tpu.memref_slice %arg4[%add3A_94, %dma_start3A_160] : memref<2560x128xi32, #tpu.memory_space<hbm>> -> memref<80x128xi32, #tpu.memory_space<hbm>>
      %dma_start3A_162 = arith.constant 0 : i32
      %dma_start3A_163 = tpu.memref_slice %arg4[%add3A_94, %dma_start3A_162] : memref<2560x128xi32, #tpu.memory_space<hbm>> -> memref<80x128xi32, #tpu.memory_space<hbm>>
      tpu.enqueue_dma source(%dma_start3A_163 : memref<80x128xi32, #tpu.memory_space<hbm>>) target(%arg7 : memref<80x128xi32, #tpu.memory_space<vmem>>) target_semaphore(%run_scoped3A : memref<!tpu.dma_semaphore, #tpu.memory_space<semaphore_mem>>)
      %dma_wait3A = arith.constant 0 : i32
      %dma_wait3A_164 = tpu.memref_slice %arg4[%add3A_94, %dma_wait3A] : memref<2560x128xi32, #tpu.memory_space<hbm>> -> memref<80x128xi32, #tpu.memory_space<hbm>>
      %dma_wait3A_165 = arith.constant 0 : i32
      %dma_wait3A_166 = tpu.memref_slice %arg4[%add3A_94, %dma_wait3A_165] : memref<2560x128xi32, #tpu.memory_space<hbm>> -> memref<80x128xi32, #tpu.memory_space<hbm>>
      tpu.wait_dma2 semaphore(%run_scoped3A : memref<!tpu.dma_semaphore, #tpu.memory_space<semaphore_mem>>) src(%dma_wait3A_166 : memref<80x128xi32, #tpu.memory_space<hbm>>) dst(%arg7 : memref<80x128xi32, #tpu.memory_space<vmem>>)
      tpu.yield
    }) : () -> ()
    %rem3A_95 = arith.constant 0 : i32
    %rem3A_96 = arith.constant 4 : i32
    %rem3A_97 = arith.remsi %rem3A_95, %rem3A_96 : i32
    %dma_start3A_98 = arith.constant 0 : i32
    %dma_start3A_99 = arith.constant 0 : i32
    %dma_start3A_100 = arith.constant 0 : i32
    %dma_start3A_101 = tpu.memref_slice %arg8[%rem3A_97, %dma_start3A_99, %dma_start3A_100] : memref<4x128x128xf32, #tpu.memory_space<vmem>> -> memref<1x128x128xf32, #tpu.memory_space<vmem>>
    %dma_start3A_102 = tpu.memref_squeeze %dma_start3A_101 : memref<1x128x128xf32, #tpu.memory_space<vmem>> -> memref<128x128xf32, #tpu.memory_space<vmem>>
    %dma_start3A_103 = arith.constant 0 : i32
    %dma_start3A_104 = tpu.memref_slice %arg6[%dma_start3A_98, %dma_start3A_103] : memref<80x128xi32, #tpu.memory_space<vmem>> -> memref<1x128xi32, #tpu.memory_space<vmem>>
    %dma_start3A_105 = tpu.memref_squeeze %dma_start3A_104 : memref<1x128xi32, #tpu.memory_space<vmem>> -> memref<128xi32, #tpu.memory_space<vmem>>
    %dma_start3A_106 = arith.constant 0 : i32
    %dma_start3A_107 = arith.constant 0 : i32
    %dma_start3A_108 = tpu.memref_slice %arg2[%dma_start3A_106, %dma_start3A_107] : memref<20480x128xf32, #tpu.memory_space<hbm>> -> memref<20480x128xf32, #tpu.memory_space<hbm>>
    %dma_start3A_109 = arith.constant -1 : i32
    %dma_start3A_110 = tpu.memref_slice %arg10[%rem3A_97] : memref<4x!tpu.dma_semaphore, #tpu.memory_space<semaphore_mem>> -> memref<1x!tpu.dma_semaphore, #tpu.memory_space<semaphore_mem>>
    %dma_start3A_111 = tpu.memref_squeeze %dma_start3A_110 : memref<1x!tpu.dma_semaphore, #tpu.memory_space<semaphore_mem>> -> memref<!tpu.dma_semaphore, #tpu.memory_space<semaphore_mem>>
    tpu.enqueue_indirect_dma source(%dma_start3A_108 : memref<20480x128xf32, #tpu.memory_space<hbm>>) target(%dma_start3A_102 : memref<128x128xf32, #tpu.memory_space<vmem>>) offsets(%dma_start3A_105 : memref<128xi32, #tpu.memory_space<vmem>>) offset_filter(%dma_start3A_109) semaphore(%dma_start3A_111 : memref<!tpu.dma_semaphore, #tpu.memory_space<semaphore_mem>>)
    %rem3A_112 = arith.constant 1 : i32
    %rem3A_113 = arith.constant 4 : i32
    %rem3A_114 = arith.remsi %rem3A_112, %rem3A_113 : i32
    %dma_start3A_115 = arith.constant 1 : i32
    %dma_start3A_116 = arith.constant 0 : i32
    %dma_start3A_117 = arith.constant 0 : i32
    %dma_start3A_118 = tpu.memref_slice %arg8[%rem3A_114, %dma_start3A_116, %dma_start3A_117] : memref<4x128x128xf32, #tpu.memory_space<vmem>> -> memref<1x128x128xf32, #tpu.memory_space<vmem>>
    %dma_start3A_119 = tpu.memref_squeeze %dma_start3A_118 : memref<1x128x128xf32, #tpu.memory_space<vmem>> -> memref<128x128xf32, #tpu.memory_space<vmem>>
    %dma_start3A_120 = arith.constant 0 : i32
    %dma_start3A_121 = tpu.memref_slice %arg6[%dma_start3A_115, %dma_start3A_120] : memref<80x128xi32, #tpu.memory_space<vmem>> -> memref<1x128xi32, #tpu.memory_space<vmem>>
    %dma_start3A_122 = tpu.memref_squeeze %dma_start3A_121 : memref<1x128xi32, #tpu.memory_space<vmem>> -> memref<128xi32, #tpu.memory_space<vmem>>
    %dma_start3A_123 = arith.constant 0 : i32
    %dma_start3A_124 = arith.constant 0 : i32
    %dma_start3A_125 = tpu.memref_slice %arg2[%dma_start3A_123, %dma_start3A_124] : memref<20480x128xf32, #tpu.memory_space<hbm>> -> memref<20480x128xf32, #tpu.memory_space<hbm>>
    %dma_start3A_126 = arith.constant -1 : i32
    %dma_start3A_127 = tpu.memref_slice %arg10[%rem3A_114] : memref<4x!tpu.dma_semaphore, #tpu.memory_space<semaphore_mem>> -> memref<1x!tpu.dma_semaphore, #tpu.memory_space<semaphore_mem>>
    %dma_start3A_128 = tpu.memref_squeeze %dma_start3A_127 : memref<1x!tpu.dma_semaphore, #tpu.memory_space<semaphore_mem>> -> memref<!tpu.dma_semaphore, #tpu.memory_space<semaphore_mem>>
    tpu.enqueue_indirect_dma source(%dma_start3A_125 : memref<20480x128xf32, #tpu.memory_space<hbm>>) target(%dma_start3A_119 : memref<128x128xf32, #tpu.memory_space<vmem>>) offsets(%dma_start3A_122 : memref<128xi32, #tpu.memory_space<vmem>>) offset_filter(%dma_start3A_126) semaphore(%dma_start3A_128 : memref<!tpu.dma_semaphore, #tpu.memory_space<semaphore_mem>>)
    %rem3A_129 = arith.constant 2 : i32
    %rem3A_130 = arith.constant 4 : i32
    %rem3A_131 = arith.remsi %rem3A_129, %rem3A_130 : i32
    %dma_start3A_132 = arith.constant 2 : i32
    %dma_start3A_133 = arith.constant 0 : i32
    %dma_start3A_134 = arith.constant 0 : i32
    %dma_start3A_135 = tpu.memref_slice %arg8[%rem3A_131, %dma_start3A_133, %dma_start3A_134] : memref<4x128x128xf32, #tpu.memory_space<vmem>> -> memref<1x128x128xf32, #tpu.memory_space<vmem>>
    %dma_start3A_136 = tpu.memref_squeeze %dma_start3A_135 : memref<1x128x128xf32, #tpu.memory_space<vmem>> -> memref<128x128xf32, #tpu.memory_space<vmem>>
    %dma_start3A_137 = arith.constant 0 : i32
    %dma_start3A_138 = tpu.memref_slice %arg6[%dma_start3A_132, %dma_start3A_137] : memref<80x128xi32, #tpu.memory_space<vmem>> -> memref<1x128xi32, #tpu.memory_space<vmem>>
    %dma_start3A_139 = tpu.memref_squeeze %dma_start3A_138 : memref<1x128xi32, #tpu.memory_space<vmem>> -> memref<128xi32, #tpu.memory_space<vmem>>
    %dma_start3A_140 = arith.constant 0 : i32
    %dma_start3A_141 = arith.constant 0 : i32
    %dma_start3A_142 = tpu.memref_slice %arg2[%dma_start3A_140, %dma_start3A_141] : memref<20480x128xf32, #tpu.memory_space<hbm>> -> memref<20480x128xf32, #tpu.memory_space<hbm>>
    %dma_start3A_143 = arith.constant -1 : i32
    %dma_start3A_144 = tpu.memref_slice %arg10[%rem3A_131] : memref<4x!tpu.dma_semaphore, #tpu.memory_space<semaphore_mem>> -> memref<1x!tpu.dma_semaphore, #tpu.memory_space<semaphore_mem>>
    %dma_start3A_145 = tpu.memref_squeeze %dma_start3A_144 : memref<1x!tpu.dma_semaphore, #tpu.memory_space<semaphore_mem>> -> memref<!tpu.dma_semaphore, #tpu.memory_space<semaphore_mem>>
    tpu.enqueue_indirect_dma source(%dma_start3A_142 : memref<20480x128xf32, #tpu.memory_space<hbm>>) target(%dma_start3A_136 : memref<128x128xf32, #tpu.memory_space<vmem>>) offsets(%dma_start3A_139 : memref<128xi32, #tpu.memory_space<vmem>>) offset_filter(%dma_start3A_143) semaphore(%dma_start3A_145 : memref<!tpu.dma_semaphore, #tpu.memory_space<semaphore_mem>>)
    %scan3A_146 = arith.constant 0 : i32
    %scan3A_147 = arith.constant 0 : i32
    %scan3A_148 = arith.constant 80 : i32
    %scan3A_149 = arith.addi %scan3A_147, %scan3A_148 : i32
    %scan3A_150 = arith.constant 1 : i32
    %scan3A_151 = scf.for %scan3A_160 = %scan3A_147 to %scan3A_149 step %scan3A_150 iter_args(%scan3A_161 = %scan3A_146) -> (i32)  : i32 {
      %rem3A_162 = arith.constant 4 : i32
      %rem3A_163 = arith.remsi %scan3A_160, %rem3A_162 : i32
      %rem3A_164 = arith.constant 4 : i32
      %rem3A_165 = arith.remsi %scan3A_160, %rem3A_164 : i32
      %dma_wait3A = arith.constant 0 : i32
      %dma_wait3A_166 = arith.constant 0 : i32
      %dma_wait3A_167 = tpu.memref_slice %arg8[%rem3A_165, %dma_wait3A, %dma_wait3A_166] : memref<4x128x128xf32, #tpu.memory_space<vmem>> -> memref<1x128x128xf32, #tpu.memory_space<vmem>>
      %dma_wait3A_168 = tpu.memref_squeeze %dma_wait3A_167 : memref<1x128x128xf32, #tpu.memory_space<vmem>> -> memref<128x128xf32, #tpu.memory_space<vmem>>
      %dma_wait3A_169 = arith.constant 0 : i32
      %dma_wait3A_170 = tpu.memref_slice %arg6[%scan3A_160, %dma_wait3A_169] : memref<80x128xi32, #tpu.memory_space<vmem>> -> memref<1x128xi32, #tpu.memory_space<vmem>>
      %dma_wait3A_171 = tpu.memref_squeeze %dma_wait3A_170 : memref<1x128xi32, #tpu.memory_space<vmem>> -> memref<128xi32, #tpu.memory_space<vmem>>
      %dma_wait3A_172 = arith.constant 0 : i32
      %dma_wait3A_173 = arith.constant 0 : i32
      %dma_wait3A_174 = tpu.memref_slice %arg2[%dma_wait3A_172, %dma_wait3A_173] : memref<20480x128xf32, #tpu.memory_space<hbm>> -> memref<20480x128xf32, #tpu.memory_space<hbm>>
      %dma_wait3A_175 = tpu.memref_slice %arg10[%rem3A_165] : memref<4x!tpu.dma_semaphore, #tpu.memory_space<semaphore_mem>> -> memref<1x!tpu.dma_semaphore, #tpu.memory_space<semaphore_mem>>
      %dma_wait3A_176 = tpu.memref_squeeze %dma_wait3A_175 : memref<1x!tpu.dma_semaphore, #tpu.memory_space<semaphore_mem>> -> memref<!tpu.dma_semaphore, #tpu.memory_space<semaphore_mem>>
      tpu.wait_indirect_dma semaphore(%dma_wait3A_176 : memref<!tpu.dma_semaphore, #tpu.memory_space<semaphore_mem>>) src(%dma_wait3A_174 : memref<20480x128xf32, #tpu.memory_space<hbm>>) dst(%dma_wait3A_168 : memref<128x128xf32, #tpu.memory_space<vmem>>)
      %lt3A = arith.constant 77 : i32
      %lt3A_177 = arith.cmpi slt, %scan3A_160, %lt3A : i32
      %convert_element_type3A = arith.extui %lt3A_177 : i1 to i32
      %cond3A = arith.constant 0 : i32
      %cond3A_178 = arith.cmpi ne, %convert_element_type3A, %cond3A : i32
      scf.if %cond3A_178 {
        %add3A_180 = arith.constant 3 : i32
        %add3A_181 = arith.addi %scan3A_160, %add3A_180 : i32
        %rem3A_182 = arith.constant 4 : i32
        %rem3A_183 = arith.remsi %add3A_181, %rem3A_182 : i32
        %dma_start3A_184 = arith.constant 0 : i32
        %dma_start3A_185 = arith.constant 0 : i32
        %dma_start3A_186 = tpu.memref_slice %arg8[%rem3A_183, %dma_start3A_184, %dma_start3A_185] : memref<4x128x128xf32, #tpu.memory_space<vmem>> -> memref<1x128x128xf32, #tpu.memory_space<vmem>>
        %dma_start3A_187 = tpu.memref_squeeze %dma_start3A_186 : memref<1x128x128xf32, #tpu.memory_space<vmem>> -> memref<128x128xf32, #tpu.memory_space<vmem>>
        %dma_start3A_188 = arith.constant 0 : i32
        %dma_start3A_189 = tpu.memref_slice %arg6[%add3A_181, %dma_start3A_188] : memref<80x128xi32, #tpu.memory_space<vmem>> -> memref<1x128xi32, #tpu.memory_space<vmem>>
        %dma_start3A_190 = tpu.memref_squeeze %dma_start3A_189 : memref<1x128xi32, #tpu.memory_space<vmem>> -> memref<128xi32, #tpu.memory_space<vmem>>
        %dma_start3A_191 = arith.constant 0 : i32
        %dma_start3A_192 = arith.constant 0 : i32
        %dma_start3A_193 = tpu.memref_slice %arg2[%dma_start3A_191, %dma_start3A_192] : memref<20480x128xf32, #tpu.memory_space<hbm>> -> memref<20480x128xf32, #tpu.memory_space<hbm>>
        %dma_start3A_194 = arith.constant -1 : i32
        %dma_start3A_195 = tpu.memref_slice %arg10[%rem3A_183] : memref<4x!tpu.dma_semaphore, #tpu.memory_space<semaphore_mem>> -> memref<1x!tpu.dma_semaphore, #tpu.memory_space<semaphore_mem>>
        %dma_start3A_196 = tpu.memref_squeeze %dma_start3A_195 : memref<1x!tpu.dma_semaphore, #tpu.memory_space<semaphore_mem>> -> memref<!tpu.dma_semaphore, #tpu.memory_space<semaphore_mem>>
        tpu.enqueue_indirect_dma source(%dma_start3A_193 : memref<20480x128xf32, #tpu.memory_space<hbm>>) target(%dma_start3A_187 : memref<128x128xf32, #tpu.memory_space<vmem>>) offsets(%dma_start3A_190 : memref<128xi32, #tpu.memory_space<vmem>>) offset_filter(%dma_start3A_194) semaphore(%dma_start3A_196 : memref<!tpu.dma_semaphore, #tpu.memory_space<semaphore_mem>>)
      } else {
      }
      "tpu.region"() ({
        %run_scoped3A = tpu.sem_alloc : memref<!tpu.dma_semaphore, #tpu.memory_space<semaphore_mem>>
        %dma_start3A_180 = arith.constant 0 : i32
        %dma_start3A_181 = arith.constant 0 : i32
        %dma_start3A_182 = tpu.memref_slice %arg8[%rem3A_163, %dma_start3A_180, %dma_start3A_181] : memref<4x128x128xf32, #tpu.memory_space<vmem>> -> memref<1x128x128xf32, #tpu.memory_space<vmem>>
        %dma_start3A_183 = tpu.memref_squeeze %dma_start3A_182 : memref<1x128x128xf32, #tpu.memory_space<vmem>> -> memref<128x128xf32, #tpu.memory_space<vmem>>
        %dma_start3A_184 = arith.constant 0 : i32
        %dma_start3A_185 = tpu.memref_slice %arg7[%scan3A_160, %dma_start3A_184] : memref<80x128xi32, #tpu.memory_space<vmem>> -> memref<1x128xi32, #tpu.memory_space<vmem>>
        %dma_start3A_186 = tpu.memref_squeeze %dma_start3A_185 : memref<1x128xi32, #tpu.memory_space<vmem>> -> memref<128xi32, #tpu.memory_space<vmem>>
        %dma_start3A_187 = arith.constant 0 : i32
        %dma_start3A_188 = arith.constant 0 : i32
        %dma_start3A_189 = tpu.memref_slice %arg9[%dma_start3A_187, %dma_start3A_188] : memref<5120x128xf32, #tpu.memory_space<vmem_shared>> -> memref<5120x128xf32, #tpu.memory_space<vmem_shared>>
        %dma_start3A_190 = arith.constant -1 : i32
        tpu.enqueue_indirect_dma source(%dma_start3A_183 : memref<128x128xf32, #tpu.memory_space<vmem>>) target(%dma_start3A_189 : memref<5120x128xf32, #tpu.memory_space<vmem_shared>>) offsets(%dma_start3A_186 : memref<128xi32, #tpu.memory_space<vmem>>) offset_filter(%dma_start3A_190) semaphore(%run_scoped3A : memref<!tpu.dma_semaphore, #tpu.memory_space<semaphore_mem>>) {add = true}
        %dma_wait3A_191 = arith.constant 0 : i32
        %dma_wait3A_192 = arith.constant 0 : i32
        %dma_wait3A_193 = tpu.memref_slice %arg8[%rem3A_163, %dma_wait3A_191, %dma_wait3A_192] : memref<4x128x128xf32, #tpu.memory_space<vmem>> -> memref<1x128x128xf32, #tpu.memory_space<vmem>>
        %dma_wait3A_194 = tpu.memref_squeeze %dma_wait3A_193 : memref<1x128x128xf32, #tpu.memory_space<vmem>> -> memref<128x128xf32, #tpu.memory_space<vmem>>
        %dma_wait3A_195 = arith.constant 0 : i32
        %dma_wait3A_196 = tpu.memref_slice %arg7[%scan3A_160, %dma_wait3A_195] : memref<80x128xi32, #tpu.memory_space<vmem>> -> memref<1x128xi32, #tpu.memory_space<vmem>>
        %dma_wait3A_197 = tpu.memref_squeeze %dma_wait3A_196 : memref<1x128xi32, #tpu.memory_space<vmem>> -> memref<128xi32, #tpu.memory_space<vmem>>
        %dma_wait3A_198 = arith.constant 0 : i32
        %dma_wait3A_199 = arith.constant 0 : i32
        %dma_wait3A_200 = tpu.memref_slice %arg9[%dma_wait3A_198, %dma_wait3A_199] : memref<5120x128xf32, #tpu.memory_space<vmem_shared>> -> memref<5120x128xf32, #tpu.memory_space<vmem_shared>>
        tpu.wait_indirect_dma semaphore(%run_scoped3A : memref<!tpu.dma_semaphore, #tpu.memory_space<semaphore_mem>>) src(%dma_wait3A_194 : memref<128x128xf32, #tpu.memory_space<vmem>>) dst(%dma_wait3A_200 : memref<5120x128xf32, #tpu.memory_space<vmem_shared>>)
        tpu.yield
      }) : () -> ()
      %scan3A_179 = arith.constant 0 : i32
      scf.yield %scan3A_179 : i32
    }
    %scan3A_152 = arith.constant 80 : i32
    %barrier3A_153 = arith.constant 0 : index
    tpu.barrier barrier_id(%barrier3A_153)
    %mul3A_154 = arith.constant 10240 : i32
    %mul3A_155 = arith.muli %arg0, %mul3A_154 : i32
    %add3A_156 = arith.constant 5120 : i32
    %add3A_157 = arith.addi %mul3A_155, %add3A_156 : i32
    %add3A_158 = arith.addi %add3A_157, %mul3A_0 : i32
    "tpu.region"() ({
      %run_scoped3A = tpu.sem_alloc : memref<!tpu.dma_semaphore, #tpu.memory_space<semaphore_mem>>
      %dma_start3A_160 = arith.constant 0 : i32
      %dma_start3A_161 = tpu.memref_slice %arg5[%add3A_158, %dma_start3A_160] : memref<20480x128xf32, #tpu.memory_space<hbm>> -> memref<320x128xf32, #tpu.memory_space<hbm>>
      %dma_start3A_162 = arith.constant 0 : i32
      %dma_start3A_163 = tpu.memref_slice %arg9[%mul3A_0, %dma_start3A_162] : memref<5120x128xf32, #tpu.memory_space<vmem_shared>> -> memref<320x128xf32, #tpu.memory_space<vmem_shared>>
      tpu.enqueue_dma source(%dma_start3A_163 : memref<320x128xf32, #tpu.memory_space<vmem_shared>>) target(%dma_start3A_161 : memref<320x128xf32, #tpu.memory_space<hbm>>) target_semaphore(%run_scoped3A : memref<!tpu.dma_semaphore, #tpu.memory_space<semaphore_mem>>)
      %dma_wait3A = arith.constant 0 : i32
      %dma_wait3A_164 = tpu.memref_slice %arg5[%add3A_158, %dma_wait3A] : memref<20480x128xf32, #tpu.memory_space<hbm>> -> memref<320x128xf32, #tpu.memory_space<hbm>>
      %dma_wait3A_165 = arith.constant 0 : i32
      %dma_wait3A_166 = tpu.memref_slice %arg9[%mul3A_0, %dma_wait3A_165] : memref<5120x128xf32, #tpu.memory_space<vmem_shared>> -> memref<320x128xf32, #tpu.memory_space<vmem_shared>>
      tpu.wait_dma2 semaphore(%run_scoped3A : memref<!tpu.dma_semaphore, #tpu.memory_space<semaphore_mem>>) src(%dma_wait3A_166 : memref<320x128xf32, #tpu.memory_space<vmem_shared>>) dst(%dma_wait3A_164 : memref<320x128xf32, #tpu.memory_space<hbm>>)
      tpu.yield
    }) : () -> ()
    %barrier3A_159 = arith.constant 0 : index
    tpu.barrier barrier_id(%barrier3A_159)
    return
  }
}

#map = affine_map<(d0, d1) -> (0, 0)>
module attributes {stable_mosaic.version = 14 : i64} {
  func.func @_deg_kernel(%arg0: i32, %arg1: i32, %arg2: memref<1280x128xi32, #tpu.memory_space<hbm>>, %arg3: memref<32x10240xf32, #tpu.memory_space<hbm>>, %arg4: memref<40x128xi32, #tpu.memory_space<vmem>>, %arg5: memref<10240xf32, #tpu.memory_space<vmem>>, %arg6: memref<!tpu.dma_semaphore, #tpu.memory_space<semaphore_mem>>) attributes {dimension_semantics = [#tpu.dimension_semantics<core_parallel>, #tpu.dimension_semantics<subcore_parallel>], iteration_bounds = array<i64: 2, 16>, scalar_prefetch = 0 : i64, scratch_operands = 3 : i64, tpu.core_type = #tpu.core_type<sc_vector_subcore>, window_params = [{transform_indices = #map}, {transform_indices = #map}]} {
    %mul3A = arith.constant 2 : i32
    %mul3A_0 = arith.muli %arg1, %mul3A : i32
    %add3A = arith.addi %mul3A_0, %arg0 : i32
    %broadcast_in_dim3A = arith.constant 0.000000e+00 : f32
    %broadcast_in_dim3A_1 = vector.broadcast %broadcast_in_dim3A : f32 to vector<16xf32>
    %scan3A = arith.constant 0 : i32
    %scan3A_2 = arith.constant 0 : i32
    %scan3A_3 = arith.constant 640 : i32
    %scan3A_4 = arith.addi %scan3A_2, %scan3A_3 : i32
    %scan3A_5 = arith.constant 1 : i32
    %scan3A_6 = scf.for %scan3A_19 = %scan3A_2 to %scan3A_4 step %scan3A_5 iter_args(%scan3A_20 = %scan3A) -> (i32)  : i32 {
      %mul3A_21 = arith.constant 16 : i32
      %mul3A_22 = arith.muli %scan3A_19, %mul3A_21 : i32
      %swap3A = arith.index_cast %mul3A_22 : i32 to index
      %swap3A_23 = tpu.vector_load %arg5[%swap3A] {strides = array<i32>} : memref<10240xf32, #tpu.memory_space<vmem>>, vector<16xf32>,
      tpu.vector_store %arg5[%swap3A], %broadcast_in_dim3A_1 {strides = array<i32>} : memref<10240xf32, #tpu.memory_space<vmem>>, vector<16xf32>,
      %scan3A_24 = arith.constant 0 : i32
      scf.yield %scan3A_24 : i32
    }
    %scan3A_7 = arith.constant 640 : i32
    %mul3A_8 = arith.constant 40 : i32
    %mul3A_9 = arith.muli %add3A, %mul3A_8 : i32
    "tpu.region"() ({
      %run_scoped3A = tpu.sem_alloc : memref<!tpu.dma_semaphore, #tpu.memory_space<semaphore_mem>>
      %dma_start3A = arith.constant 0 : i32
      %dma_start3A_19 = tpu.memref_slice %arg2[%mul3A_9, %dma_start3A] : memref<1280x128xi32, #tpu.memory_space<hbm>> -> memref<40x128xi32, #tpu.memory_space<hbm>>
      %dma_start3A_20 = arith.constant 0 : i32
      %dma_start3A_21 = tpu.memref_slice %arg2[%mul3A_9, %dma_start3A_20] : memref<1280x128xi32, #tpu.memory_space<hbm>> -> memref<40x128xi32, #tpu.memory_space<hbm>>
      tpu.enqueue_dma source(%dma_start3A_21 : memref<40x128xi32, #tpu.memory_space<hbm>>) target(%arg4 : memref<40x128xi32, #tpu.memory_space<vmem>>) target_semaphore(%run_scoped3A : memref<!tpu.dma_semaphore, #tpu.memory_space<semaphore_mem>>)
      %dma_wait3A = arith.constant 0 : i32
      %dma_wait3A_22 = tpu.memref_slice %arg2[%mul3A_9, %dma_wait3A] : memref<1280x128xi32, #tpu.memory_space<hbm>> -> memref<40x128xi32, #tpu.memory_space<hbm>>
      %dma_wait3A_23 = arith.constant 0 : i32
      %dma_wait3A_24 = tpu.memref_slice %arg2[%mul3A_9, %dma_wait3A_23] : memref<1280x128xi32, #tpu.memory_space<hbm>> -> memref<40x128xi32, #tpu.memory_space<hbm>>
      tpu.wait_dma2 semaphore(%run_scoped3A : memref<!tpu.dma_semaphore, #tpu.memory_space<semaphore_mem>>) src(%dma_wait3A_24 : memref<40x128xi32, #tpu.memory_space<hbm>>) dst(%arg4 : memref<40x128xi32, #tpu.memory_space<vmem>>)
      tpu.yield
    }) : () -> ()
    %broadcast_in_dim3A_10 = arith.constant 1.000000e+00 : f32
    %broadcast_in_dim3A_11 = vector.broadcast %broadcast_in_dim3A_10 : f32 to vector<16xf32>
    %scan3A_12 = arith.constant 0 : i32
    %scan3A_13 = arith.constant 0 : i32
    %scan3A_14 = arith.constant 40 : i32
    %scan3A_15 = arith.addi %scan3A_13, %scan3A_14 : i32
    %scan3A_16 = arith.constant 1 : i32
    %scan3A_17 = scf.for %scan3A_19 = %scan3A_13 to %scan3A_15 step %scan3A_16 iter_args(%scan3A_20 = %scan3A_12) -> (i32)  : i32 {
      %get3A = arith.index_cast %scan3A_19 : i32 to index
      %get3A_21 = arith.constant 0 : index
      %get3A_22 = tpu.vector_load %arg4[%get3A, %get3A_21] {strides = array<i32>} : memref<40x128xi32, #tpu.memory_space<vmem>>, vector<16xi32>,
      tpu.vector_store_idx %arg5[%get3A_22], %broadcast_in_dim3A_11 {add = true} : memref<10240xf32, #tpu.memory_space<vmem>>[vector<16xi32>], vector<16xf32>,
      %get3A_23 = arith.index_cast %scan3A_19 : i32 to index
      %get3A_24 = arith.constant 16 : index
      %get3A_25 = tpu.vector_load %arg4[%get3A_23, %get3A_24] {strides = array<i32>} : memref<40x128xi32, #tpu.memory_space<vmem>>, vector<16xi32>,
      tpu.vector_store_idx %arg5[%get3A_25], %broadcast_in_dim3A_11 {add = true} : memref<10240xf32, #tpu.memory_space<vmem>>[vector<16xi32>], vector<16xf32>,
      %get3A_26 = arith.index_cast %scan3A_19 : i32 to index
      %get3A_27 = arith.constant 32 : index
      %get3A_28 = tpu.vector_load %arg4[%get3A_26, %get3A_27] {strides = array<i32>} : memref<40x128xi32, #tpu.memory_space<vmem>>, vector<16xi32>,
      tpu.vector_store_idx %arg5[%get3A_28], %broadcast_in_dim3A_11 {add = true} : memref<10240xf32, #tpu.memory_space<vmem>>[vector<16xi32>], vector<16xf32>,
      %get3A_29 = arith.index_cast %scan3A_19 : i32 to index
      %get3A_30 = arith.constant 48 : index
      %get3A_31 = tpu.vector_load %arg4[%get3A_29, %get3A_30] {strides = array<i32>} : memref<40x128xi32, #tpu.memory_space<vmem>>, vector<16xi32>,
      tpu.vector_store_idx %arg5[%get3A_31], %broadcast_in_dim3A_11 {add = true} : memref<10240xf32, #tpu.memory_space<vmem>>[vector<16xi32>], vector<16xf32>,
      %get3A_32 = arith.index_cast %scan3A_19 : i32 to index
      %get3A_33 = arith.constant 64 : index
      %get3A_34 = tpu.vector_load %arg4[%get3A_32, %get3A_33] {strides = array<i32>} : memref<40x128xi32, #tpu.memory_space<vmem>>, vector<16xi32>,
      tpu.vector_store_idx %arg5[%get3A_34], %broadcast_in_dim3A_11 {add = true} : memref<10240xf32, #tpu.memory_space<vmem>>[vector<16xi32>], vector<16xf32>,
      %get3A_35 = arith.index_cast %scan3A_19 : i32 to index
      %get3A_36 = arith.constant 80 : index
      %get3A_37 = tpu.vector_load %arg4[%get3A_35, %get3A_36] {strides = array<i32>} : memref<40x128xi32, #tpu.memory_space<vmem>>, vector<16xi32>,
      tpu.vector_store_idx %arg5[%get3A_37], %broadcast_in_dim3A_11 {add = true} : memref<10240xf32, #tpu.memory_space<vmem>>[vector<16xi32>], vector<16xf32>,
      %get3A_38 = arith.index_cast %scan3A_19 : i32 to index
      %get3A_39 = arith.constant 96 : index
      %get3A_40 = tpu.vector_load %arg4[%get3A_38, %get3A_39] {strides = array<i32>} : memref<40x128xi32, #tpu.memory_space<vmem>>, vector<16xi32>,
      tpu.vector_store_idx %arg5[%get3A_40], %broadcast_in_dim3A_11 {add = true} : memref<10240xf32, #tpu.memory_space<vmem>>[vector<16xi32>], vector<16xf32>,
      %get3A_41 = arith.index_cast %scan3A_19 : i32 to index
      %get3A_42 = arith.constant 112 : index
      %get3A_43 = tpu.vector_load %arg4[%get3A_41, %get3A_42] {strides = array<i32>} : memref<40x128xi32, #tpu.memory_space<vmem>>, vector<16xi32>,
      tpu.vector_store_idx %arg5[%get3A_43], %broadcast_in_dim3A_11 {add = true} : memref<10240xf32, #tpu.memory_space<vmem>>[vector<16xi32>], vector<16xf32>,
      %scan3A_44 = arith.constant 0 : i32
      scf.yield %scan3A_44 : i32
    }
    %scan3A_18 = arith.constant 40 : i32
    "tpu.region"() ({
      %run_scoped3A = tpu.sem_alloc : memref<!tpu.dma_semaphore, #tpu.memory_space<semaphore_mem>>
      %dma_start3A = arith.constant 0 : i32
      %dma_start3A_19 = tpu.memref_slice %arg3[%add3A, %dma_start3A] : memref<32x10240xf32, #tpu.memory_space<hbm>> -> memref<1x10240xf32, #tpu.memory_space<hbm>>
      %dma_start3A_20 = tpu.memref_squeeze %dma_start3A_19 : memref<1x10240xf32, #tpu.memory_space<hbm>> -> memref<10240xf32, #tpu.memory_space<hbm>>
      %dma_start3A_21 = arith.constant 0 : i32
      %dma_start3A_22 = tpu.memref_slice %arg3[%add3A, %dma_start3A_21] : memref<32x10240xf32, #tpu.memory_space<hbm>> -> memref<1x10240xf32, #tpu.memory_space<hbm>>
      %dma_start3A_23 = tpu.memref_squeeze %dma_start3A_22 : memref<1x10240xf32, #tpu.memory_space<hbm>> -> memref<10240xf32, #tpu.memory_space<hbm>>
      tpu.enqueue_dma source(%arg5 : memref<10240xf32, #tpu.memory_space<vmem>>) target(%dma_start3A_23 : memref<10240xf32, #tpu.memory_space<hbm>>) target_semaphore(%run_scoped3A : memref<!tpu.dma_semaphore, #tpu.memory_space<semaphore_mem>>)
      %dma_wait3A = arith.constant 0 : i32
      %dma_wait3A_24 = tpu.memref_slice %arg3[%add3A, %dma_wait3A] : memref<32x10240xf32, #tpu.memory_space<hbm>> -> memref<1x10240xf32, #tpu.memory_space<hbm>>
      %dma_wait3A_25 = tpu.memref_squeeze %dma_wait3A_24 : memref<1x10240xf32, #tpu.memory_space<hbm>> -> memref<10240xf32, #tpu.memory_space<hbm>>
      %dma_wait3A_26 = arith.constant 0 : i32
      %dma_wait3A_27 = tpu.memref_slice %arg3[%add3A, %dma_wait3A_26] : memref<32x10240xf32, #tpu.memory_space<hbm>> -> memref<1x10240xf32, #tpu.memory_space<hbm>>
      %dma_wait3A_28 = tpu.memref_squeeze %dma_wait3A_27 : memref<1x10240xf32, #tpu.memory_space<hbm>> -> memref<10240xf32, #tpu.memory_space<hbm>>
      tpu.wait_dma2 semaphore(%run_scoped3A : memref<!tpu.dma_semaphore, #tpu.memory_space<semaphore_mem>>) src(%arg5 : memref<10240xf32, #tpu.memory_space<vmem>>) dst(%dma_wait3A_28 : memref<10240xf32, #tpu.memory_space<hbm>>)
      tpu.yield
    }) : () -> ()
    return
  }
}

#map = affine_map<(d0, d1) -> (0, 0)>
module attributes {stable_mosaic.version = 14 : i64} {
  func.func @_scatter(%arg0: i32, %arg1: i32, %arg2: memref<20480x128xf32, #tpu.memory_space<hbm>>, %arg3: memref<5120x128xi32, #tpu.memory_space<hbm>>, %arg4: memref<2560x128xi32, #tpu.memory_space<hbm>>, %arg5: memref<20480x128xf32, #tpu.memory_space<hbm>>, %arg6: memref<80x128xi32, #tpu.memory_space<vmem>>, %arg7: memref<80x128xi32, #tpu.memory_space<vmem>>, %arg8: memref<4x128x128xf32, #tpu.memory_space<vmem>>, %arg9: memref<5120x128xf32, #tpu.memory_space<vmem_shared>>, %arg10: memref<4x!tpu.dma_semaphore, #tpu.memory_space<semaphore_mem>>) attributes {dimension_semantics = [#tpu.dimension_semantics<core_parallel>, #tpu.dimension_semantics<subcore_parallel>], iteration_bounds = array<i64: 2, 16>, scalar_prefetch = 0 : i64, scratch_operands = 5 : i64, tpu.core_type = #tpu.core_type<sc_vector_subcore>, window_params = [{transform_indices = #map}, {transform_indices = #map}, {transform_indices = #map}, {transform_indices = #map}]} {
    %mul3A = arith.constant 320 : i32
    %mul3A_0 = arith.muli %arg1, %mul3A : i32
    %mul3A_1 = arith.constant 10240 : i32
    %mul3A_2 = arith.muli %arg0, %mul3A_1 : i32
    %add3A = arith.constant 0 : i32
    %add3A_3 = arith.addi %mul3A_2, %add3A : i32
    %add3A_4 = arith.addi %add3A_3, %mul3A_0 : i32
    "tpu.region"() ({
      %run_scoped3A = tpu.sem_alloc : memref<!tpu.dma_semaphore, #tpu.memory_space<semaphore_mem>>
      %dma_start3A_160 = arith.constant 0 : i32
      %dma_start3A_161 = tpu.memref_slice %arg9[%mul3A_0, %dma_start3A_160] : memref<5120x128xf32, #tpu.memory_space<vmem_shared>> -> memref<320x128xf32, #tpu.memory_space<vmem_shared>>
      %dma_start3A_162 = arith.constant 0 : i32
      %dma_start3A_163 = tpu.memref_slice %arg2[%add3A_4, %dma_start3A_162] : memref<20480x128xf32, #tpu.memory_space<hbm>> -> memref<320x128xf32, #tpu.memory_space<hbm>>
      tpu.enqueue_dma source(%dma_start3A_163 : memref<320x128xf32, #tpu.memory_space<hbm>>) target(%dma_start3A_161 : memref<320x128xf32, #tpu.memory_space<vmem_shared>>) target_semaphore(%run_scoped3A : memref<!tpu.dma_semaphore, #tpu.memory_space<semaphore_mem>>)
      %dma_wait3A = arith.constant 0 : i32
      %dma_wait3A_164 = tpu.memref_slice %arg9[%mul3A_0, %dma_wait3A] : memref<5120x128xf32, #tpu.memory_space<vmem_shared>> -> memref<320x128xf32, #tpu.memory_space<vmem_shared>>
      %dma_wait3A_165 = arith.constant 0 : i32
      %dma_wait3A_166 = tpu.memref_slice %arg2[%add3A_4, %dma_wait3A_165] : memref<20480x128xf32, #tpu.memory_space<hbm>> -> memref<320x128xf32, #tpu.memory_space<hbm>>
      tpu.wait_dma2 semaphore(%run_scoped3A : memref<!tpu.dma_semaphore, #tpu.memory_space<semaphore_mem>>) src(%dma_wait3A_166 : memref<320x128xf32, #tpu.memory_space<hbm>>) dst(%dma_wait3A_164 : memref<320x128xf32, #tpu.memory_space<vmem_shared>>)
      tpu.yield
    }) : () -> ()
    %barrier3A = arith.constant 0 : index
    tpu.barrier barrier_id(%barrier3A)
    %add3A_5 = arith.constant 0 : i32
    %add3A_6 = arith.addi %add3A_5, %arg0 : i32
    %mul3A_7 = arith.constant 1280 : i32
    %mul3A_8 = arith.muli %add3A_6, %mul3A_7 : i32
    %mul3A_9 = arith.constant 80 : i32
    %mul3A_10 = arith.muli %arg1, %mul3A_9 : i32
    %add3A_11 = arith.addi %mul3A_8, %mul3A_10 : i32
    "tpu.region"() ({
      %run_scoped3A = tpu.sem_alloc : memref<!tpu.dma_semaphore, #tpu.memory_space<semaphore_mem>>
      %dma_start3A_160 = arith.constant 0 : i32
      %dma_start3A_161 = tpu.memref_slice %arg3[%add3A_11, %dma_start3A_160] : memref<5120x128xi32, #tpu.memory_space<hbm>> -> memref<80x128xi32, #tpu.memory_space<hbm>>
      %dma_start3A_162 = arith.constant 0 : i32
      %dma_start3A_163 = tpu.memref_slice %arg3[%add3A_11, %dma_start3A_162] : memref<5120x128xi32, #tpu.memory_space<hbm>> -> memref<80x128xi32, #tpu.memory_space<hbm>>
      tpu.enqueue_dma source(%dma_start3A_163 : memref<80x128xi32, #tpu.memory_space<hbm>>) target(%arg6 : memref<80x128xi32, #tpu.memory_space<vmem>>) target_semaphore(%run_scoped3A : memref<!tpu.dma_semaphore, #tpu.memory_space<semaphore_mem>>)
      %dma_wait3A = arith.constant 0 : i32
      %dma_wait3A_164 = tpu.memref_slice %arg3[%add3A_11, %dma_wait3A] : memref<5120x128xi32, #tpu.memory_space<hbm>> -> memref<80x128xi32, #tpu.memory_space<hbm>>
      %dma_wait3A_165 = arith.constant 0 : i32
      %dma_wait3A_166 = tpu.memref_slice %arg3[%add3A_11, %dma_wait3A_165] : memref<5120x128xi32, #tpu.memory_space<hbm>> -> memref<80x128xi32, #tpu.memory_space<hbm>>
      tpu.wait_dma2 semaphore(%run_scoped3A : memref<!tpu.dma_semaphore, #tpu.memory_space<semaphore_mem>>) src(%dma_wait3A_166 : memref<80x128xi32, #tpu.memory_space<hbm>>) dst(%arg6 : memref<80x128xi32, #tpu.memory_space<vmem>>)
      tpu.yield
    }) : () -> ()
    %mul3A_12 = arith.constant 80 : i32
    %mul3A_13 = arith.muli %arg1, %mul3A_12 : i32
    %add3A_14 = arith.constant 0 : i32
    %add3A_15 = arith.addi %add3A_14, %mul3A_13 : i32
    "tpu.region"() ({
      %run_scoped3A = tpu.sem_alloc : memref<!tpu.dma_semaphore, #tpu.memory_space<semaphore_mem>>
      %dma_start3A_160 = arith.constant 0 : i32
      %dma_start3A_161 = tpu.memref_slice %arg4[%add3A_15, %dma_start3A_160] : memref<2560x128xi32, #tpu.memory_space<hbm>> -> memref<80x128xi32, #tpu.memory_space<hbm>>
      %dma_start3A_162 = arith.constant 0 : i32
      %dma_start3A_163 = tpu.memref_slice %arg4[%add3A_15, %dma_start3A_162] : memref<2560x128xi32, #tpu.memory_space<hbm>> -> memref<80x128xi32, #tpu.memory_space<hbm>>
      tpu.enqueue_dma source(%dma_start3A_163 : memref<80x128xi32, #tpu.memory_space<hbm>>) target(%arg7 : memref<80x128xi32, #tpu.memory_space<vmem>>) target_semaphore(%run_scoped3A : memref<!tpu.dma_semaphore, #tpu.memory_space<semaphore_mem>>)
      %dma_wait3A = arith.constant 0 : i32
      %dma_wait3A_164 = tpu.memref_slice %arg4[%add3A_15, %dma_wait3A] : memref<2560x128xi32, #tpu.memory_space<hbm>> -> memref<80x128xi32, #tpu.memory_space<hbm>>
      %dma_wait3A_165 = arith.constant 0 : i32
      %dma_wait3A_166 = tpu.memref_slice %arg4[%add3A_15, %dma_wait3A_165] : memref<2560x128xi32, #tpu.memory_space<hbm>> -> memref<80x128xi32, #tpu.memory_space<hbm>>
      tpu.wait_dma2 semaphore(%run_scoped3A : memref<!tpu.dma_semaphore, #tpu.memory_space<semaphore_mem>>) src(%dma_wait3A_166 : memref<80x128xi32, #tpu.memory_space<hbm>>) dst(%arg7 : memref<80x128xi32, #tpu.memory_space<vmem>>)
      tpu.yield
    }) : () -> ()
    %rem3A = arith.constant 0 : i32
    %rem3A_16 = arith.constant 4 : i32
    %rem3A_17 = arith.remsi %rem3A, %rem3A_16 : i32
    %dma_start3A = arith.constant 0 : i32
    %dma_start3A_18 = arith.constant 0 : i32
    %dma_start3A_19 = arith.constant 0 : i32
    %dma_start3A_20 = tpu.memref_slice %arg8[%rem3A_17, %dma_start3A_18, %dma_start3A_19] : memref<4x128x128xf32, #tpu.memory_space<vmem>> -> memref<1x128x128xf32, #tpu.memory_space<vmem>>
    %dma_start3A_21 = tpu.memref_squeeze %dma_start3A_20 : memref<1x128x128xf32, #tpu.memory_space<vmem>> -> memref<128x128xf32, #tpu.memory_space<vmem>>
    %dma_start3A_22 = arith.constant 0 : i32
    %dma_start3A_23 = tpu.memref_slice %arg6[%dma_start3A, %dma_start3A_22] : memref<80x128xi32, #tpu.memory_space<vmem>> -> memref<1x128xi32, #tpu.memory_space<vmem>>
    %dma_start3A_24 = tpu.memref_squeeze %dma_start3A_23 : memref<1x128xi32, #tpu.memory_space<vmem>> -> memref<128xi32, #tpu.memory_space<vmem>>
    %dma_start3A_25 = arith.constant 0 : i32
    %dma_start3A_26 = arith.constant 0 : i32
    %dma_start3A_27 = tpu.memref_slice %arg2[%dma_start3A_25, %dma_start3A_26] : memref<20480x128xf32, #tpu.memory_space<hbm>> -> memref<20480x128xf32, #tpu.memory_space<hbm>>
    %dma_start3A_28 = arith.constant -1 : i32
    %dma_start3A_29 = tpu.memref_slice %arg10[%rem3A_17] : memref<4x!tpu.dma_semaphore, #tpu.memory_space<semaphore_mem>> -> memref<1x!tpu.dma_semaphore, #tpu.memory_space<semaphore_mem>>
    %dma_start3A_30 = tpu.memref_squeeze %dma_start3A_29 : memref<1x!tpu.dma_semaphore, #tpu.memory_space<semaphore_mem>> -> memref<!tpu.dma_semaphore, #tpu.memory_space<semaphore_mem>>
    tpu.enqueue_indirect_dma source(%dma_start3A_27 : memref<20480x128xf32, #tpu.memory_space<hbm>>) target(%dma_start3A_21 : memref<128x128xf32, #tpu.memory_space<vmem>>) offsets(%dma_start3A_24 : memref<128xi32, #tpu.memory_space<vmem>>) offset_filter(%dma_start3A_28) semaphore(%dma_start3A_30 : memref<!tpu.dma_semaphore, #tpu.memory_space<semaphore_mem>>)
    %rem3A_31 = arith.constant 1 : i32
    %rem3A_32 = arith.constant 4 : i32
    %rem3A_33 = arith.remsi %rem3A_31, %rem3A_32 : i32
    %dma_start3A_34 = arith.constant 1 : i32
    %dma_start3A_35 = arith.constant 0 : i32
    %dma_start3A_36 = arith.constant 0 : i32
    %dma_start3A_37 = tpu.memref_slice %arg8[%rem3A_33, %dma_start3A_35, %dma_start3A_36] : memref<4x128x128xf32, #tpu.memory_space<vmem>> -> memref<1x128x128xf32, #tpu.memory_space<vmem>>
    %dma_start3A_38 = tpu.memref_squeeze %dma_start3A_37 : memref<1x128x128xf32, #tpu.memory_space<vmem>> -> memref<128x128xf32, #tpu.memory_space<vmem>>
    %dma_start3A_39 = arith.constant 0 : i32
    %dma_start3A_40 = tpu.memref_slice %arg6[%dma_start3A_34, %dma_start3A_39] : memref<80x128xi32, #tpu.memory_space<vmem>> -> memref<1x128xi32, #tpu.memory_space<vmem>>
    %dma_start3A_41 = tpu.memref_squeeze %dma_start3A_40 : memref<1x128xi32, #tpu.memory_space<vmem>> -> memref<128xi32, #tpu.memory_space<vmem>>
    %dma_start3A_42 = arith.constant 0 : i32
    %dma_start3A_43 = arith.constant 0 : i32
    %dma_start3A_44 = tpu.memref_slice %arg2[%dma_start3A_42, %dma_start3A_43] : memref<20480x128xf32, #tpu.memory_space<hbm>> -> memref<20480x128xf32, #tpu.memory_space<hbm>>
    %dma_start3A_45 = arith.constant -1 : i32
    %dma_start3A_46 = tpu.memref_slice %arg10[%rem3A_33] : memref<4x!tpu.dma_semaphore, #tpu.memory_space<semaphore_mem>> -> memref<1x!tpu.dma_semaphore, #tpu.memory_space<semaphore_mem>>
    %dma_start3A_47 = tpu.memref_squeeze %dma_start3A_46 : memref<1x!tpu.dma_semaphore, #tpu.memory_space<semaphore_mem>> -> memref<!tpu.dma_semaphore, #tpu.memory_space<semaphore_mem>>
    tpu.enqueue_indirect_dma source(%dma_start3A_44 : memref<20480x128xf32, #tpu.memory_space<hbm>>) target(%dma_start3A_38 : memref<128x128xf32, #tpu.memory_space<vmem>>) offsets(%dma_start3A_41 : memref<128xi32, #tpu.memory_space<vmem>>) offset_filter(%dma_start3A_45) semaphore(%dma_start3A_47 : memref<!tpu.dma_semaphore, #tpu.memory_space<semaphore_mem>>)
    %rem3A_48 = arith.constant 2 : i32
    %rem3A_49 = arith.constant 4 : i32
    %rem3A_50 = arith.remsi %rem3A_48, %rem3A_49 : i32
    %dma_start3A_51 = arith.constant 2 : i32
    %dma_start3A_52 = arith.constant 0 : i32
    %dma_start3A_53 = arith.constant 0 : i32
    %dma_start3A_54 = tpu.memref_slice %arg8[%rem3A_50, %dma_start3A_52, %dma_start3A_53] : memref<4x128x128xf32, #tpu.memory_space<vmem>> -> memref<1x128x128xf32, #tpu.memory_space<vmem>>
    %dma_start3A_55 = tpu.memref_squeeze %dma_start3A_54 : memref<1x128x128xf32, #tpu.memory_space<vmem>> -> memref<128x128xf32, #tpu.memory_space<vmem>>
    %dma_start3A_56 = arith.constant 0 : i32
    %dma_start3A_57 = tpu.memref_slice %arg6[%dma_start3A_51, %dma_start3A_56] : memref<80x128xi32, #tpu.memory_space<vmem>> -> memref<1x128xi32, #tpu.memory_space<vmem>>
    %dma_start3A_58 = tpu.memref_squeeze %dma_start3A_57 : memref<1x128xi32, #tpu.memory_space<vmem>> -> memref<128xi32, #tpu.memory_space<vmem>>
    %dma_start3A_59 = arith.constant 0 : i32
    %dma_start3A_60 = arith.constant 0 : i32
    %dma_start3A_61 = tpu.memref_slice %arg2[%dma_start3A_59, %dma_start3A_60] : memref<20480x128xf32, #tpu.memory_space<hbm>> -> memref<20480x128xf32, #tpu.memory_space<hbm>>
    %dma_start3A_62 = arith.constant -1 : i32
    %dma_start3A_63 = tpu.memref_slice %arg10[%rem3A_50] : memref<4x!tpu.dma_semaphore, #tpu.memory_space<semaphore_mem>> -> memref<1x!tpu.dma_semaphore, #tpu.memory_space<semaphore_mem>>
    %dma_start3A_64 = tpu.memref_squeeze %dma_start3A_63 : memref<1x!tpu.dma_semaphore, #tpu.memory_space<semaphore_mem>> -> memref<!tpu.dma_semaphore, #tpu.memory_space<semaphore_mem>>
    tpu.enqueue_indirect_dma source(%dma_start3A_61 : memref<20480x128xf32, #tpu.memory_space<hbm>>) target(%dma_start3A_55 : memref<128x128xf32, #tpu.memory_space<vmem>>) offsets(%dma_start3A_58 : memref<128xi32, #tpu.memory_space<vmem>>) offset_filter(%dma_start3A_62) semaphore(%dma_start3A_64 : memref<!tpu.dma_semaphore, #tpu.memory_space<semaphore_mem>>)
    %scan3A = arith.constant 0 : i32
    %scan3A_65 = arith.constant 0 : i32
    %scan3A_66 = arith.constant 80 : i32
    %scan3A_67 = arith.addi %scan3A_65, %scan3A_66 : i32
    %scan3A_68 = arith.constant 1 : i32
    %scan3A_69 = scf.for %scan3A_160 = %scan3A_65 to %scan3A_67 step %scan3A_68 iter_args(%scan3A_161 = %scan3A) -> (i32)  : i32 {
      %rem3A_162 = arith.constant 4 : i32
      %rem3A_163 = arith.remsi %scan3A_160, %rem3A_162 : i32
      %rem3A_164 = arith.constant 4 : i32
      %rem3A_165 = arith.remsi %scan3A_160, %rem3A_164 : i32
      %dma_wait3A = arith.constant 0 : i32
      %dma_wait3A_166 = arith.constant 0 : i32
      %dma_wait3A_167 = tpu.memref_slice %arg8[%rem3A_165, %dma_wait3A, %dma_wait3A_166] : memref<4x128x128xf32, #tpu.memory_space<vmem>> -> memref<1x128x128xf32, #tpu.memory_space<vmem>>
      %dma_wait3A_168 = tpu.memref_squeeze %dma_wait3A_167 : memref<1x128x128xf32, #tpu.memory_space<vmem>> -> memref<128x128xf32, #tpu.memory_space<vmem>>
      %dma_wait3A_169 = arith.constant 0 : i32
      %dma_wait3A_170 = tpu.memref_slice %arg6[%scan3A_160, %dma_wait3A_169] : memref<80x128xi32, #tpu.memory_space<vmem>> -> memref<1x128xi32, #tpu.memory_space<vmem>>
      %dma_wait3A_171 = tpu.memref_squeeze %dma_wait3A_170 : memref<1x128xi32, #tpu.memory_space<vmem>> -> memref<128xi32, #tpu.memory_space<vmem>>
      %dma_wait3A_172 = arith.constant 0 : i32
      %dma_wait3A_173 = arith.constant 0 : i32
      %dma_wait3A_174 = tpu.memref_slice %arg2[%dma_wait3A_172, %dma_wait3A_173] : memref<20480x128xf32, #tpu.memory_space<hbm>> -> memref<20480x128xf32, #tpu.memory_space<hbm>>
      %dma_wait3A_175 = tpu.memref_slice %arg10[%rem3A_165] : memref<4x!tpu.dma_semaphore, #tpu.memory_space<semaphore_mem>> -> memref<1x!tpu.dma_semaphore, #tpu.memory_space<semaphore_mem>>
      %dma_wait3A_176 = tpu.memref_squeeze %dma_wait3A_175 : memref<1x!tpu.dma_semaphore, #tpu.memory_space<semaphore_mem>> -> memref<!tpu.dma_semaphore, #tpu.memory_space<semaphore_mem>>
      tpu.wait_indirect_dma semaphore(%dma_wait3A_176 : memref<!tpu.dma_semaphore, #tpu.memory_space<semaphore_mem>>) src(%dma_wait3A_174 : memref<20480x128xf32, #tpu.memory_space<hbm>>) dst(%dma_wait3A_168 : memref<128x128xf32, #tpu.memory_space<vmem>>)
      %lt3A = arith.constant 77 : i32
      %lt3A_177 = arith.cmpi slt, %scan3A_160, %lt3A : i32
      %convert_element_type3A = arith.extui %lt3A_177 : i1 to i32
      %cond3A = arith.constant 0 : i32
      %cond3A_178 = arith.cmpi ne, %convert_element_type3A, %cond3A : i32
      scf.if %cond3A_178 {
        %add3A_180 = arith.constant 3 : i32
        %add3A_181 = arith.addi %scan3A_160, %add3A_180 : i32
        %rem3A_182 = arith.constant 4 : i32
        %rem3A_183 = arith.remsi %add3A_181, %rem3A_182 : i32
        %dma_start3A_184 = arith.constant 0 : i32
        %dma_start3A_185 = arith.constant 0 : i32
        %dma_start3A_186 = tpu.memref_slice %arg8[%rem3A_183, %dma_start3A_184, %dma_start3A_185] : memref<4x128x128xf32, #tpu.memory_space<vmem>> -> memref<1x128x128xf32, #tpu.memory_space<vmem>>
        %dma_start3A_187 = tpu.memref_squeeze %dma_start3A_186 : memref<1x128x128xf32, #tpu.memory_space<vmem>> -> memref<128x128xf32, #tpu.memory_space<vmem>>
        %dma_start3A_188 = arith.constant 0 : i32
        %dma_start3A_189 = tpu.memref_slice %arg6[%add3A_181, %dma_start3A_188] : memref<80x128xi32, #tpu.memory_space<vmem>> -> memref<1x128xi32, #tpu.memory_space<vmem>>
        %dma_start3A_190 = tpu.memref_squeeze %dma_start3A_189 : memref<1x128xi32, #tpu.memory_space<vmem>> -> memref<128xi32, #tpu.memory_space<vmem>>
        %dma_start3A_191 = arith.constant 0 : i32
        %dma_start3A_192 = arith.constant 0 : i32
        %dma_start3A_193 = tpu.memref_slice %arg2[%dma_start3A_191, %dma_start3A_192] : memref<20480x128xf32, #tpu.memory_space<hbm>> -> memref<20480x128xf32, #tpu.memory_space<hbm>>
        %dma_start3A_194 = arith.constant -1 : i32
        %dma_start3A_195 = tpu.memref_slice %arg10[%rem3A_183] : memref<4x!tpu.dma_semaphore, #tpu.memory_space<semaphore_mem>> -> memref<1x!tpu.dma_semaphore, #tpu.memory_space<semaphore_mem>>
        %dma_start3A_196 = tpu.memref_squeeze %dma_start3A_195 : memref<1x!tpu.dma_semaphore, #tpu.memory_space<semaphore_mem>> -> memref<!tpu.dma_semaphore, #tpu.memory_space<semaphore_mem>>
        tpu.enqueue_indirect_dma source(%dma_start3A_193 : memref<20480x128xf32, #tpu.memory_space<hbm>>) target(%dma_start3A_187 : memref<128x128xf32, #tpu.memory_space<vmem>>) offsets(%dma_start3A_190 : memref<128xi32, #tpu.memory_space<vmem>>) offset_filter(%dma_start3A_194) semaphore(%dma_start3A_196 : memref<!tpu.dma_semaphore, #tpu.memory_space<semaphore_mem>>)
      } else {
      }
      "tpu.region"() ({
        %run_scoped3A = tpu.sem_alloc : memref<!tpu.dma_semaphore, #tpu.memory_space<semaphore_mem>>
        %dma_start3A_180 = arith.constant 0 : i32
        %dma_start3A_181 = arith.constant 0 : i32
        %dma_start3A_182 = tpu.memref_slice %arg8[%rem3A_163, %dma_start3A_180, %dma_start3A_181] : memref<4x128x128xf32, #tpu.memory_space<vmem>> -> memref<1x128x128xf32, #tpu.memory_space<vmem>>
        %dma_start3A_183 = tpu.memref_squeeze %dma_start3A_182 : memref<1x128x128xf32, #tpu.memory_space<vmem>> -> memref<128x128xf32, #tpu.memory_space<vmem>>
        %dma_start3A_184 = arith.constant 0 : i32
        %dma_start3A_185 = tpu.memref_slice %arg7[%scan3A_160, %dma_start3A_184] : memref<80x128xi32, #tpu.memory_space<vmem>> -> memref<1x128xi32, #tpu.memory_space<vmem>>
        %dma_start3A_186 = tpu.memref_squeeze %dma_start3A_185 : memref<1x128xi32, #tpu.memory_space<vmem>> -> memref<128xi32, #tpu.memory_space<vmem>>
        %dma_start3A_187 = arith.constant 0 : i32
        %dma_start3A_188 = arith.constant 0 : i32
        %dma_start3A_189 = tpu.memref_slice %arg9[%dma_start3A_187, %dma_start3A_188] : memref<5120x128xf32, #tpu.memory_space<vmem_shared>> -> memref<5120x128xf32, #tpu.memory_space<vmem_shared>>
        %dma_start3A_190 = arith.constant -1 : i32
        tpu.enqueue_indirect_dma source(%dma_start3A_183 : memref<128x128xf32, #tpu.memory_space<vmem>>) target(%dma_start3A_189 : memref<5120x128xf32, #tpu.memory_space<vmem_shared>>) offsets(%dma_start3A_186 : memref<128xi32, #tpu.memory_space<vmem>>) offset_filter(%dma_start3A_190) semaphore(%run_scoped3A : memref<!tpu.dma_semaphore, #tpu.memory_space<semaphore_mem>>) {add = true}
        %dma_wait3A_191 = arith.constant 0 : i32
        %dma_wait3A_192 = arith.constant 0 : i32
        %dma_wait3A_193 = tpu.memref_slice %arg8[%rem3A_163, %dma_wait3A_191, %dma_wait3A_192] : memref<4x128x128xf32, #tpu.memory_space<vmem>> -> memref<1x128x128xf32, #tpu.memory_space<vmem>>
        %dma_wait3A_194 = tpu.memref_squeeze %dma_wait3A_193 : memref<1x128x128xf32, #tpu.memory_space<vmem>> -> memref<128x128xf32, #tpu.memory_space<vmem>>
        %dma_wait3A_195 = arith.constant 0 : i32
        %dma_wait3A_196 = tpu.memref_slice %arg7[%scan3A_160, %dma_wait3A_195] : memref<80x128xi32, #tpu.memory_space<vmem>> -> memref<1x128xi32, #tpu.memory_space<vmem>>
        %dma_wait3A_197 = tpu.memref_squeeze %dma_wait3A_196 : memref<1x128xi32, #tpu.memory_space<vmem>> -> memref<128xi32, #tpu.memory_space<vmem>>
        %dma_wait3A_198 = arith.constant 0 : i32
        %dma_wait3A_199 = arith.constant 0 : i32
        %dma_wait3A_200 = tpu.memref_slice %arg9[%dma_wait3A_198, %dma_wait3A_199] : memref<5120x128xf32, #tpu.memory_space<vmem_shared>> -> memref<5120x128xf32, #tpu.memory_space<vmem_shared>>
        tpu.wait_indirect_dma semaphore(%run_scoped3A : memref<!tpu.dma_semaphore, #tpu.memory_space<semaphore_mem>>) src(%dma_wait3A_194 : memref<128x128xf32, #tpu.memory_space<vmem>>) dst(%dma_wait3A_200 : memref<5120x128xf32, #tpu.memory_space<vmem_shared>>)
        tpu.yield
      }) : () -> ()
      %scan3A_179 = arith.constant 0 : i32
      scf.yield %scan3A_179 : i32
    }
    %scan3A_70 = arith.constant 80 : i32
    %barrier3A_71 = arith.constant 0 : index
    tpu.barrier barrier_id(%barrier3A_71)
    %mul3A_72 = arith.constant 10240 : i32
    %mul3A_73 = arith.muli %arg0, %mul3A_72 : i32
    %add3A_74 = arith.constant 0 : i32
    %add3A_75 = arith.addi %mul3A_73, %add3A_74 : i32
    %add3A_76 = arith.addi %add3A_75, %mul3A_0 : i32
    "tpu.region"() ({
      %run_scoped3A = tpu.sem_alloc : memref<!tpu.dma_semaphore, #tpu.memory_space<semaphore_mem>>
      %dma_start3A_160 = arith.constant 0 : i32
      %dma_start3A_161 = tpu.memref_slice %arg5[%add3A_76, %dma_start3A_160] : memref<20480x128xf32, #tpu.memory_space<hbm>> -> memref<320x128xf32, #tpu.memory_space<hbm>>
      %dma_start3A_162 = arith.constant 0 : i32
      %dma_start3A_163 = tpu.memref_slice %arg9[%mul3A_0, %dma_start3A_162] : memref<5120x128xf32, #tpu.memory_space<vmem_shared>> -> memref<320x128xf32, #tpu.memory_space<vmem_shared>>
      tpu.enqueue_dma source(%dma_start3A_163 : memref<320x128xf32, #tpu.memory_space<vmem_shared>>) target(%dma_start3A_161 : memref<320x128xf32, #tpu.memory_space<hbm>>) target_semaphore(%run_scoped3A : memref<!tpu.dma_semaphore, #tpu.memory_space<semaphore_mem>>)
      %dma_wait3A = arith.constant 0 : i32
      %dma_wait3A_164 = tpu.memref_slice %arg5[%add3A_76, %dma_wait3A] : memref<20480x128xf32, #tpu.memory_space<hbm>> -> memref<320x128xf32, #tpu.memory_space<hbm>>
      %dma_wait3A_165 = arith.constant 0 : i32
      %dma_wait3A_166 = tpu.memref_slice %arg9[%mul3A_0, %dma_wait3A_165] : memref<5120x128xf32, #tpu.memory_space<vmem_shared>> -> memref<320x128xf32, #tpu.memory_space<vmem_shared>>
      tpu.wait_dma2 semaphore(%run_scoped3A : memref<!tpu.dma_semaphore, #tpu.memory_space<semaphore_mem>>) src(%dma_wait3A_166 : memref<320x128xf32, #tpu.memory_space<vmem_shared>>) dst(%dma_wait3A_164 : memref<320x128xf32, #tpu.memory_space<hbm>>)
      tpu.yield
    }) : () -> ()
    %barrier3A_77 = arith.constant 0 : index
    tpu.barrier barrier_id(%barrier3A_77)
    %mul3A_78 = arith.constant 10240 : i32
    %mul3A_79 = arith.muli %arg0, %mul3A_78 : i32
    %add3A_80 = arith.constant 5120 : i32
    %add3A_81 = arith.addi %mul3A_79, %add3A_80 : i32
    %add3A_82 = arith.addi %add3A_81, %mul3A_0 : i32
    "tpu.region"() ({
      %run_scoped3A = tpu.sem_alloc : memref<!tpu.dma_semaphore, #tpu.memory_space<semaphore_mem>>
      %dma_start3A_160 = arith.constant 0 : i32
      %dma_start3A_161 = tpu.memref_slice %arg9[%mul3A_0, %dma_start3A_160] : memref<5120x128xf32, #tpu.memory_space<vmem_shared>> -> memref<320x128xf32, #tpu.memory_space<vmem_shared>>
      %dma_start3A_162 = arith.constant 0 : i32
      %dma_start3A_163 = tpu.memref_slice %arg2[%add3A_82, %dma_start3A_162] : memref<20480x128xf32, #tpu.memory_space<hbm>> -> memref<320x128xf32, #tpu.memory_space<hbm>>
      tpu.enqueue_dma source(%dma_start3A_163 : memref<320x128xf32, #tpu.memory_space<hbm>>) target(%dma_start3A_161 : memref<320x128xf32, #tpu.memory_space<vmem_shared>>) target_semaphore(%run_scoped3A : memref<!tpu.dma_semaphore, #tpu.memory_space<semaphore_mem>>)
      %dma_wait3A = arith.constant 0 : i32
      %dma_wait3A_164 = tpu.memref_slice %arg9[%mul3A_0, %dma_wait3A] : memref<5120x128xf32, #tpu.memory_space<vmem_shared>> -> memref<320x128xf32, #tpu.memory_space<vmem_shared>>
      %dma_wait3A_165 = arith.constant 0 : i32
      %dma_wait3A_166 = tpu.memref_slice %arg2[%add3A_82, %dma_wait3A_165] : memref<20480x128xf32, #tpu.memory_space<hbm>> -> memref<320x128xf32, #tpu.memory_space<hbm>>
      tpu.wait_dma2 semaphore(%run_scoped3A : memref<!tpu.dma_semaphore, #tpu.memory_space<semaphore_mem>>) src(%dma_wait3A_166 : memref<320x128xf32, #tpu.memory_space<hbm>>) dst(%dma_wait3A_164 : memref<320x128xf32, #tpu.memory_space<vmem_shared>>)
      tpu.yield
    }) : () -> ()
    %barrier3A_83 = arith.constant 0 : index
    tpu.barrier barrier_id(%barrier3A_83)
    %add3A_84 = arith.constant 2 : i32
    %add3A_85 = arith.addi %add3A_84, %arg0 : i32
    %mul3A_86 = arith.constant 1280 : i32
    %mul3A_87 = arith.muli %add3A_85, %mul3A_86 : i32
    %mul3A_88 = arith.constant 80 : i32
    %mul3A_89 = arith.muli %arg1, %mul3A_88 : i32
    %add3A_90 = arith.addi %mul3A_87, %mul3A_89 : i32
    "tpu.region"() ({
      %run_scoped3A = tpu.sem_alloc : memref<!tpu.dma_semaphore, #tpu.memory_space<semaphore_mem>>
      %dma_start3A_160 = arith.constant 0 : i32
      %dma_start3A_161 = tpu.memref_slice %arg3[%add3A_90, %dma_start3A_160] : memref<5120x128xi32, #tpu.memory_space<hbm>> -> memref<80x128xi32, #tpu.memory_space<hbm>>
      %dma_start3A_162 = arith.constant 0 : i32
      %dma_start3A_163 = tpu.memref_slice %arg3[%add3A_90, %dma_start3A_162] : memref<5120x128xi32, #tpu.memory_space<hbm>> -> memref<80x128xi32, #tpu.memory_space<hbm>>
      tpu.enqueue_dma source(%dma_start3A_163 : memref<80x128xi32, #tpu.memory_space<hbm>>) target(%arg6 : memref<80x128xi32, #tpu.memory_space<vmem>>) target_semaphore(%run_scoped3A : memref<!tpu.dma_semaphore, #tpu.memory_space<semaphore_mem>>)
      %dma_wait3A = arith.constant 0 : i32
      %dma_wait3A_164 = tpu.memref_slice %arg3[%add3A_90, %dma_wait3A] : memref<5120x128xi32, #tpu.memory_space<hbm>> -> memref<80x128xi32, #tpu.memory_space<hbm>>
      %dma_wait3A_165 = arith.constant 0 : i32
      %dma_wait3A_166 = tpu.memref_slice %arg3[%add3A_90, %dma_wait3A_165] : memref<5120x128xi32, #tpu.memory_space<hbm>> -> memref<80x128xi32, #tpu.memory_space<hbm>>
      tpu.wait_dma2 semaphore(%run_scoped3A : memref<!tpu.dma_semaphore, #tpu.memory_space<semaphore_mem>>) src(%dma_wait3A_166 : memref<80x128xi32, #tpu.memory_space<hbm>>) dst(%arg6 : memref<80x128xi32, #tpu.memory_space<vmem>>)
      tpu.yield
    }) : () -> ()
    %mul3A_91 = arith.constant 80 : i32
    %mul3A_92 = arith.muli %arg1, %mul3A_91 : i32
    %add3A_93 = arith.constant 1280 : i32
    %add3A_94 = arith.addi %add3A_93, %mul3A_92 : i32
    "tpu.region"() ({
      %run_scoped3A = tpu.sem_alloc : memref<!tpu.dma_semaphore, #tpu.memory_space<semaphore_mem>>
      %dma_start3A_160 = arith.constant 0 : i32
      %dma_start3A_161 = tpu.memref_slice %arg4[%add3A_94, %dma_start3A_160] : memref<2560x128xi32, #tpu.memory_space<hbm>> -> memref<80x128xi32, #tpu.memory_space<hbm>>
      %dma_start3A_162 = arith.constant 0 : i32
      %dma_start3A_163 = tpu.memref_slice %arg4[%add3A_94, %dma_start3A_162] : memref<2560x128xi32, #tpu.memory_space<hbm>> -> memref<80x128xi32, #tpu.memory_space<hbm>>
      tpu.enqueue_dma source(%dma_start3A_163 : memref<80x128xi32, #tpu.memory_space<hbm>>) target(%arg7 : memref<80x128xi32, #tpu.memory_space<vmem>>) target_semaphore(%run_scoped3A : memref<!tpu.dma_semaphore, #tpu.memory_space<semaphore_mem>>)
      %dma_wait3A = arith.constant 0 : i32
      %dma_wait3A_164 = tpu.memref_slice %arg4[%add3A_94, %dma_wait3A] : memref<2560x128xi32, #tpu.memory_space<hbm>> -> memref<80x128xi32, #tpu.memory_space<hbm>>
      %dma_wait3A_165 = arith.constant 0 : i32
      %dma_wait3A_166 = tpu.memref_slice %arg4[%add3A_94, %dma_wait3A_165] : memref<2560x128xi32, #tpu.memory_space<hbm>> -> memref<80x128xi32, #tpu.memory_space<hbm>>
      tpu.wait_dma2 semaphore(%run_scoped3A : memref<!tpu.dma_semaphore, #tpu.memory_space<semaphore_mem>>) src(%dma_wait3A_166 : memref<80x128xi32, #tpu.memory_space<hbm>>) dst(%arg7 : memref<80x128xi32, #tpu.memory_space<vmem>>)
      tpu.yield
    }) : () -> ()
    %rem3A_95 = arith.constant 0 : i32
    %rem3A_96 = arith.constant 4 : i32
    %rem3A_97 = arith.remsi %rem3A_95, %rem3A_96 : i32
    %dma_start3A_98 = arith.constant 0 : i32
    %dma_start3A_99 = arith.constant 0 : i32
    %dma_start3A_100 = arith.constant 0 : i32
    %dma_start3A_101 = tpu.memref_slice %arg8[%rem3A_97, %dma_start3A_99, %dma_start3A_100] : memref<4x128x128xf32, #tpu.memory_space<vmem>> -> memref<1x128x128xf32, #tpu.memory_space<vmem>>
    %dma_start3A_102 = tpu.memref_squeeze %dma_start3A_101 : memref<1x128x128xf32, #tpu.memory_space<vmem>> -> memref<128x128xf32, #tpu.memory_space<vmem>>
    %dma_start3A_103 = arith.constant 0 : i32
    %dma_start3A_104 = tpu.memref_slice %arg6[%dma_start3A_98, %dma_start3A_103] : memref<80x128xi32, #tpu.memory_space<vmem>> -> memref<1x128xi32, #tpu.memory_space<vmem>>
    %dma_start3A_105 = tpu.memref_squeeze %dma_start3A_104 : memref<1x128xi32, #tpu.memory_space<vmem>> -> memref<128xi32, #tpu.memory_space<vmem>>
    %dma_start3A_106 = arith.constant 0 : i32
    %dma_start3A_107 = arith.constant 0 : i32
    %dma_start3A_108 = tpu.memref_slice %arg2[%dma_start3A_106, %dma_start3A_107] : memref<20480x128xf32, #tpu.memory_space<hbm>> -> memref<20480x128xf32, #tpu.memory_space<hbm>>
    %dma_start3A_109 = arith.constant -1 : i32
    %dma_start3A_110 = tpu.memref_slice %arg10[%rem3A_97] : memref<4x!tpu.dma_semaphore, #tpu.memory_space<semaphore_mem>> -> memref<1x!tpu.dma_semaphore, #tpu.memory_space<semaphore_mem>>
    %dma_start3A_111 = tpu.memref_squeeze %dma_start3A_110 : memref<1x!tpu.dma_semaphore, #tpu.memory_space<semaphore_mem>> -> memref<!tpu.dma_semaphore, #tpu.memory_space<semaphore_mem>>
    tpu.enqueue_indirect_dma source(%dma_start3A_108 : memref<20480x128xf32, #tpu.memory_space<hbm>>) target(%dma_start3A_102 : memref<128x128xf32, #tpu.memory_space<vmem>>) offsets(%dma_start3A_105 : memref<128xi32, #tpu.memory_space<vmem>>) offset_filter(%dma_start3A_109) semaphore(%dma_start3A_111 : memref<!tpu.dma_semaphore, #tpu.memory_space<semaphore_mem>>)
    %rem3A_112 = arith.constant 1 : i32
    %rem3A_113 = arith.constant 4 : i32
    %rem3A_114 = arith.remsi %rem3A_112, %rem3A_113 : i32
    %dma_start3A_115 = arith.constant 1 : i32
    %dma_start3A_116 = arith.constant 0 : i32
    %dma_start3A_117 = arith.constant 0 : i32
    %dma_start3A_118 = tpu.memref_slice %arg8[%rem3A_114, %dma_start3A_116, %dma_start3A_117] : memref<4x128x128xf32, #tpu.memory_space<vmem>> -> memref<1x128x128xf32, #tpu.memory_space<vmem>>
    %dma_start3A_119 = tpu.memref_squeeze %dma_start3A_118 : memref<1x128x128xf32, #tpu.memory_space<vmem>> -> memref<128x128xf32, #tpu.memory_space<vmem>>
    %dma_start3A_120 = arith.constant 0 : i32
    %dma_start3A_121 = tpu.memref_slice %arg6[%dma_start3A_115, %dma_start3A_120] : memref<80x128xi32, #tpu.memory_space<vmem>> -> memref<1x128xi32, #tpu.memory_space<vmem>>
    %dma_start3A_122 = tpu.memref_squeeze %dma_start3A_121 : memref<1x128xi32, #tpu.memory_space<vmem>> -> memref<128xi32, #tpu.memory_space<vmem>>
    %dma_start3A_123 = arith.constant 0 : i32
    %dma_start3A_124 = arith.constant 0 : i32
    %dma_start3A_125 = tpu.memref_slice %arg2[%dma_start3A_123, %dma_start3A_124] : memref<20480x128xf32, #tpu.memory_space<hbm>> -> memref<20480x128xf32, #tpu.memory_space<hbm>>
    %dma_start3A_126 = arith.constant -1 : i32
    %dma_start3A_127 = tpu.memref_slice %arg10[%rem3A_114] : memref<4x!tpu.dma_semaphore, #tpu.memory_space<semaphore_mem>> -> memref<1x!tpu.dma_semaphore, #tpu.memory_space<semaphore_mem>>
    %dma_start3A_128 = tpu.memref_squeeze %dma_start3A_127 : memref<1x!tpu.dma_semaphore, #tpu.memory_space<semaphore_mem>> -> memref<!tpu.dma_semaphore, #tpu.memory_space<semaphore_mem>>
    tpu.enqueue_indirect_dma source(%dma_start3A_125 : memref<20480x128xf32, #tpu.memory_space<hbm>>) target(%dma_start3A_119 : memref<128x128xf32, #tpu.memory_space<vmem>>) offsets(%dma_start3A_122 : memref<128xi32, #tpu.memory_space<vmem>>) offset_filter(%dma_start3A_126) semaphore(%dma_start3A_128 : memref<!tpu.dma_semaphore, #tpu.memory_space<semaphore_mem>>)
    %rem3A_129 = arith.constant 2 : i32
    %rem3A_130 = arith.constant 4 : i32
    %rem3A_131 = arith.remsi %rem3A_129, %rem3A_130 : i32
    %dma_start3A_132 = arith.constant 2 : i32
    %dma_start3A_133 = arith.constant 0 : i32
    %dma_start3A_134 = arith.constant 0 : i32
    %dma_start3A_135 = tpu.memref_slice %arg8[%rem3A_131, %dma_start3A_133, %dma_start3A_134] : memref<4x128x128xf32, #tpu.memory_space<vmem>> -> memref<1x128x128xf32, #tpu.memory_space<vmem>>
    %dma_start3A_136 = tpu.memref_squeeze %dma_start3A_135 : memref<1x128x128xf32, #tpu.memory_space<vmem>> -> memref<128x128xf32, #tpu.memory_space<vmem>>
    %dma_start3A_137 = arith.constant 0 : i32
    %dma_start3A_138 = tpu.memref_slice %arg6[%dma_start3A_132, %dma_start3A_137] : memref<80x128xi32, #tpu.memory_space<vmem>> -> memref<1x128xi32, #tpu.memory_space<vmem>>
    %dma_start3A_139 = tpu.memref_squeeze %dma_start3A_138 : memref<1x128xi32, #tpu.memory_space<vmem>> -> memref<128xi32, #tpu.memory_space<vmem>>
    %dma_start3A_140 = arith.constant 0 : i32
    %dma_start3A_141 = arith.constant 0 : i32
    %dma_start3A_142 = tpu.memref_slice %arg2[%dma_start3A_140, %dma_start3A_141] : memref<20480x128xf32, #tpu.memory_space<hbm>> -> memref<20480x128xf32, #tpu.memory_space<hbm>>
    %dma_start3A_143 = arith.constant -1 : i32
    %dma_start3A_144 = tpu.memref_slice %arg10[%rem3A_131] : memref<4x!tpu.dma_semaphore, #tpu.memory_space<semaphore_mem>> -> memref<1x!tpu.dma_semaphore, #tpu.memory_space<semaphore_mem>>
    %dma_start3A_145 = tpu.memref_squeeze %dma_start3A_144 : memref<1x!tpu.dma_semaphore, #tpu.memory_space<semaphore_mem>> -> memref<!tpu.dma_semaphore, #tpu.memory_space<semaphore_mem>>
    tpu.enqueue_indirect_dma source(%dma_start3A_142 : memref<20480x128xf32, #tpu.memory_space<hbm>>) target(%dma_start3A_136 : memref<128x128xf32, #tpu.memory_space<vmem>>) offsets(%dma_start3A_139 : memref<128xi32, #tpu.memory_space<vmem>>) offset_filter(%dma_start3A_143) semaphore(%dma_start3A_145 : memref<!tpu.dma_semaphore, #tpu.memory_space<semaphore_mem>>)
    %scan3A_146 = arith.constant 0 : i32
    %scan3A_147 = arith.constant 0 : i32
    %scan3A_148 = arith.constant 80 : i32
    %scan3A_149 = arith.addi %scan3A_147, %scan3A_148 : i32
    %scan3A_150 = arith.constant 1 : i32
    %scan3A_151 = scf.for %scan3A_160 = %scan3A_147 to %scan3A_149 step %scan3A_150 iter_args(%scan3A_161 = %scan3A_146) -> (i32)  : i32 {
      %rem3A_162 = arith.constant 4 : i32
      %rem3A_163 = arith.remsi %scan3A_160, %rem3A_162 : i32
      %rem3A_164 = arith.constant 4 : i32
      %rem3A_165 = arith.remsi %scan3A_160, %rem3A_164 : i32
      %dma_wait3A = arith.constant 0 : i32
      %dma_wait3A_166 = arith.constant 0 : i32
      %dma_wait3A_167 = tpu.memref_slice %arg8[%rem3A_165, %dma_wait3A, %dma_wait3A_166] : memref<4x128x128xf32, #tpu.memory_space<vmem>> -> memref<1x128x128xf32, #tpu.memory_space<vmem>>
      %dma_wait3A_168 = tpu.memref_squeeze %dma_wait3A_167 : memref<1x128x128xf32, #tpu.memory_space<vmem>> -> memref<128x128xf32, #tpu.memory_space<vmem>>
      %dma_wait3A_169 = arith.constant 0 : i32
      %dma_wait3A_170 = tpu.memref_slice %arg6[%scan3A_160, %dma_wait3A_169] : memref<80x128xi32, #tpu.memory_space<vmem>> -> memref<1x128xi32, #tpu.memory_space<vmem>>
      %dma_wait3A_171 = tpu.memref_squeeze %dma_wait3A_170 : memref<1x128xi32, #tpu.memory_space<vmem>> -> memref<128xi32, #tpu.memory_space<vmem>>
      %dma_wait3A_172 = arith.constant 0 : i32
      %dma_wait3A_173 = arith.constant 0 : i32
      %dma_wait3A_174 = tpu.memref_slice %arg2[%dma_wait3A_172, %dma_wait3A_173] : memref<20480x128xf32, #tpu.memory_space<hbm>> -> memref<20480x128xf32, #tpu.memory_space<hbm>>
      %dma_wait3A_175 = tpu.memref_slice %arg10[%rem3A_165] : memref<4x!tpu.dma_semaphore, #tpu.memory_space<semaphore_mem>> -> memref<1x!tpu.dma_semaphore, #tpu.memory_space<semaphore_mem>>
      %dma_wait3A_176 = tpu.memref_squeeze %dma_wait3A_175 : memref<1x!tpu.dma_semaphore, #tpu.memory_space<semaphore_mem>> -> memref<!tpu.dma_semaphore, #tpu.memory_space<semaphore_mem>>
      tpu.wait_indirect_dma semaphore(%dma_wait3A_176 : memref<!tpu.dma_semaphore, #tpu.memory_space<semaphore_mem>>) src(%dma_wait3A_174 : memref<20480x128xf32, #tpu.memory_space<hbm>>) dst(%dma_wait3A_168 : memref<128x128xf32, #tpu.memory_space<vmem>>)
      %lt3A = arith.constant 77 : i32
      %lt3A_177 = arith.cmpi slt, %scan3A_160, %lt3A : i32
      %convert_element_type3A = arith.extui %lt3A_177 : i1 to i32
      %cond3A = arith.constant 0 : i32
      %cond3A_178 = arith.cmpi ne, %convert_element_type3A, %cond3A : i32
      scf.if %cond3A_178 {
        %add3A_180 = arith.constant 3 : i32
        %add3A_181 = arith.addi %scan3A_160, %add3A_180 : i32
        %rem3A_182 = arith.constant 4 : i32
        %rem3A_183 = arith.remsi %add3A_181, %rem3A_182 : i32
        %dma_start3A_184 = arith.constant 0 : i32
        %dma_start3A_185 = arith.constant 0 : i32
        %dma_start3A_186 = tpu.memref_slice %arg8[%rem3A_183, %dma_start3A_184, %dma_start3A_185] : memref<4x128x128xf32, #tpu.memory_space<vmem>> -> memref<1x128x128xf32, #tpu.memory_space<vmem>>
        %dma_start3A_187 = tpu.memref_squeeze %dma_start3A_186 : memref<1x128x128xf32, #tpu.memory_space<vmem>> -> memref<128x128xf32, #tpu.memory_space<vmem>>
        %dma_start3A_188 = arith.constant 0 : i32
        %dma_start3A_189 = tpu.memref_slice %arg6[%add3A_181, %dma_start3A_188] : memref<80x128xi32, #tpu.memory_space<vmem>> -> memref<1x128xi32, #tpu.memory_space<vmem>>
        %dma_start3A_190 = tpu.memref_squeeze %dma_start3A_189 : memref<1x128xi32, #tpu.memory_space<vmem>> -> memref<128xi32, #tpu.memory_space<vmem>>
        %dma_start3A_191 = arith.constant 0 : i32
        %dma_start3A_192 = arith.constant 0 : i32
        %dma_start3A_193 = tpu.memref_slice %arg2[%dma_start3A_191, %dma_start3A_192] : memref<20480x128xf32, #tpu.memory_space<hbm>> -> memref<20480x128xf32, #tpu.memory_space<hbm>>
        %dma_start3A_194 = arith.constant -1 : i32
        %dma_start3A_195 = tpu.memref_slice %arg10[%rem3A_183] : memref<4x!tpu.dma_semaphore, #tpu.memory_space<semaphore_mem>> -> memref<1x!tpu.dma_semaphore, #tpu.memory_space<semaphore_mem>>
        %dma_start3A_196 = tpu.memref_squeeze %dma_start3A_195 : memref<1x!tpu.dma_semaphore, #tpu.memory_space<semaphore_mem>> -> memref<!tpu.dma_semaphore, #tpu.memory_space<semaphore_mem>>
        tpu.enqueue_indirect_dma source(%dma_start3A_193 : memref<20480x128xf32, #tpu.memory_space<hbm>>) target(%dma_start3A_187 : memref<128x128xf32, #tpu.memory_space<vmem>>) offsets(%dma_start3A_190 : memref<128xi32, #tpu.memory_space<vmem>>) offset_filter(%dma_start3A_194) semaphore(%dma_start3A_196 : memref<!tpu.dma_semaphore, #tpu.memory_space<semaphore_mem>>)
      } else {
      }
      "tpu.region"() ({
        %run_scoped3A = tpu.sem_alloc : memref<!tpu.dma_semaphore, #tpu.memory_space<semaphore_mem>>
        %dma_start3A_180 = arith.constant 0 : i32
        %dma_start3A_181 = arith.constant 0 : i32
        %dma_start3A_182 = tpu.memref_slice %arg8[%rem3A_163, %dma_start3A_180, %dma_start3A_181] : memref<4x128x128xf32, #tpu.memory_space<vmem>> -> memref<1x128x128xf32, #tpu.memory_space<vmem>>
        %dma_start3A_183 = tpu.memref_squeeze %dma_start3A_182 : memref<1x128x128xf32, #tpu.memory_space<vmem>> -> memref<128x128xf32, #tpu.memory_space<vmem>>
        %dma_start3A_184 = arith.constant 0 : i32
        %dma_start3A_185 = tpu.memref_slice %arg7[%scan3A_160, %dma_start3A_184] : memref<80x128xi32, #tpu.memory_space<vmem>> -> memref<1x128xi32, #tpu.memory_space<vmem>>
        %dma_start3A_186 = tpu.memref_squeeze %dma_start3A_185 : memref<1x128xi32, #tpu.memory_space<vmem>> -> memref<128xi32, #tpu.memory_space<vmem>>
        %dma_start3A_187 = arith.constant 0 : i32
        %dma_start3A_188 = arith.constant 0 : i32
        %dma_start3A_189 = tpu.memref_slice %arg9[%dma_start3A_187, %dma_start3A_188] : memref<5120x128xf32, #tpu.memory_space<vmem_shared>> -> memref<5120x128xf32, #tpu.memory_space<vmem_shared>>
        %dma_start3A_190 = arith.constant -1 : i32
        tpu.enqueue_indirect_dma source(%dma_start3A_183 : memref<128x128xf32, #tpu.memory_space<vmem>>) target(%dma_start3A_189 : memref<5120x128xf32, #tpu.memory_space<vmem_shared>>) offsets(%dma_start3A_186 : memref<128xi32, #tpu.memory_space<vmem>>) offset_filter(%dma_start3A_190) semaphore(%run_scoped3A : memref<!tpu.dma_semaphore, #tpu.memory_space<semaphore_mem>>) {add = true}
        %dma_wait3A_191 = arith.constant 0 : i32
        %dma_wait3A_192 = arith.constant 0 : i32
        %dma_wait3A_193 = tpu.memref_slice %arg8[%rem3A_163, %dma_wait3A_191, %dma_wait3A_192] : memref<4x128x128xf32, #tpu.memory_space<vmem>> -> memref<1x128x128xf32, #tpu.memory_space<vmem>>
        %dma_wait3A_194 = tpu.memref_squeeze %dma_wait3A_193 : memref<1x128x128xf32, #tpu.memory_space<vmem>> -> memref<128x128xf32, #tpu.memory_space<vmem>>
        %dma_wait3A_195 = arith.constant 0 : i32
        %dma_wait3A_196 = tpu.memref_slice %arg7[%scan3A_160, %dma_wait3A_195] : memref<80x128xi32, #tpu.memory_space<vmem>> -> memref<1x128xi32, #tpu.memory_space<vmem>>
        %dma_wait3A_197 = tpu.memref_squeeze %dma_wait3A_196 : memref<1x128xi32, #tpu.memory_space<vmem>> -> memref<128xi32, #tpu.memory_space<vmem>>
        %dma_wait3A_198 = arith.constant 0 : i32
        %dma_wait3A_199 = arith.constant 0 : i32
        %dma_wait3A_200 = tpu.memref_slice %arg9[%dma_wait3A_198, %dma_wait3A_199] : memref<5120x128xf32, #tpu.memory_space<vmem_shared>> -> memref<5120x128xf32, #tpu.memory_space<vmem_shared>>
        tpu.wait_indirect_dma semaphore(%run_scoped3A : memref<!tpu.dma_semaphore, #tpu.memory_space<semaphore_mem>>) src(%dma_wait3A_194 : memref<128x128xf32, #tpu.memory_space<vmem>>) dst(%dma_wait3A_200 : memref<5120x128xf32, #tpu.memory_space<vmem_shared>>)
        tpu.yield
      }) : () -> ()
      %scan3A_179 = arith.constant 0 : i32
      scf.yield %scan3A_179 : i32
    }
    %scan3A_152 = arith.constant 80 : i32
    %barrier3A_153 = arith.constant 0 : index
    tpu.barrier barrier_id(%barrier3A_153)
    %mul3A_154 = arith.constant 10240 : i32
    %mul3A_155 = arith.muli %arg0, %mul3A_154 : i32
    %add3A_156 = arith.constant 5120 : i32
    %add3A_157 = arith.addi %mul3A_155, %add3A_156 : i32
    %add3A_158 = arith.addi %add3A_157, %mul3A_0 : i32
    "tpu.region"() ({
      %run_scoped3A = tpu.sem_alloc : memref<!tpu.dma_semaphore, #tpu.memory_space<semaphore_mem>>
      %dma_start3A_160 = arith.constant 0 : i32
      %dma_start3A_161 = tpu.memref_slice %arg5[%add3A_158, %dma_start3A_160] : memref<20480x128xf32, #tpu.memory_space<hbm>> -> memref<320x128xf32, #tpu.memory_space<hbm>>
      %dma_start3A_162 = arith.constant 0 : i32
      %dma_start3A_163 = tpu.memref_slice %arg9[%mul3A_0, %dma_start3A_162] : memref<5120x128xf32, #tpu.memory_space<vmem_shared>> -> memref<320x128xf32, #tpu.memory_space<vmem_shared>>
      tpu.enqueue_dma source(%dma_start3A_163 : memref<320x128xf32, #tpu.memory_space<vmem_shared>>) target(%dma_start3A_161 : memref<320x128xf32, #tpu.memory_space<hbm>>) target_semaphore(%run_scoped3A : memref<!tpu.dma_semaphore, #tpu.memory_space<semaphore_mem>>)
      %dma_wait3A = arith.constant 0 : i32
      %dma_wait3A_164 = tpu.memref_slice %arg5[%add3A_158, %dma_wait3A] : memref<20480x128xf32, #tpu.memory_space<hbm>> -> memref<320x128xf32, #tpu.memory_space<hbm>>
      %dma_wait3A_165 = arith.constant 0 : i32
      %dma_wait3A_166 = tpu.memref_slice %arg9[%mul3A_0, %dma_wait3A_165] : memref<5120x128xf32, #tpu.memory_space<vmem_shared>> -> memref<320x128xf32, #tpu.memory_space<vmem_shared>>
      tpu.wait_dma2 semaphore(%run_scoped3A : memref<!tpu.dma_semaphore, #tpu.memory_space<semaphore_mem>>) src(%dma_wait3A_166 : memref<320x128xf32, #tpu.memory_space<vmem_shared>>) dst(%dma_wait3A_164 : memref<320x128xf32, #tpu.memory_space<hbm>>)
      tpu.yield
    }) : () -> ()
    %barrier3A_159 = arith.constant 0 : index
    tpu.barrier barrier_id(%barrier3A_159)
    return
  }
}

module attributes {stable_mosaic.version = 14 : i64} {
  func.func @_pre_body(%arg0: i32, %arg1: memref<512x256xf32, #tpu.memory_space<vmem>>, %arg2: memref<256x256xf32, #tpu.memory_space<vmem>>, %arg3: memref<32x512xf32, #tpu.memory_space<vmem>>, %arg4: memref<2x512x128xf32, #tpu.memory_space<vmem>>) attributes {dimension_semantics = [#tpu.dimension_semantics<arbitrary>], iteration_bounds = array<i64: 20>, scalar_prefetch = 0 : i64, scratch_operands = 0 : i64, tpu.core_type = #tpu.core_type<tc>, window_params = [{transform_indices = @transform_0, window_bounds = array<i64: 512, 256>}, {pipeline_mode = #tpu.pipeline_mode<synchronous>, transform_indices = @transform_1, window_bounds = array<i64: 256, 256>}, {transform_indices = @transform_2, window_bounds = array<i64: 32, 512>}, {transform_indices = @transform_3, window_bounds = array<i64: 2, 512, 128>}]} {
    %get3A = arith.constant 0 : index
    %get3A_0 = arith.constant 0 : index
    %get3A_1 = vector.load %arg3[%get3A, %get3A_0] : memref<32x512xf32, #tpu.memory_space<vmem>>, vector<32x512xf32>
    %broadcast_in_dim3A = arith.constant 1.000000e+00 : f32
    %broadcast_in_dim3A_2 = vector.broadcast %broadcast_in_dim3A : f32 to vector<32x128xf32>
    %dot_general3A = arith.constant dense<0.000000e+00> : vector<512x128xf32>
    %dot_general3A_3 = tpu.matmul %get3A_1, %broadcast_in_dim3A_2, %dot_general3A {dimension_numbers = #tpu.dot_dimension_numbers<[0], [0], [1], [1], [0, 1, 1, 1], [], []>, transpose_lhs_hint = false} : vector<32x512xf32>, vector<32x128xf32>, vector<512x128xf32> -> vector<512x128xf32>
    %add3A = arith.constant 1.000000e+00 : f32
    %add3A_4 = vector.broadcast %add3A : f32 to vector<512x128xf32>
    %add3A_5 = arith.addf %dot_general3A_3, %add3A_4 : vector<512x128xf32>
    %rsqrt3A = math.rsqrt %add3A_5 : vector<512x128xf32>
    %get3A_6 = arith.constant 0 : index
    %get3A_7 = arith.constant 0 : index
    %get3A_8 = vector.load %arg1[%get3A_6, %get3A_7] : memref<512x256xf32, #tpu.memory_space<vmem>>, vector<512x256xf32>
    %get3A_9 = arith.constant 0 : index
    %get3A_10 = arith.constant 0 : index
    %get3A_11 = vector.load %arg2[%get3A_9, %get3A_10] : memref<256x256xf32, #tpu.memory_space<vmem>>, vector<256x256xf32>
    %dot_general3A_12 = arith.constant dense<0.000000e+00> : vector<512x256xf32>
    %dot_general3A_13 = tpu.matmul %get3A_8, %get3A_11, %dot_general3A_12 {dimension_numbers = #tpu.dot_dimension_numbers<[1], [0], [0], [1], [0, 0, 1, 1], [], []>, transpose_lhs_hint = false} : vector<512x256xf32>, vector<256x256xf32>, vector<512x256xf32> -> vector<512x256xf32>
    %slice3A = vector.extract_strided_slice %dot_general3A_13 {offsets = [0, 0], sizes = [512, 128], strides = [1, 1]} : vector<512x256xf32> to vector<512x128xf32>
    %mul3A = arith.mulf %slice3A, %rsqrt3A : vector<512x128xf32>
    %slice3A_14 = vector.extract_strided_slice %dot_general3A_13 {offsets = [0, 128], sizes = [512, 128], strides = [1, 1]} : vector<512x256xf32> to vector<512x128xf32>
    %mul3A_15 = arith.mulf %slice3A_14, %rsqrt3A : vector<512x128xf32>
    %stack3A = vector.shape_cast %mul3A : vector<512x128xf32> to vector<1x512x128xf32>
    %stack3A_16 = vector.shape_cast %mul3A_15 : vector<512x128xf32> to vector<1x512x128xf32>
    %stack3A_17 = tpu.concatenate %stack3A, %stack3A_16 in 0 : vector<1x512x128xf32>, vector<1x512x128xf32> -> vector<2x512x128xf32>
    %swap3A = arith.constant 0 : index
    %swap3A_18 = arith.constant 0 : index
    %swap3A_19 = arith.constant 0 : index
    %swap3A_20 = vector.load %arg4[%swap3A, %swap3A_18, %swap3A_19] : memref<2x512x128xf32, #tpu.memory_space<vmem>>, vector<2x512x128xf32>
    tpu.vector_store %arg4[%swap3A, %swap3A_18, %swap3A_19], %stack3A_17 {strides = array<i32>} : memref<2x512x128xf32, #tpu.memory_space<vmem>>, vector<2x512x128xf32>,
    return
  }
  func.func @transform_0(%arg0: i32) -> (i32, i32) {
    %c0_i32 = arith.constant 0 : i32
    %c0_i32_0 = arith.constant 0 : i32
    return %arg0, %c0_i32 : i32, i32
  }
  func.func @transform_1(%arg0: i32) -> (i32, i32) {
    %c0_i32 = arith.constant 0 : i32
    %c0_i32_0 = arith.constant 0 : i32
    %c0_i32_1 = arith.constant 0 : i32
    return %c0_i32, %c0_i32_0 : i32, i32
  }
  func.func @transform_2(%arg0: i32) -> (i32, i32) {
    %c0_i32 = arith.constant 0 : i32
    %c0_i32_0 = arith.constant 0 : i32
    return %c0_i32, %arg0 : i32, i32
  }
  func.func @transform_3(%arg0: i32) -> (i32, i32, i32) {
    %c0_i32 = arith.constant 0 : i32
    %c0_i32_0 = arith.constant 0 : i32
    %c0_i32_1 = arith.constant 0 : i32
    return %c0_i32, %arg0, %c0_i32_0 : i32, i32, i32
  }
}

module attributes {stable_mosaic.version = 14 : i64} {
  func.func @_update_body(%arg0: i32, %arg1: memref<2x512x128xf32, #tpu.memory_space<vmem>>, %arg2: memref<32x512xf32, #tpu.memory_space<vmem>>, %arg3: memref<1x256xf32, #tpu.memory_space<vmem>>, %arg4: memref<256x256xf32, #tpu.memory_space<vmem>>, %arg5: memref<512x1xf32, #tpu.memory_space<vmem>>, %arg6: memref<20xi32, #tpu.memory_space<smem>>, %arg7: memref<20xi32, #tpu.memory_space<smem>>, %arg8: memref<2x512x128xf32, #tpu.memory_space<vmem>>, %arg9: memref<64x256xf32, #tpu.memory_space<vmem>>) attributes {dimension_semantics = [#tpu.dimension_semantics<arbitrary>], iteration_bounds = array<i64: 20>, scalar_prefetch = 0 : i64, scratch_operands = 0 : i64, tpu.core_type = #tpu.core_type<tc>, window_params = [{transform_indices = @transform_0, window_bounds = array<i64: 2, 512, 128>}, {transform_indices = @transform_1, window_bounds = array<i64: 32, 512>}, {pipeline_mode = #tpu.pipeline_mode<synchronous>, transform_indices = @transform_2, window_bounds = array<i64: 1, 256>}, {pipeline_mode = #tpu.pipeline_mode<synchronous>, transform_indices = @transform_3, window_bounds = array<i64: 256, 256>}, {transform_indices = @transform_4, window_bounds = array<i64: 512, 1>}, {transform_indices = @transform_5, window_bounds = array<i64: 20>}, {transform_indices = @transform_6, window_bounds = array<i64: 20>}, {transform_indices = @transform_7, window_bounds = array<i64: 2, 512, 128>}, {pipeline_mode = #tpu.pipeline_mode<synchronous>, transform_indices = @transform_8, window_bounds = array<i64: 64, 256>}]} {
    %eq3A = arith.constant 0 : i32
    %eq3A_0 = arith.cmpi eq, %arg0, %eq3A : i32
    %convert_element_type3A = arith.extui %eq3A_0 : i1 to i32
    %cond3A = arith.constant 0 : i32
    %cond3A_1 = arith.cmpi ne, %convert_element_type3A, %cond3A : i32
    scf.if %cond3A_1 {
      %broadcast_in_dim3A_60 = arith.constant 0xFF800000 : f32
      %broadcast_in_dim3A_61 = vector.broadcast %broadcast_in_dim3A_60 : f32 to vector<64x256xf32>
      %swap3A_62 = arith.constant 0 : index
      %swap3A_63 = arith.constant 0 : index
      %swap3A_64 = vector.load %arg9[%swap3A_62, %swap3A_63] : memref<64x256xf32, #tpu.memory_space<vmem>>, vector<64x256xf32>
      tpu.vector_store %arg9[%swap3A_62, %swap3A_63], %broadcast_in_dim3A_61 {strides = array<i32>} : memref<64x256xf32, #tpu.memory_space<vmem>>, vector<64x256xf32>,
    } else {
    }
    %get3A = arith.constant 0 : index
    %get3A_2 = arith.constant 0 : index
    %get3A_3 = vector.load %arg2[%get3A, %get3A_2] : memref<32x512xf32, #tpu.memory_space<vmem>>, vector<32x512xf32>
    %broadcast_in_dim3A = arith.constant 1.000000e+00 : f32
    %broadcast_in_dim3A_4 = vector.broadcast %broadcast_in_dim3A : f32 to vector<32x128xf32>
    %dot_general3A = arith.constant dense<0.000000e+00> : vector<512x128xf32>
    %dot_general3A_5 = tpu.matmul %get3A_3, %broadcast_in_dim3A_4, %dot_general3A {dimension_numbers = #tpu.dot_dimension_numbers<[0], [0], [1], [1], [0, 1, 1, 1], [], []>, transpose_lhs_hint = false} : vector<32x512xf32>, vector<32x128xf32>, vector<512x128xf32> -> vector<512x128xf32>
    %add3A = arith.constant 1.000000e+00 : f32
    %add3A_6 = vector.broadcast %add3A : f32 to vector<512x128xf32>
    %add3A_7 = arith.addf %dot_general3A_5, %add3A_6 : vector<512x128xf32>
    %rsqrt3A = math.rsqrt %add3A_7 : vector<512x128xf32>
    %get3A_8 = arith.constant 0 : index
    %get3A_9 = arith.constant 0 : index
    %get3A_10 = arith.constant 0 : index
    %get3A_11 = vector.load %arg1[%get3A_8, %get3A_9, %get3A_10] : memref<2x512x128xf32, #tpu.memory_space<vmem>>, vector<1x512x128xf32>
    %get3A_12 = vector.shape_cast %get3A_11 : vector<1x512x128xf32> to vector<512x128xf32>
    %mul3A = arith.mulf %get3A_12, %rsqrt3A : vector<512x128xf32>
    %get3A_13 = arith.constant 1 : index
    %get3A_14 = arith.constant 0 : index
    %get3A_15 = arith.constant 0 : index
    %get3A_16 = vector.load %arg1[%get3A_13, %get3A_14, %get3A_15] : memref<2x512x128xf32, #tpu.memory_space<vmem>>, vector<1x512x128xf32>
    %get3A_17 = vector.shape_cast %get3A_16 : vector<1x512x128xf32> to vector<512x128xf32>
    %mul3A_18 = arith.mulf %get3A_17, %rsqrt3A : vector<512x128xf32>
    %concatenate3A = tpu.concatenate %mul3A, %mul3A_18 in 1 : vector<512x128xf32>, vector<512x128xf32> -> vector<512x256xf32>
    %get3A_19 = arith.constant 0 : index
    %get3A_20 = arith.constant 0 : index
    %get3A_21 = vector.load %arg3[%get3A_19, %get3A_20] : memref<1x256xf32, #tpu.memory_space<vmem>>, vector<1x256xf32>
    %add3A_22 = vector.broadcast %get3A_21 : vector<1x256xf32> to vector<512x256xf32>
    %add3A_23 = arith.addf %concatenate3A, %add3A_22 : vector<512x256xf32>
    %max3A = arith.constant 0.000000e+00 : f32
    %max3A_24 = vector.broadcast %max3A : f32 to vector<512x256xf32>
    %max3A_25 = arith.maximumf %add3A_23, %max3A_24 : vector<512x256xf32>
    %get3A_26 = arith.constant 0 : index
    %get3A_27 = arith.constant 0 : index
    %get3A_28 = vector.load %arg4[%get3A_26, %get3A_27] : memref<256x256xf32, #tpu.memory_space<vmem>>, vector<256x256xf32>
    %dot_general3A_29 = arith.constant dense<0.000000e+00> : vector<512x256xf32>
    %dot_general3A_30 = tpu.matmul %max3A_25, %get3A_28, %dot_general3A_29 {dimension_numbers = #tpu.dot_dimension_numbers<[1], [0], [0], [1], [0, 0, 1, 1], [], []>, transpose_lhs_hint = false} : vector<512x256xf32>, vector<256x256xf32>, vector<512x256xf32> -> vector<512x256xf32>
    %slice3A = vector.extract_strided_slice %dot_general3A_30 {offsets = [0, 0], sizes = [512, 128], strides = [1, 1]} : vector<512x256xf32> to vector<512x128xf32>
    %mul3A_31 = arith.mulf %slice3A, %rsqrt3A : vector<512x128xf32>
    %slice3A_32 = vector.extract_strided_slice %dot_general3A_30 {offsets = [0, 128], sizes = [512, 128], strides = [1, 1]} : vector<512x256xf32> to vector<512x128xf32>
    %mul3A_33 = arith.mulf %slice3A_32, %rsqrt3A : vector<512x128xf32>
    %stack3A = vector.shape_cast %mul3A_31 : vector<512x128xf32> to vector<1x512x128xf32>
    %stack3A_34 = vector.shape_cast %mul3A_33 : vector<512x128xf32> to vector<1x512x128xf32>
    %stack3A_35 = tpu.concatenate %stack3A, %stack3A_34 in 0 : vector<1x512x128xf32>, vector<1x512x128xf32> -> vector<2x512x128xf32>
    %swap3A = arith.constant 0 : index
    %swap3A_36 = arith.constant 0 : index
    %swap3A_37 = arith.constant 0 : index
    %swap3A_38 = vector.load %arg8[%swap3A, %swap3A_36, %swap3A_37] : memref<2x512x128xf32, #tpu.memory_space<vmem>>, vector<2x512x128xf32>
    tpu.vector_store %arg8[%swap3A, %swap3A_36, %swap3A_37], %stack3A_35 {strides = array<i32>} : memref<2x512x128xf32, #tpu.memory_space<vmem>>, vector<2x512x128xf32>,
    %get3A_39 = arith.constant 0 : index
    %get3A_40 = arith.constant 0 : index
    %get3A_41 = vector.load %arg5[%get3A_39, %get3A_40] : memref<512x1xf32, #tpu.memory_space<vmem>>, vector<512x1xf32>
    %get3A_42 = arith.index_cast %arg0 : i32 to index
    %get3A_43 = memref.load %arg6[%get3A_42] : memref<20xi32, #tpu.memory_space<smem>>
    %get3A_44 = arith.index_cast %arg0 : i32 to index
    %get3A_45 = memref.load %arg7[%get3A_44] : memref<20xi32, #tpu.memory_space<smem>>
    %min3A = arith.constant 63 : i32
    %min3A_46 = arith.minsi %get3A_45, %min3A : i32
    %add3A_47 = arith.constant 1 : i32
    %add3A_48 = arith.addi %min3A_46, %add3A_47 : i32
    %while3A = arith.constant 0xFF800000 : f32
    %while3A_49 = arith.constant 0 : i32
    %while3A_50 = arith.subi %add3A_48, %get3A_43 : i32
    %while3A_51 = arith.addi %get3A_43, %while3A_50 : i32
    %while3A_52 = arith.constant 1 : i32
    %while3A_53 = arith.divsi %while3A_50, %while3A_52 : i32
    %while3A_54 = arith.muli %while3A_53, %while3A_52 : i32
    %while3A_55 = arith.addi %get3A_43, %while3A_54 : i32
    %while3A_56 = arith.constant 1 : i32
    %while3A_57 = scf.for %while3A_60 = %get3A_43 to %while3A_55 step %while3A_56 iter_args(%while3A_61 = %while3A_49) -> (i32)  : i32 {
      %convert_element_type3A_62 = arith.sitofp %while3A_60 : i32 to f32
      %eq3A_63 = vector.broadcast %convert_element_type3A_62 : f32 to vector<512x1xf32>
      %eq3A_64 = arith.cmpf oeq, %get3A_41, %eq3A_63 : vector<512x1xf32>
      %broadcast_in_dim3A_65 = vector.shape_cast %eq3A_64 : vector<512x1xi1> to vector<512x1xi1>
      %broadcast_in_dim3A_66 = vector.broadcast %broadcast_in_dim3A_65 : vector<512x1xi1> to vector<512x256xi1>
      %broadcast_in_dim3A_67 = vector.broadcast %while3A : f32 to vector<512x256xf32>
      %select_n3A = arith.select %broadcast_in_dim3A_66, %max3A_25, %broadcast_in_dim3A_67 : vector<512x256xi1>, vector<512x256xf32>
      %reduce_max3A = arith.constant dense<0xFF800000> : vector<256xf32>
      %reduce_max3A_68 = vector.multi_reduction <maximumf>, %select_n3A, %reduce_max3A [0] : vector<512x256xf32> to vector<256xf32>
      %broadcast_in_dim3A_69 = vector.shape_cast %reduce_max3A_68 : vector<256xf32> to vector<1x256xf32>
      %get3A_70 = arith.index_cast %while3A_60 : i32 to index
      %get3A_71 = arith.constant 0 : index
      %get3A_72 = vector.load %arg9[%get3A_70, %get3A_71] : memref<64x256xf32, #tpu.memory_space<vmem>>, vector<1x256xf32>
      %max3A_73 = arith.maximumf %get3A_72, %broadcast_in_dim3A_69 : vector<1x256xf32>
      %swap3A_74 = arith.index_cast %while3A_60 : i32 to index
      %swap3A_75 = arith.constant 0 : index
      %swap3A_76 = vector.load %arg9[%swap3A_74, %swap3A_75] : memref<64x256xf32, #tpu.memory_space<vmem>>, vector<1x256xf32>
      tpu.vector_store %arg9[%swap3A_74, %swap3A_75], %max3A_73 {strides = array<i32>} : memref<64x256xf32, #tpu.memory_space<vmem>>, vector<1x256xf32>,
      %while3A_77 = arith.constant 0 : i32
      scf.yield %while3A_77 : i32
    }
    %while3A_58 = arith.constant 1 : i32
    %while3A_59 = scf.for %while3A_60 = %while3A_55 to %while3A_51 step %while3A_58 iter_args(%while3A_61 = %while3A_57) -> (i32)  : i32 {
      %convert_element_type3A_62 = arith.sitofp %while3A_60 : i32 to f32
      %eq3A_63 = vector.broadcast %convert_element_type3A_62 : f32 to vector<512x1xf32>
      %eq3A_64 = arith.cmpf oeq, %get3A_41, %eq3A_63 : vector<512x1xf32>
      %broadcast_in_dim3A_65 = vector.shape_cast %eq3A_64 : vector<512x1xi1> to vector<512x1xi1>
      %broadcast_in_dim3A_66 = vector.broadcast %broadcast_in_dim3A_65 : vector<512x1xi1> to vector<512x256xi1>
      %broadcast_in_dim3A_67 = vector.broadcast %while3A : f32 to vector<512x256xf32>
      %select_n3A = arith.select %broadcast_in_dim3A_66, %max3A_25, %broadcast_in_dim3A_67 : vector<512x256xi1>, vector<512x256xf32>
      %reduce_max3A = arith.constant dense<0xFF800000> : vector<256xf32>
      %reduce_max3A_68 = vector.multi_reduction <maximumf>, %select_n3A, %reduce_max3A [0] : vector<512x256xf32> to vector<256xf32>
      %broadcast_in_dim3A_69 = vector.shape_cast %reduce_max3A_68 : vector<256xf32> to vector<1x256xf32>
      %get3A_70 = arith.index_cast %while3A_60 : i32 to index
      %get3A_71 = arith.constant 0 : index
      %get3A_72 = vector.load %arg9[%get3A_70, %get3A_71] : memref<64x256xf32, #tpu.memory_space<vmem>>, vector<1x256xf32>
      %max3A_73 = arith.maximumf %get3A_72, %broadcast_in_dim3A_69 : vector<1x256xf32>
      %swap3A_74 = arith.index_cast %while3A_60 : i32 to index
      %swap3A_75 = arith.constant 0 : index
      %swap3A_76 = vector.load %arg9[%swap3A_74, %swap3A_75] : memref<64x256xf32, #tpu.memory_space<vmem>>, vector<1x256xf32>
      tpu.vector_store %arg9[%swap3A_74, %swap3A_75], %max3A_73 {strides = array<i32>} : memref<64x256xf32, #tpu.memory_space<vmem>>, vector<1x256xf32>,
      %while3A_77 = arith.constant 0 : i32
      scf.yield %while3A_77 : i32
    }
    return
  }
  func.func @transform_0(%arg0: i32) -> (i32, i32, i32) {
    %c0_i32 = arith.constant 0 : i32
    %c0_i32_0 = arith.constant 0 : i32
    %c0_i32_1 = arith.constant 0 : i32
    return %c0_i32, %arg0, %c0_i32_0 : i32, i32, i32
  }
  func.func @transform_1(%arg0: i32) -> (i32, i32) {
    %c0_i32 = arith.constant 0 : i32
    %c0_i32_0 = arith.constant 0 : i32
    return %c0_i32, %arg0 : i32, i32
  }
  func.func @transform_2(%arg0: i32) -> (i32, i32) {
    %c0_i32 = arith.constant 0 : i32
    %c0_i32_0 = arith.constant 0 : i32
    %c0_i32_1 = arith.constant 0 : i32
    return %c0_i32, %c0_i32_0 : i32, i32
  }
  func.func @transform_3(%arg0: i32) -> (i32, i32) {
    %c0_i32 = arith.constant 0 : i32
    %c0_i32_0 = arith.constant 0 : i32
    %c0_i32_1 = arith.constant 0 : i32
    return %c0_i32, %c0_i32_0 : i32, i32
  }
  func.func @transform_4(%arg0: i32) -> (i32, i32) {
    %c0_i32 = arith.constant 0 : i32
    %c0_i32_0 = arith.constant 0 : i32
    return %arg0, %c0_i32 : i32, i32
  }
  func.func @transform_5(%arg0: i32) -> i32 {
    %c0_i32 = arith.constant 0 : i32
    %c0_i32_0 = arith.constant 0 : i32
    return %c0_i32 : i32
  }
  func.func @transform_6(%arg0: i32) -> i32 {
    %c0_i32 = arith.constant 0 : i32
    %c0_i32_0 = arith.constant 0 : i32
    return %c0_i32 : i32
  }
  func.func @transform_7(%arg0: i32) -> (i32, i32, i32) {
    %c0_i32 = arith.constant 0 : i32
    %c0_i32_0 = arith.constant 0 : i32
    %c0_i32_1 = arith.constant 0 : i32
    return %c0_i32, %arg0, %c0_i32_0 : i32, i32, i32
  }
  func.func @transform_8(%arg0: i32) -> (i32, i32) {
    %c0_i32 = arith.constant 0 : i32
    %c0_i32_0 = arith.constant 0 : i32
    %c0_i32_1 = arith.constant 0 : i32
    return %c0_i32, %c0_i32_0 : i32, i32
  }
}

module attributes {stable_mosaic.version = 14 : i64} {
  func.func @_pool_body(%arg0: i32, %arg1: memref<2x512x128xf32, #tpu.memory_space<vmem>>, %arg2: memref<32x512xf32, #tpu.memory_space<vmem>>, %arg3: memref<1x256xf32, #tpu.memory_space<vmem>>, %arg4: memref<512x1xf32, #tpu.memory_space<vmem>>, %arg5: memref<20xi32, #tpu.memory_space<smem>>, %arg6: memref<20xi32, #tpu.memory_space<smem>>, %arg7: memref<64x256xf32, #tpu.memory_space<vmem>>) attributes {dimension_semantics = [#tpu.dimension_semantics<arbitrary>], iteration_bounds = array<i64: 20>, scalar_prefetch = 0 : i64, scratch_operands = 0 : i64, tpu.core_type = #tpu.core_type<tc>, window_params = [{transform_indices = @transform_0, window_bounds = array<i64: 2, 512, 128>}, {transform_indices = @transform_1, window_bounds = array<i64: 32, 512>}, {pipeline_mode = #tpu.pipeline_mode<synchronous>, transform_indices = @transform_2, window_bounds = array<i64: 1, 256>}, {transform_indices = @transform_3, window_bounds = array<i64: 512, 1>}, {transform_indices = @transform_4, window_bounds = array<i64: 20>}, {transform_indices = @transform_5, window_bounds = array<i64: 20>}, {pipeline_mode = #tpu.pipeline_mode<synchronous>, transform_indices = @transform_6, window_bounds = array<i64: 64, 256>}]} {
    %eq3A = arith.constant 0 : i32
    %eq3A_0 = arith.cmpi eq, %arg0, %eq3A : i32
    %convert_element_type3A = arith.extui %eq3A_0 : i1 to i32
    %cond3A = arith.constant 0 : i32
    %cond3A_1 = arith.cmpi ne, %convert_element_type3A, %cond3A : i32
    scf.if %cond3A_1 {
      %broadcast_in_dim3A_47 = arith.constant 0xFF800000 : f32
      %broadcast_in_dim3A_48 = vector.broadcast %broadcast_in_dim3A_47 : f32 to vector<64x256xf32>
      %swap3A = arith.constant 0 : index
      %swap3A_49 = arith.constant 0 : index
      %swap3A_50 = vector.load %arg7[%swap3A, %swap3A_49] : memref<64x256xf32, #tpu.memory_space<vmem>>, vector<64x256xf32>
      tpu.vector_store %arg7[%swap3A, %swap3A_49], %broadcast_in_dim3A_48 {strides = array<i32>} : memref<64x256xf32, #tpu.memory_space<vmem>>, vector<64x256xf32>,
    } else {
    }
    %get3A = arith.constant 0 : index
    %get3A_2 = arith.constant 0 : index
    %get3A_3 = vector.load %arg2[%get3A, %get3A_2] : memref<32x512xf32, #tpu.memory_space<vmem>>, vector<32x512xf32>
    %broadcast_in_dim3A = arith.constant 1.000000e+00 : f32
    %broadcast_in_dim3A_4 = vector.broadcast %broadcast_in_dim3A : f32 to vector<32x128xf32>
    %dot_general3A = arith.constant dense<0.000000e+00> : vector<512x128xf32>
    %dot_general3A_5 = tpu.matmul %get3A_3, %broadcast_in_dim3A_4, %dot_general3A {dimension_numbers = #tpu.dot_dimension_numbers<[0], [0], [1], [1], [0, 1, 1, 1], [], []>, transpose_lhs_hint = false} : vector<32x512xf32>, vector<32x128xf32>, vector<512x128xf32> -> vector<512x128xf32>
    %add3A = arith.constant 1.000000e+00 : f32
    %add3A_6 = vector.broadcast %add3A : f32 to vector<512x128xf32>
    %add3A_7 = arith.addf %dot_general3A_5, %add3A_6 : vector<512x128xf32>
    %rsqrt3A = math.rsqrt %add3A_7 : vector<512x128xf32>
    %get3A_8 = arith.constant 0 : index
    %get3A_9 = arith.constant 0 : index
    %get3A_10 = arith.constant 0 : index
    %get3A_11 = vector.load %arg1[%get3A_8, %get3A_9, %get3A_10] : memref<2x512x128xf32, #tpu.memory_space<vmem>>, vector<1x512x128xf32>
    %get3A_12 = vector.shape_cast %get3A_11 : vector<1x512x128xf32> to vector<512x128xf32>
    %mul3A = arith.mulf %get3A_12, %rsqrt3A : vector<512x128xf32>
    %get3A_13 = arith.constant 1 : index
    %get3A_14 = arith.constant 0 : index
    %get3A_15 = arith.constant 0 : index
    %get3A_16 = vector.load %arg1[%get3A_13, %get3A_14, %get3A_15] : memref<2x512x128xf32, #tpu.memory_space<vmem>>, vector<1x512x128xf32>
    %get3A_17 = vector.shape_cast %get3A_16 : vector<1x512x128xf32> to vector<512x128xf32>
    %mul3A_18 = arith.mulf %get3A_17, %rsqrt3A : vector<512x128xf32>
    %concatenate3A = tpu.concatenate %mul3A, %mul3A_18 in 1 : vector<512x128xf32>, vector<512x128xf32> -> vector<512x256xf32>
    %get3A_19 = arith.constant 0 : index
    %get3A_20 = arith.constant 0 : index
    %get3A_21 = vector.load %arg3[%get3A_19, %get3A_20] : memref<1x256xf32, #tpu.memory_space<vmem>>, vector<1x256xf32>
    %add3A_22 = vector.broadcast %get3A_21 : vector<1x256xf32> to vector<512x256xf32>
    %add3A_23 = arith.addf %concatenate3A, %add3A_22 : vector<512x256xf32>
    %max3A = arith.constant 0.000000e+00 : f32
    %max3A_24 = vector.broadcast %max3A : f32 to vector<512x256xf32>
    %max3A_25 = arith.maximumf %add3A_23, %max3A_24 : vector<512x256xf32>
    %get3A_26 = arith.constant 0 : index
    %get3A_27 = arith.constant 0 : index
    %get3A_28 = vector.load %arg4[%get3A_26, %get3A_27] : memref<512x1xf32, #tpu.memory_space<vmem>>, vector<512x1xf32>
    %get3A_29 = arith.index_cast %arg0 : i32 to index
    %get3A_30 = memref.load %arg5[%get3A_29] : memref<20xi32, #tpu.memory_space<smem>>
    %get3A_31 = arith.index_cast %arg0 : i32 to index
    %get3A_32 = memref.load %arg6[%get3A_31] : memref<20xi32, #tpu.memory_space<smem>>
    %min3A = arith.constant 63 : i32
    %min3A_33 = arith.minsi %get3A_32, %min3A : i32
    %add3A_34 = arith.constant 1 : i32
    %add3A_35 = arith.addi %min3A_33, %add3A_34 : i32
    %while3A = arith.constant 0xFF800000 : f32
    %while3A_36 = arith.constant 0 : i32
    %while3A_37 = arith.subi %add3A_35, %get3A_30 : i32
    %while3A_38 = arith.addi %get3A_30, %while3A_37 : i32
    %while3A_39 = arith.constant 1 : i32
    %while3A_40 = arith.divsi %while3A_37, %while3A_39 : i32
    %while3A_41 = arith.muli %while3A_40, %while3A_39 : i32
    %while3A_42 = arith.addi %get3A_30, %while3A_41 : i32
    %while3A_43 = arith.constant 1 : i32
    %while3A_44 = scf.for %while3A_47 = %get3A_30 to %while3A_42 step %while3A_43 iter_args(%while3A_48 = %while3A_36) -> (i32)  : i32 {
      %convert_element_type3A_49 = arith.sitofp %while3A_47 : i32 to f32
      %eq3A_50 = vector.broadcast %convert_element_type3A_49 : f32 to vector<512x1xf32>
      %eq3A_51 = arith.cmpf oeq, %get3A_28, %eq3A_50 : vector<512x1xf32>
      %broadcast_in_dim3A_52 = vector.shape_cast %eq3A_51 : vector<512x1xi1> to vector<512x1xi1>
      %broadcast_in_dim3A_53 = vector.broadcast %broadcast_in_dim3A_52 : vector<512x1xi1> to vector<512x256xi1>
      %broadcast_in_dim3A_54 = vector.broadcast %while3A : f32 to vector<512x256xf32>
      %select_n3A = arith.select %broadcast_in_dim3A_53, %max3A_25, %broadcast_in_dim3A_54 : vector<512x256xi1>, vector<512x256xf32>
      %reduce_max3A = arith.constant dense<0xFF800000> : vector<256xf32>
      %reduce_max3A_55 = vector.multi_reduction <maximumf>, %select_n3A, %reduce_max3A [0] : vector<512x256xf32> to vector<256xf32>
      %broadcast_in_dim3A_56 = vector.shape_cast %reduce_max3A_55 : vector<256xf32> to vector<1x256xf32>
      %get3A_57 = arith.index_cast %while3A_47 : i32 to index
      %get3A_58 = arith.constant 0 : index
      %get3A_59 = vector.load %arg7[%get3A_57, %get3A_58] : memref<64x256xf32, #tpu.memory_space<vmem>>, vector<1x256xf32>
      %max3A_60 = arith.maximumf %get3A_59, %broadcast_in_dim3A_56 : vector<1x256xf32>
      %swap3A = arith.index_cast %while3A_47 : i32 to index
      %swap3A_61 = arith.constant 0 : index
      %swap3A_62 = vector.load %arg7[%swap3A, %swap3A_61] : memref<64x256xf32, #tpu.memory_space<vmem>>, vector<1x256xf32>
      tpu.vector_store %arg7[%swap3A, %swap3A_61], %max3A_60 {strides = array<i32>} : memref<64x256xf32, #tpu.memory_space<vmem>>, vector<1x256xf32>,
      %while3A_63 = arith.constant 0 : i32
      scf.yield %while3A_63 : i32
    }
    %while3A_45 = arith.constant 1 : i32
    %while3A_46 = scf.for %while3A_47 = %while3A_42 to %while3A_38 step %while3A_45 iter_args(%while3A_48 = %while3A_44) -> (i32)  : i32 {
      %convert_element_type3A_49 = arith.sitofp %while3A_47 : i32 to f32
      %eq3A_50 = vector.broadcast %convert_element_type3A_49 : f32 to vector<512x1xf32>
      %eq3A_51 = arith.cmpf oeq, %get3A_28, %eq3A_50 : vector<512x1xf32>
      %broadcast_in_dim3A_52 = vector.shape_cast %eq3A_51 : vector<512x1xi1> to vector<512x1xi1>
      %broadcast_in_dim3A_53 = vector.broadcast %broadcast_in_dim3A_52 : vector<512x1xi1> to vector<512x256xi1>
      %broadcast_in_dim3A_54 = vector.broadcast %while3A : f32 to vector<512x256xf32>
      %select_n3A = arith.select %broadcast_in_dim3A_53, %max3A_25, %broadcast_in_dim3A_54 : vector<512x256xi1>, vector<512x256xf32>
      %reduce_max3A = arith.constant dense<0xFF800000> : vector<256xf32>
      %reduce_max3A_55 = vector.multi_reduction <maximumf>, %select_n3A, %reduce_max3A [0] : vector<512x256xf32> to vector<256xf32>
      %broadcast_in_dim3A_56 = vector.shape_cast %reduce_max3A_55 : vector<256xf32> to vector<1x256xf32>
      %get3A_57 = arith.index_cast %while3A_47 : i32 to index
      %get3A_58 = arith.constant 0 : index
      %get3A_59 = vector.load %arg7[%get3A_57, %get3A_58] : memref<64x256xf32, #tpu.memory_space<vmem>>, vector<1x256xf32>
      %max3A_60 = arith.maximumf %get3A_59, %broadcast_in_dim3A_56 : vector<1x256xf32>
      %swap3A = arith.index_cast %while3A_47 : i32 to index
      %swap3A_61 = arith.constant 0 : index
      %swap3A_62 = vector.load %arg7[%swap3A, %swap3A_61] : memref<64x256xf32, #tpu.memory_space<vmem>>, vector<1x256xf32>
      tpu.vector_store %arg7[%swap3A, %swap3A_61], %max3A_60 {strides = array<i32>} : memref<64x256xf32, #tpu.memory_space<vmem>>, vector<1x256xf32>,
      %while3A_63 = arith.constant 0 : i32
      scf.yield %while3A_63 : i32
    }
    return
  }
  func.func @transform_0(%arg0: i32) -> (i32, i32, i32) {
    %c0_i32 = arith.constant 0 : i32
    %c0_i32_0 = arith.constant 0 : i32
    %c0_i32_1 = arith.constant 0 : i32
    return %c0_i32, %arg0, %c0_i32_0 : i32, i32, i32
  }
  func.func @transform_1(%arg0: i32) -> (i32, i32) {
    %c0_i32 = arith.constant 0 : i32
    %c0_i32_0 = arith.constant 0 : i32
    return %c0_i32, %arg0 : i32, i32
  }
  func.func @transform_2(%arg0: i32) -> (i32, i32) {
    %c0_i32 = arith.constant 0 : i32
    %c0_i32_0 = arith.constant 0 : i32
    %c0_i32_1 = arith.constant 0 : i32
    return %c0_i32, %c0_i32_0 : i32, i32
  }
  func.func @transform_3(%arg0: i32) -> (i32, i32) {
    %c0_i32 = arith.constant 0 : i32
    %c0_i32_0 = arith.constant 0 : i32
    return %arg0, %c0_i32 : i32, i32
  }
  func.func @transform_4(%arg0: i32) -> i32 {
    %c0_i32 = arith.constant 0 : i32
    %c0_i32_0 = arith.constant 0 : i32
    return %c0_i32 : i32
  }
  func.func @transform_5(%arg0: i32) -> i32 {
    %c0_i32 = arith.constant 0 : i32
    %c0_i32_0 = arith.constant 0 : i32
    return %c0_i32 : i32
  }
  func.func @transform_6(%arg0: i32) -> (i32, i32) {
    %c0_i32 = arith.constant 0 : i32
    %c0_i32_0 = arith.constant 0 : i32
    %c0_i32_1 = arith.constant 0 : i32
    return %c0_i32, %c0_i32_0 : i32, i32
  }
}

module attributes {stable_mosaic.version = 14 : i64} {
  func.func @_head_body(%arg0: memref<64x768xf32, #tpu.memory_space<vmem>>, %arg1: memref<64x128xf32, #tpu.memory_space<vmem>>, %arg2: memref<768x512xf32, #tpu.memory_space<vmem>>, %arg3: memref<1x512xf32, #tpu.memory_space<vmem>>, %arg4: memref<1x512xf32, #tpu.memory_space<vmem>>, %arg5: memref<1x512xf32, #tpu.memory_space<vmem>>, %arg6: memref<128x128xf32, #tpu.memory_space<vmem>>, %arg7: memref<1x128xf32, #tpu.memory_space<vmem>>, %arg8: memref<1x128xf32, #tpu.memory_space<vmem>>, %arg9: memref<1x128xf32, #tpu.memory_space<vmem>>, %arg10: memref<512x256xf32, #tpu.memory_space<vmem>>, %arg11: memref<128x256xf32, #tpu.memory_space<vmem>>, %arg12: memref<1x256xf32, #tpu.memory_space<vmem>>, %arg13: memref<1x256xf32, #tpu.memory_space<vmem>>, %arg14: memref<1x256xf32, #tpu.memory_space<vmem>>, %arg15: memref<256x10xf32, #tpu.memory_space<vmem>>, %arg16: memref<1x10xf32, #tpu.memory_space<vmem>>, %arg17: memref<1x10xf32, #tpu.memory_space<vmem>>, %arg18: memref<1x10xf32, #tpu.memory_space<vmem>>, %arg19: memref<64x10xf32, #tpu.memory_space<vmem>>) attributes {dimension_semantics = [], scalar_prefetch = 0 : i64, scratch_operands = 0 : i64, tpu.core_type = #tpu.core_type<tc>} {
    %get3A = arith.constant 0 : index
    %get3A_0 = arith.constant 0 : index
    %get3A_1 = vector.load %arg0[%get3A, %get3A_0] : memref<64x768xf32, #tpu.memory_space<vmem>>, vector<64x768xf32>
    %get3A_2 = arith.constant 0 : index
    %get3A_3 = arith.constant 0 : index
    %get3A_4 = vector.load %arg2[%get3A_2, %get3A_3] : memref<768x512xf32, #tpu.memory_space<vmem>>, vector<768x512xf32>
    %dot_general3A = arith.constant dense<0.000000e+00> : vector<64x512xf32>
    %dot_general3A_5 = tpu.matmul %get3A_1, %get3A_4, %dot_general3A {dimension_numbers = #tpu.dot_dimension_numbers<[1], [0], [0], [1], [0, 0, 1, 1], [], []>, transpose_lhs_hint = false} : vector<64x768xf32>, vector<768x512xf32>, vector<64x512xf32> -> vector<64x512xf32>
    %get3A_6 = arith.constant 0 : index
    %get3A_7 = arith.constant 0 : index
    %get3A_8 = vector.load %arg3[%get3A_6, %get3A_7] : memref<1x512xf32, #tpu.memory_space<vmem>>, vector<1x512xf32>
    %add3A = vector.broadcast %get3A_8 : vector<1x512xf32> to vector<64x512xf32>
    %add3A_9 = arith.addf %dot_general3A_5, %add3A : vector<64x512xf32>
    %get3A_10 = arith.constant 0 : index
    %get3A_11 = arith.constant 0 : index
    %get3A_12 = vector.load %arg4[%get3A_10, %get3A_11] : memref<1x512xf32, #tpu.memory_space<vmem>>, vector<1x512xf32>
    %get3A_13 = arith.constant 0 : index
    %get3A_14 = arith.constant 0 : index
    %get3A_15 = vector.load %arg5[%get3A_13, %get3A_14] : memref<1x512xf32, #tpu.memory_space<vmem>>, vector<1x512xf32>
    %reduce_sum3A = arith.constant dense<0.000000e+00> : vector<64xf32>
    %reduce_sum3A_16 = vector.multi_reduction <add>, %add3A_9, %reduce_sum3A [1] : vector<64x512xf32> to vector<64xf32>
    %broadcast_in_dim3A = vector.shape_cast %reduce_sum3A_16 : vector<64xf32> to vector<64x1xf32>
    %div3A = arith.constant 5.120000e+02 : f32
    %div3A_17 = vector.broadcast %div3A : f32 to vector<64x1xf32>
    %div3A_18 = arith.divf %broadcast_in_dim3A, %div3A_17 : vector<64x1xf32>
    %jit3A = arith.constant 0 : i32
    %reduce_sum3A_19 = arith.constant dense<0.000000e+00> : vector<64xf32>
    %reduce_sum3A_20 = vector.multi_reduction <add>, %add3A_9, %reduce_sum3A_19 [1] : vector<64x512xf32> to vector<64xf32>
    %broadcast_in_dim3A_21 = vector.shape_cast %reduce_sum3A_20 : vector<64xf32> to vector<64x1xf32>
    %div3A_22 = arith.constant 5.120000e+02 : f32
    %div3A_23 = vector.broadcast %div3A_22 : f32 to vector<64x1xf32>
    %div3A_24 = arith.divf %broadcast_in_dim3A_21, %div3A_23 : vector<64x1xf32>
    %sub3A = vector.broadcast %div3A_24 : vector<64x1xf32> to vector<64x512xf32>
    %sub3A_25 = arith.subf %add3A_9, %sub3A : vector<64x512xf32>
    %square3A = arith.mulf %sub3A_25, %sub3A_25 : vector<64x512xf32>
    %convert_element_type3A = arith.sitofp %jit3A : i32 to f32
    %sub3A_26 = arith.constant 5.120000e+02 : f32
    %sub3A_27 = arith.subf %sub3A_26, %convert_element_type3A : f32
    %reduce_sum3A_28 = arith.constant dense<0.000000e+00> : vector<64xf32>
    %reduce_sum3A_29 = vector.multi_reduction <add>, %square3A, %reduce_sum3A_28 [1] : vector<64x512xf32> to vector<64xf32>
    %broadcast_in_dim3A_30 = vector.shape_cast %reduce_sum3A_29 : vector<64xf32> to vector<64x1xf32>
    %div3A_31 = vector.broadcast %sub3A_27 : f32 to vector<64x1xf32>
    %div3A_32 = arith.divf %broadcast_in_dim3A_30, %div3A_31 : vector<64x1xf32>
    %gt3A = arith.constant 0.000000e+00 : f32
    %gt3A_33 = arith.cmpf ogt, %sub3A_27, %gt3A : f32
    %jit3A_34 = arith.constant 0x7FC00000 : f32
    %broadcast_in_dim3A_35 = vector.broadcast %jit3A_34 : f32 to vector<64x1xf32>
    %select_n3A = arith.select %gt3A_33, %div3A_32, %broadcast_in_dim3A_35 : vector<64x1xf32>
    %sub3A_36 = vector.broadcast %div3A_18 : vector<64x1xf32> to vector<64x512xf32>
    %sub3A_37 = arith.subf %add3A_9, %sub3A_36 : vector<64x512xf32>
    %add3A_38 = arith.constant 9.99999974E-6 : f32
    %add3A_39 = vector.broadcast %add3A_38 : f32 to vector<64x1xf32>
    %add3A_40 = arith.addf %select_n3A, %add3A_39 : vector<64x1xf32>
    %sqrt3A = math.sqrt %add3A_40 : vector<64x1xf32>
    %div3A_41 = vector.broadcast %sqrt3A : vector<64x1xf32> to vector<64x512xf32>
    %div3A_42 = arith.divf %sub3A_37, %div3A_41 : vector<64x512xf32>
    %mul3A = vector.broadcast %get3A_12 : vector<1x512xf32> to vector<64x512xf32>
    %mul3A_43 = arith.mulf %div3A_42, %mul3A : vector<64x512xf32>
    %add3A_44 = vector.broadcast %get3A_15 : vector<1x512xf32> to vector<64x512xf32>
    %add3A_45 = arith.addf %mul3A_43, %add3A_44 : vector<64x512xf32>
    %max3A = arith.constant 0.000000e+00 : f32
    %max3A_46 = vector.broadcast %max3A : f32 to vector<64x512xf32>
    %max3A_47 = arith.maximumf %add3A_45, %max3A_46 : vector<64x512xf32>
    %get3A_48 = arith.constant 0 : index
    %get3A_49 = arith.constant 0 : index
    %get3A_50 = vector.load %arg1[%get3A_48, %get3A_49] : memref<64x128xf32, #tpu.memory_space<vmem>>, vector<64x128xf32>
    %get3A_51 = arith.constant 0 : index
    %get3A_52 = arith.constant 0 : index
    %get3A_53 = vector.load %arg6[%get3A_51, %get3A_52] : memref<128x128xf32, #tpu.memory_space<vmem>>, vector<128x128xf32>
    %dot_general3A_54 = arith.constant dense<0.000000e+00> : vector<64x128xf32>
    %dot_general3A_55 = tpu.matmul %get3A_50, %get3A_53, %dot_general3A_54 {dimension_numbers = #tpu.dot_dimension_numbers<[1], [0], [0], [1], [0, 0, 1, 1], [], []>, transpose_lhs_hint = false} : vector<64x128xf32>, vector<128x128xf32>, vector<64x128xf32> -> vector<64x128xf32>
    %get3A_56 = arith.constant 0 : index
    %get3A_57 = arith.constant 0 : index
    %get3A_58 = vector.load %arg7[%get3A_56, %get3A_57] : memref<1x128xf32, #tpu.memory_space<vmem>>, vector<1x128xf32>
    %add3A_59 = vector.broadcast %get3A_58 : vector<1x128xf32> to vector<64x128xf32>
    %add3A_60 = arith.addf %dot_general3A_55, %add3A_59 : vector<64x128xf32>
    %get3A_61 = arith.constant 0 : index
    %get3A_62 = arith.constant 0 : index
    %get3A_63 = vector.load %arg8[%get3A_61, %get3A_62] : memref<1x128xf32, #tpu.memory_space<vmem>>, vector<1x128xf32>
    %get3A_64 = arith.constant 0 : index
    %get3A_65 = arith.constant 0 : index
    %get3A_66 = vector.load %arg9[%get3A_64, %get3A_65] : memref<1x128xf32, #tpu.memory_space<vmem>>, vector<1x128xf32>
    %reduce_sum3A_67 = arith.constant dense<0.000000e+00> : vector<64xf32>
    %reduce_sum3A_68 = vector.multi_reduction <add>, %add3A_60, %reduce_sum3A_67 [1] : vector<64x128xf32> to vector<64xf32>
    %broadcast_in_dim3A_69 = vector.shape_cast %reduce_sum3A_68 : vector<64xf32> to vector<64x1xf32>
    %div3A_70 = arith.constant 1.280000e+02 : f32
    %div3A_71 = vector.broadcast %div3A_70 : f32 to vector<64x1xf32>
    %div3A_72 = arith.divf %broadcast_in_dim3A_69, %div3A_71 : vector<64x1xf32>
    %jit3A_73 = arith.constant 0 : i32
    %reduce_sum3A_74 = arith.constant dense<0.000000e+00> : vector<64xf32>
    %reduce_sum3A_75 = vector.multi_reduction <add>, %add3A_60, %reduce_sum3A_74 [1] : vector<64x128xf32> to vector<64xf32>
    %broadcast_in_dim3A_76 = vector.shape_cast %reduce_sum3A_75 : vector<64xf32> to vector<64x1xf32>
    %div3A_77 = arith.constant 1.280000e+02 : f32
    %div3A_78 = vector.broadcast %div3A_77 : f32 to vector<64x1xf32>
    %div3A_79 = arith.divf %broadcast_in_dim3A_76, %div3A_78 : vector<64x1xf32>
    %sub3A_80 = vector.broadcast %div3A_79 : vector<64x1xf32> to vector<64x128xf32>
    %sub3A_81 = arith.subf %add3A_60, %sub3A_80 : vector<64x128xf32>
    %square3A_82 = arith.mulf %sub3A_81, %sub3A_81 : vector<64x128xf32>
    %convert_element_type3A_83 = arith.sitofp %jit3A_73 : i32 to f32
    %sub3A_84 = arith.constant 1.280000e+02 : f32
    %sub3A_85 = arith.subf %sub3A_84, %convert_element_type3A_83 : f32
    %reduce_sum3A_86 = arith.constant dense<0.000000e+00> : vector<64xf32>
    %reduce_sum3A_87 = vector.multi_reduction <add>, %square3A_82, %reduce_sum3A_86 [1] : vector<64x128xf32> to vector<64xf32>
    %broadcast_in_dim3A_88 = vector.shape_cast %reduce_sum3A_87 : vector<64xf32> to vector<64x1xf32>
    %div3A_89 = vector.broadcast %sub3A_85 : f32 to vector<64x1xf32>
    %div3A_90 = arith.divf %broadcast_in_dim3A_88, %div3A_89 : vector<64x1xf32>
    %gt3A_91 = arith.constant 0.000000e+00 : f32
    %gt3A_92 = arith.cmpf ogt, %sub3A_85, %gt3A_91 : f32
    %jit3A_93 = arith.constant 0x7FC00000 : f32
    %broadcast_in_dim3A_94 = vector.broadcast %jit3A_93 : f32 to vector<64x1xf32>
    %select_n3A_95 = arith.select %gt3A_92, %div3A_90, %broadcast_in_dim3A_94 : vector<64x1xf32>
    %sub3A_96 = vector.broadcast %div3A_72 : vector<64x1xf32> to vector<64x128xf32>
    %sub3A_97 = arith.subf %add3A_60, %sub3A_96 : vector<64x128xf32>
    %add3A_98 = arith.constant 9.99999974E-6 : f32
    %add3A_99 = vector.broadcast %add3A_98 : f32 to vector<64x1xf32>
    %add3A_100 = arith.addf %select_n3A_95, %add3A_99 : vector<64x1xf32>
    %sqrt3A_101 = math.sqrt %add3A_100 : vector<64x1xf32>
    %div3A_102 = vector.broadcast %sqrt3A_101 : vector<64x1xf32> to vector<64x128xf32>
    %div3A_103 = arith.divf %sub3A_97, %div3A_102 : vector<64x128xf32>
    %mul3A_104 = vector.broadcast %get3A_63 : vector<1x128xf32> to vector<64x128xf32>
    %mul3A_105 = arith.mulf %div3A_103, %mul3A_104 : vector<64x128xf32>
    %add3A_106 = vector.broadcast %get3A_66 : vector<1x128xf32> to vector<64x128xf32>
    %add3A_107 = arith.addf %mul3A_105, %add3A_106 : vector<64x128xf32>
    %max3A_108 = arith.constant 0.000000e+00 : f32
    %max3A_109 = vector.broadcast %max3A_108 : f32 to vector<64x128xf32>
    %max3A_110 = arith.maximumf %add3A_107, %max3A_109 : vector<64x128xf32>
    %get3A_111 = arith.constant 0 : index
    %get3A_112 = arith.constant 0 : index
    %get3A_113 = vector.load %arg10[%get3A_111, %get3A_112] : memref<512x256xf32, #tpu.memory_space<vmem>>, vector<512x256xf32>
    %dot_general3A_114 = arith.constant dense<0.000000e+00> : vector<64x256xf32>
    %dot_general3A_115 = tpu.matmul %max3A_47, %get3A_113, %dot_general3A_114 {dimension_numbers = #tpu.dot_dimension_numbers<[1], [0], [0], [1], [0, 0, 1, 1], [], []>, transpose_lhs_hint = false} : vector<64x512xf32>, vector<512x256xf32>, vector<64x256xf32> -> vector<64x256xf32>
    %get3A_116 = arith.constant 0 : index
    %get3A_117 = arith.constant 0 : index
    %get3A_118 = vector.load %arg11[%get3A_116, %get3A_117] : memref<128x256xf32, #tpu.memory_space<vmem>>, vector<128x256xf32>
    %dot_general3A_119 = arith.constant dense<0.000000e+00> : vector<64x256xf32>
    %dot_general3A_120 = tpu.matmul %max3A_110, %get3A_118, %dot_general3A_119 {dimension_numbers = #tpu.dot_dimension_numbers<[1], [0], [0], [1], [0, 0, 1, 1], [], []>, transpose_lhs_hint = false} : vector<64x128xf32>, vector<128x256xf32>, vector<64x256xf32> -> vector<64x256xf32>
    %add3A_121 = arith.addf %dot_general3A_115, %dot_general3A_120 : vector<64x256xf32>
    %get3A_122 = arith.constant 0 : index
    %get3A_123 = arith.constant 0 : index
    %get3A_124 = vector.load %arg12[%get3A_122, %get3A_123] : memref<1x256xf32, #tpu.memory_space<vmem>>, vector<1x256xf32>
    %add3A_125 = vector.broadcast %get3A_124 : vector<1x256xf32> to vector<64x256xf32>
    %add3A_126 = arith.addf %add3A_121, %add3A_125 : vector<64x256xf32>
    %get3A_127 = arith.constant 0 : index
    %get3A_128 = arith.constant 0 : index
    %get3A_129 = vector.load %arg13[%get3A_127, %get3A_128] : memref<1x256xf32, #tpu.memory_space<vmem>>, vector<1x256xf32>
    %get3A_130 = arith.constant 0 : index
    %get3A_131 = arith.constant 0 : index
    %get3A_132 = vector.load %arg14[%get3A_130, %get3A_131] : memref<1x256xf32, #tpu.memory_space<vmem>>, vector<1x256xf32>
    %reduce_sum3A_133 = arith.constant dense<0.000000e+00> : vector<64xf32>
    %reduce_sum3A_134 = vector.multi_reduction <add>, %add3A_126, %reduce_sum3A_133 [1] : vector<64x256xf32> to vector<64xf32>
    %broadcast_in_dim3A_135 = vector.shape_cast %reduce_sum3A_134 : vector<64xf32> to vector<64x1xf32>
    %div3A_136 = arith.constant 2.560000e+02 : f32
    %div3A_137 = vector.broadcast %div3A_136 : f32 to vector<64x1xf32>
    %div3A_138 = arith.divf %broadcast_in_dim3A_135, %div3A_137 : vector<64x1xf32>
    %jit3A_139 = arith.constant 0 : i32
    %reduce_sum3A_140 = arith.constant dense<0.000000e+00> : vector<64xf32>
    %reduce_sum3A_141 = vector.multi_reduction <add>, %add3A_126, %reduce_sum3A_140 [1] : vector<64x256xf32> to vector<64xf32>
    %broadcast_in_dim3A_142 = vector.shape_cast %reduce_sum3A_141 : vector<64xf32> to vector<64x1xf32>
    %div3A_143 = arith.constant 2.560000e+02 : f32
    %div3A_144 = vector.broadcast %div3A_143 : f32 to vector<64x1xf32>
    %div3A_145 = arith.divf %broadcast_in_dim3A_142, %div3A_144 : vector<64x1xf32>
    %sub3A_146 = vector.broadcast %div3A_145 : vector<64x1xf32> to vector<64x256xf32>
    %sub3A_147 = arith.subf %add3A_126, %sub3A_146 : vector<64x256xf32>
    %square3A_148 = arith.mulf %sub3A_147, %sub3A_147 : vector<64x256xf32>
    %convert_element_type3A_149 = arith.sitofp %jit3A_139 : i32 to f32
    %sub3A_150 = arith.constant 2.560000e+02 : f32
    %sub3A_151 = arith.subf %sub3A_150, %convert_element_type3A_149 : f32
    %reduce_sum3A_152 = arith.constant dense<0.000000e+00> : vector<64xf32>
    %reduce_sum3A_153 = vector.multi_reduction <add>, %square3A_148, %reduce_sum3A_152 [1] : vector<64x256xf32> to vector<64xf32>
    %broadcast_in_dim3A_154 = vector.shape_cast %reduce_sum3A_153 : vector<64xf32> to vector<64x1xf32>
    %div3A_155 = vector.broadcast %sub3A_151 : f32 to vector<64x1xf32>
    %div3A_156 = arith.divf %broadcast_in_dim3A_154, %div3A_155 : vector<64x1xf32>
    %gt3A_157 = arith.constant 0.000000e+00 : f32
    %gt3A_158 = arith.cmpf ogt, %sub3A_151, %gt3A_157 : f32
    %jit3A_159 = arith.constant 0x7FC00000 : f32
    %broadcast_in_dim3A_160 = vector.broadcast %jit3A_159 : f32 to vector<64x1xf32>
    %select_n3A_161 = arith.select %gt3A_158, %div3A_156, %broadcast_in_dim3A_160 : vector<64x1xf32>
    %sub3A_162 = vector.broadcast %div3A_138 : vector<64x1xf32> to vector<64x256xf32>
    %sub3A_163 = arith.subf %add3A_126, %sub3A_162 : vector<64x256xf32>
    %add3A_164 = arith.constant 9.99999974E-6 : f32
    %add3A_165 = vector.broadcast %add3A_164 : f32 to vector<64x1xf32>
    %add3A_166 = arith.addf %select_n3A_161, %add3A_165 : vector<64x1xf32>
    %sqrt3A_167 = math.sqrt %add3A_166 : vector<64x1xf32>
    %div3A_168 = vector.broadcast %sqrt3A_167 : vector<64x1xf32> to vector<64x256xf32>
    %div3A_169 = arith.divf %sub3A_163, %div3A_168 : vector<64x256xf32>
    %mul3A_170 = vector.broadcast %get3A_129 : vector<1x256xf32> to vector<64x256xf32>
    %mul3A_171 = arith.mulf %div3A_169, %mul3A_170 : vector<64x256xf32>
    %add3A_172 = vector.broadcast %get3A_132 : vector<1x256xf32> to vector<64x256xf32>
    %add3A_173 = arith.addf %mul3A_171, %add3A_172 : vector<64x256xf32>
    %get3A_174 = arith.constant 0 : index
    %get3A_175 = arith.constant 0 : index
    %get3A_176 = vector.load %arg15[%get3A_174, %get3A_175] : memref<256x10xf32, #tpu.memory_space<vmem>>, vector<256x10xf32>
    %dot_general3A_177 = arith.constant dense<0.000000e+00> : vector<64x10xf32>
    %dot_general3A_178 = tpu.matmul %add3A_173, %get3A_176, %dot_general3A_177 {dimension_numbers = #tpu.dot_dimension_numbers<[1], [0], [0], [1], [0, 0, 1, 1], [], []>, transpose_lhs_hint = false} : vector<64x256xf32>, vector<256x10xf32>, vector<64x10xf32> -> vector<64x10xf32>
    %get3A_179 = arith.constant 0 : index
    %get3A_180 = arith.constant 0 : index
    %get3A_181 = vector.load %arg16[%get3A_179, %get3A_180] : memref<1x10xf32, #tpu.memory_space<vmem>>, vector<1x10xf32>
    %add3A_182 = vector.broadcast %get3A_181 : vector<1x10xf32> to vector<64x10xf32>
    %add3A_183 = arith.addf %dot_general3A_178, %add3A_182 : vector<64x10xf32>
    %get3A_184 = arith.constant 0 : index
    %get3A_185 = arith.constant 0 : index
    %get3A_186 = vector.load %arg17[%get3A_184, %get3A_185] : memref<1x10xf32, #tpu.memory_space<vmem>>, vector<1x10xf32>
    %get3A_187 = arith.constant 0 : index
    %get3A_188 = arith.constant 0 : index
    %get3A_189 = vector.load %arg18[%get3A_187, %get3A_188] : memref<1x10xf32, #tpu.memory_space<vmem>>, vector<1x10xf32>
    %reduce_sum3A_190 = arith.constant dense<0.000000e+00> : vector<64xf32>
    %reduce_sum3A_191 = vector.multi_reduction <add>, %add3A_183, %reduce_sum3A_190 [1] : vector<64x10xf32> to vector<64xf32>
    %broadcast_in_dim3A_192 = vector.shape_cast %reduce_sum3A_191 : vector<64xf32> to vector<64x1xf32>
    %div3A_193 = arith.constant 1.000000e+01 : f32
    %div3A_194 = vector.broadcast %div3A_193 : f32 to vector<64x1xf32>
    %div3A_195 = arith.divf %broadcast_in_dim3A_192, %div3A_194 : vector<64x1xf32>
    %jit3A_196 = arith.constant 0 : i32
    %reduce_sum3A_197 = arith.constant dense<0.000000e+00> : vector<64xf32>
    %reduce_sum3A_198 = vector.multi_reduction <add>, %add3A_183, %reduce_sum3A_197 [1] : vector<64x10xf32> to vector<64xf32>
    %broadcast_in_dim3A_199 = vector.shape_cast %reduce_sum3A_198 : vector<64xf32> to vector<64x1xf32>
    %div3A_200 = arith.constant 1.000000e+01 : f32
    %div3A_201 = vector.broadcast %div3A_200 : f32 to vector<64x1xf32>
    %div3A_202 = arith.divf %broadcast_in_dim3A_199, %div3A_201 : vector<64x1xf32>
    %sub3A_203 = vector.broadcast %div3A_202 : vector<64x1xf32> to vector<64x10xf32>
    %sub3A_204 = arith.subf %add3A_183, %sub3A_203 : vector<64x10xf32>
    %square3A_205 = arith.mulf %sub3A_204, %sub3A_204 : vector<64x10xf32>
    %convert_element_type3A_206 = arith.sitofp %jit3A_196 : i32 to f32
    %sub3A_207 = arith.constant 1.000000e+01 : f32
    %sub3A_208 = arith.subf %sub3A_207, %convert_element_type3A_206 : f32
    %reduce_sum3A_209 = arith.constant dense<0.000000e+00> : vector<64xf32>
    %reduce_sum3A_210 = vector.multi_reduction <add>, %square3A_205, %reduce_sum3A_209 [1] : vector<64x10xf32> to vector<64xf32>
    %broadcast_in_dim3A_211 = vector.shape_cast %reduce_sum3A_210 : vector<64xf32> to vector<64x1xf32>
    %div3A_212 = vector.broadcast %sub3A_208 : f32 to vector<64x1xf32>
    %div3A_213 = arith.divf %broadcast_in_dim3A_211, %div3A_212 : vector<64x1xf32>
    %gt3A_214 = arith.constant 0.000000e+00 : f32
    %gt3A_215 = arith.cmpf ogt, %sub3A_208, %gt3A_214 : f32
    %jit3A_216 = arith.constant 0x7FC00000 : f32
    %broadcast_in_dim3A_217 = vector.broadcast %jit3A_216 : f32 to vector<64x1xf32>
    %select_n3A_218 = arith.select %gt3A_215, %div3A_213, %broadcast_in_dim3A_217 : vector<64x1xf32>
    %sub3A_219 = vector.broadcast %div3A_195 : vector<64x1xf32> to vector<64x10xf32>
    %sub3A_220 = arith.subf %add3A_183, %sub3A_219 : vector<64x10xf32>
    %add3A_221 = arith.constant 9.99999974E-6 : f32
    %add3A_222 = vector.broadcast %add3A_221 : f32 to vector<64x1xf32>
    %add3A_223 = arith.addf %select_n3A_218, %add3A_222 : vector<64x1xf32>
    %sqrt3A_224 = math.sqrt %add3A_223 : vector<64x1xf32>
    %div3A_225 = vector.broadcast %sqrt3A_224 : vector<64x1xf32> to vector<64x10xf32>
    %div3A_226 = arith.divf %sub3A_220, %div3A_225 : vector<64x10xf32>
    %mul3A_227 = vector.broadcast %get3A_186 : vector<1x10xf32> to vector<64x10xf32>
    %mul3A_228 = arith.mulf %div3A_226, %mul3A_227 : vector<64x10xf32>
    %add3A_229 = vector.broadcast %get3A_189 : vector<1x10xf32> to vector<64x10xf32>
    %add3A_230 = arith.addf %mul3A_228, %add3A_229 : vector<64x10xf32>
    %swap3A = arith.constant 0 : index
    %swap3A_231 = arith.constant 0 : index
    %swap3A_232 = vector.load %arg19[%swap3A, %swap3A_231] : memref<64x10xf32, #tpu.memory_space<vmem>>, vector<64x10xf32>
    tpu.vector_store %arg19[%swap3A, %swap3A_231], %add3A_230 {strides = array<i32>} : memref<64x10xf32, #tpu.memory_space<vmem>>, vector<64x10xf32>,
    return
  }
}

</mosaic_0001>

<sc_bundles>
// kernel: kernel.11.cloned.1.call-start
scs
__scs_entry_jumppad:
0x0: {  	(pc) =	sbr.rel $0x88, $3  }
0x1: {  	(tag) =	ssettag $0x0;
	lr =	simm.s32 $0x1  }
0x2: {  	[smem:$0x3F87] =	sst lr;
	_ =	strace $0xD0000000  }
0x3: {  	_ = 	snop  }
0x4: {  	_ = 	snop  }
0x5: {  	_ = 	snop  }
0x6: {  	_ = 	snop  }
0x7: {  	_ = 	snop  }
__scs_overlays_trampoline_lowered:
0x8: {  	[smem:$0x3F96] =	sst s0  }
0x9: {  	[smem:$0x3F97] =	sst s1  }
0xa: {  	[smem:$0x3F98] =	sst s2  }
0xb: {  	[smem:$0x3F99] =	sst s3  }
0xc: {  	[smem:$0x3F9A] =	sst s4  }
0xd: {  	[smem:$0x3F9B] =	sst s5  }
0xe: {  	[smem:$0x3F9C] =	sst s6  }
0xf: {  	[smem:$0x3F9D] =	sst s7  }
0x10: {  	[smem:$0x3F9E] =	sst s8  }
0x11: {  	[smem:$0x3F9F] =	sst s9;
	s0 =	simm.s32 @!p0 $0x0  }
0x12: {  	s1 =	sld [smem:$0x3F85];
	s0 =	simm.s32 @p0 $0x1  }
0x13: {  	[smem:$0x3FA0] =	sst s0;
	s0 =	simm.s32 @!p1 $0x0  }
0x14: {  	s2 =	sld [smem:$0x3F84];
	s0 =	simm.s32 @p1 $0x1  }
0x15: {  	[smem:$0x3FA1] =	sst s0;
	s0 =	simm.s32 @!p2 $0x0  }
0x16: {  	s3 =	sld [smem:$0x3FDB];
	s0 =	simm.s32 @p2 $0x1  }
0x17: {  	s4 =	simm.s32 $0x1BF5;
	[smem:$0x3FA3] =	sst s0  }
0x18: {  	s0 =	sld [smem:$0x3F86];
	_ =	swait.ge [sflag:s4], $0x0  }
0x19: {  	s7 =	sld [smem:$0x3F87]  }
0x1a: {  	s8 =	sadd.s32 $0xFFFFE003, lr  }
0x1b: {  	s9 =	sadd.s32 $0xFFFFFEF7, lr;
	s5 =	simm.s32 $0xFFFFFFFF;
	p2 =	slt.u32 s8, $0xFFFFF086  }
0x1c: {  	p1 =	slt.u32 s9, $0xF7A;
	s5 =	simm.s32 @!p2 $0x0  }
0x1d: {  	s5 =	simm.s32 @p1 $0x1;
	p0 =	seq.s32 s7, s2  }
0x1e: {  	s7 =	smul.u32 @!p0 $0xF7A, s2;
	p2 =	seq.s32 @!p0 s5, $0x0  }
0x1f: {  	s9 =	smul.u32 $0xF7A, s1;
	s8 =	simm.s32 @!p0 $0x1BF5;
	p2 =	por !p2, p0  }
0x20: {  	[sflag:s8] =	ssyncset.s32 @!p0 $0xFFFFF086;
	s6 =	sadd.s32 @!p0 s3, s7;
	s7 =	simm.s32 @!p0 $0x108  }
0x21: {  	s3 =	sadd.s32 s3, s9;
	s6 =	sadd.s32 @!p0 $0x88, s6;
	s7 =	simm.s32 @p2 $0x1082  }
0x22: {  	[simem:s7], [sflag:s8] =	dma.local @!p0 [hbm:s6], $0xF7A  }
0x23: {  	s9 =	sor.u32 $0xD0000000, s2;
	s6 =	simm.s32 $0x108;
	_ =	swait.ge @!p0 [sflag:s8], $0x0  }
0x24: {  	s3 =	sadd.s32 $0x88, s3;
	s6 =	simm.s32 @!p1 $0x1082;
	[sflag:s4] =	ssyncset.s32 $0xFFFFF086  }
0x25: {  	[simem:s6], [sflag:s4] =	dma.local [hbm:s3], $0xF7A  }
0x26: {  	[smem:$0x3F87] =	sst s1;
	(tag) =	ssettag s2;
	_ =	strace s9  }
0x27: {  	s1 =	sld [smem:$0x3F97]  }
0x28: {  	s2 =	sld [smem:$0x3F98]  }
0x29: {  	s4 =	sld [smem:$0x3F9A]  }
0x2a: {  	p0 =	seq.s32 s5, $0x0;
	s5 =	sld [smem:$0x3F9B]  }
0x2b: {  	s6 =	sld [smem:$0x3F9C]  }
0x2c: {  	s7 =	sld [smem:$0x3F9D]  }
0x2d: {  	s3 =	simm.s32 $0x108;
	s8 =	sld [smem:$0x3F9E]  }
0x2e: {  	s3 =	simm.s32 @!p0 $0x1082;
	s9 =	sld [smem:$0x3F9F]  }
0x2f: {  	lr =	sadd.s32 s0, s3;
	s0 =	sld [smem:$0x3F96]  }
0x30: {  	s3 =	sld [smem:$0x3F99]  }
0x31: {  	[smem:$0x3FA2] =	sst s10  }
0x32: {  	s10 =	sld [smem:$0x3FA0];
	_ =	sdelay $0x3  }
0x33: {  	p0 =	seq.s32 s10, $0x1;
	s10 =	sld [smem:$0x3FA2];
	_ =	sdelay $0x3  }
0x34: {  	[smem:$0x3FA2] =	sst s10  }
0x35: {  	s10 =	sld [smem:$0x3FA1];
	_ =	sdelay $0x3  }
0x36: {  	p1 =	seq.s32 s10, $0x1;
	s10 =	sld [smem:$0x3FA2];
	_ =	sdelay $0x3  }
0x37: {  	[smem:$0x3FA2] =	sst s10  }
0x38: {  	s10 =	sld [smem:$0x3FA3]  }
0x39: {  	_ = 	snop;
	(pc) =	sbr.ind lr, $3  }
0x3a: {  	_ = 	snop  }
0x3b: {  	_ = 	snop  }
0x3c: {  	p2 =	seq.s32 s10, $0x1;
	s10 =	sld [smem:$0x3FA2]  }
0x3d: {  	_ =	shalt  }
0x3e: {  	_ =	shalt  }
0x3f: {  	_ =	shalt  }
0x40: {  	_ =	shalt  }
0x41: {  	_ =	shalt  }
0x42: {  	_ =	shalt  }
0x43: {  	_ =	shalt  }
0x44: {  	_ =	shalt  }
0x45: {  	_ =	shalt  }
0x46: {  	_ =	shalt  }
0x47: {  	_ =	shalt  }
0x48: {  	_ =	shalt  }
0x49: {  	_ =	shalt  }
0x4a: {  	_ =	shalt  }
0x4b: {  	_ =	shalt  }
0x4c: {  	_ =	shalt  }
0x4d: {  	_ =	shalt  }
0x4e: {  	_ =	shalt  }
0x4f: {  	_ =	shalt  }
0x50: {  	_ =	shalt  }
0x51: {  	_ =	shalt  }
0x52: {  	_ =	shalt  }
0x53: {  	_ =	shalt  }
0x54: {  	_ =	shalt  }
0x55: {  	_ =	shalt  }
0x56: {  	_ =	shalt  }
0x57: {  	_ =	shalt  }
0x58: {  	_ =	shalt  }
0x59: {  	_ =	shalt  }
0x5a: {  	_ =	shalt  }
0x5b: {  	_ =	shalt  }
0x5c: {  	_ =	shalt  }
0x5d: {  	_ =	shalt  }
0x5e: {  	_ =	shalt  }
0x5f: {  	_ =	shalt  }
0x60: {  	_ =	shalt  }
0x61: {  	_ =	shalt  }
0x62: {  	_ =	shalt  }
0x63: {  	_ =	shalt  }
0x64: {  	_ =	shalt  }
0x65: {  	_ =	shalt  }
0x66: {  	_ =	shalt  }
0x67: {  	_ =	shalt  }
0x68: {  	_ =	shalt  }
0x69: {  	_ =	shalt  }
0x6a: {  	_ =	shalt  }
0x6b: {  	_ =	shalt  }
0x6c: {  	_ =	shalt  }
0x6d: {  	_ =	shalt  }
0x6e: {  	_ =	shalt  }
0x6f: {  	_ =	shalt  }
0x70: {  	_ =	shalt  }
0x71: {  	_ =	shalt  }
0x72: {  	_ =	shalt  }
0x73: {  	_ =	shalt  }
0x74: {  	_ =	shalt  }
0x75: {  	_ =	shalt  }
0x76: {  	_ =	shalt  }
0x77: {  	_ =	shalt  }
0x78: {  	_ =	shalt  }
0x79: {  	_ =	shalt  }
0x7a: {  	_ =	shalt  }
0x7b: {  	_ =	shalt  }
0x7c: {  	_ =	shalt  }
0x7d: {  	_ =	shalt  }
0x7e: {  	_ =	shalt  }
0x7f: {  	_ =	shalt  }
0x80: {  	_ =	shalt  }
0x81: {  	_ =	shalt  }
0x82: {  	_ =	shalt  }
0x83: {  	_ =	shalt  }
0x84: {  	_ =	shalt  }
0x85: {  	_ =	shalt  }
0x86: {  	_ =	shalt  }
0x87: {  	_ =	shalt  }
.Lfunc_end0:
.L_simem_size_0:
called_computation_lowered:
.L_overlay_start_0:
0x88: {  	s2 =	sld [smem:$0x3FD9]  }
0x89: {  	s3 =	sld [smem:$0x3FFE];
	_ =	sdelay $0x1  }
0x8a: {  	s1 =	srdreg.scid  }
0x8b: {  	s0 =	sand.u32 $0x1, s1  }
0x8c: {  	s16 =	sshll.u32 s0, $0xA;
	s2 =	sadd.s32 s3, s2  }
0x8d: {  	s2 =	sadd.s32 s2, s16  }
0x8e: {  	[smem:$0x3FAE] =	sst s2  }
0x8f: {  	_ = 	snop  }
0x90: {  	(tm) =	ssettm $0x1  }
0x91: {  	s17 =	sld [smem:$0x3FFB];
	_ =	sdelay $0x3  }
0x92: {  	_ =	strace s17  }
0x93: {  	s2 =	sld [smem:$0x3FFC];
	_ =	sdelay $0x3  }
0x94: {  	_ =	strace s2  }
0x95: {  	s2 =	sld [smem:$0x3FFD];
	_ =	sdelay $0x3  }
0x96: {  	_ =	strace s2  }
0x97: {  	_ =	strace $0x8FFFFFFF  }
0x98: {  	s18 =	sld [smem:$0x3FDB];
	_ =	sdelay $0x1  }
0x99: {  	s19 =	simm.s32 $_scs_section_size  }
0x9a: {  	s4 =	simm.s32 $_size__tile_overlayer_lowered;
	s5 =	simm.s32 $_tile_overlayer_lowered  }
0x9b: {  	s22 =	simm.s32 $0x1BFF;
	s21 =	sshll.u32 s5, $0x1;
	s2 =	sadd.s32 s19, s18  }
0x9c: {  	s6 =	simm.s32 $0x0;
	s20 =	sshll.u32 s4, $0x1;
	s4 =	sadd.s32 s21, s2  }
0x9d: {  	[timem:s6], [sflag:s22] =	dma.local [hbm:s4], s20  }
0x9e: {  	_ =	swait.ge [sflag:s22], s20  }
0x9f: {  	s3 =	ssub.s32 $0x0, s20;
	[sflag:s22] =	ssyncset.done $0x0  }
0xa0: {  	[sflag:s22] =	ssyncadd.s32 s3;
	_ =	sdelay $0x1  }
0xa1: {  	s23 =	simm.s32 $0x1B8B  }
0xa2: {  	_ =	swait.ge [sflag:s23], $0x1  }
0xa3: {  	[sflag:s23] =	ssyncset.done $0x0  }
0xa4: {  	s25 =	simm.s32 $0x1B8E;
	s24 =	sld [smem:$0x3FFE];
	[sflag:s23] =	ssyncadd.s32 $0xFFFFFFFF  }
0xa5: {  	s26 =	simm.s32 $execute0_lowered;
	[smem:$0x3FD2] =	sst s25  }
0xa6: {  	s4 =	sshll.u32 s26, $0x1;
	_ =	strace $0x80000046;
	[dreg:$0x1] =	wrdreg $0xFFFFFFFF  }
0xa7: {  	s28 =	simm.s32 $_size_execute0_lowered;
	s2 =	sadd.s32 s2, s4;
	[dreg:$0x0] =	wrdreg $0x0  }
0xa8: {  	s4 =	sshll.u32 s28, $0x1;
	[dreg:$0x2] =	wrdreg s2  }
0xa9: {  	[dreg:$0x3] =	wrdreg s4  }
0xaa: {  	[dreg:$0x4] =	wrdreg $0xC0  }
0xab: {  	_ =	task [dreg:s6], $0x5FFFF  }
0xac: {  	[dreg:$0x1] =	wrdreg $0xFFFFFFFF  }
0xad: {  	[dreg:$0x0] =	wrdreg $0x60  }
0xae: {  	[dreg:$0x2] =	wrdreg s24  }
0xaf: {  	[dreg:$0x3] =	wrdreg $0x9  }
0xb0: {  	_ =	task.clear_ibuf [dreg:s6], $0x4FFFF;
	_ =	strace $0x90000046  }
0xb1: {  	s29 =	simm.s32 $0x9;
	_ =	strace $0x80000048  }
0xb2: {  	_ =	swait.ge [sflag:s29], $0x1  }
0xb3: {  	[sflag:s29] =	ssyncadd.s32 $0xFFFFFFFF  }
0xb4: {  	_ =	strace $0x90000048  }
0xb5: {  	_ =	sfence  }
0xb6: {  	s30 =	sld [smem:$0x0];
	_ =	sdelay $0x2  }
0xb7: {  	s31 =	sshll.u32 s1, $0xD;
	s1 =	sshrl.u32 s1, $0x2  }
0xb8: {  	s3 =	sand.u32 $0x4000, s31;
	s1 =	sadd.s32 s1, s30  }
0xb9: {  	s0 =	sor.u32 s3, s0;
	s1 =	sshll.u32 s1, $0x11  }
0xba: {  	s0 =	sor.u32 s1, s0  }
0xbb: {  	s0 =	sadd.s32 $0x8F2B, s0  }
0xbc: {  	[sflag:s0] =	ssyncadd.remote.s32 $0x1  }
0xbd: {  	_ =	sfence.sel $0xFFFF  }
0xbe: {  	[dreg:$0x0] =	wrdreg $0xFFFFFFFF;
	(pc) =	sbr.abs _section_cstart, $3  }
0xbf: {  	[dreg:$0x1] =	wrdreg $0xFFFFFFFF  }
0xc0: {  	_ =	task.clear_ibuf [dreg:s6], $0x2FFFF;
	_ =	strace $0x9FFFFFFF  }
0xc1: {  	(tm) =	ssettm $0x7FFFFFFF  }
tec
execute0_lowered:
.L_overlay_start_1:
0x0: {  	(tag) =	ssettag $0x1  }
0x1: {  	s1 =	srdreg.scid;
	s0 =	stileid.u32  }
0x2: {  	s3 =	rddreg [dreg:$0x0];
	s8 =	simm.s32 $0x80;
	s9 =	simm.s32 $0x400  }
0x3: {  	s4 =	sand.u32 $0x1, s1;
	s2 =	sshll.u32 s0, $0x1;
	s1 =	rddreg [dreg:$0x1]  }
0x4: {  	s6 =	sshrl.u32 s0, $0x2;
	s5 =	sor.u32 s4, s2;
	s2 =	simm.s32 $0x0  }
0x5: {  	s6 =	smul.u32 $0x14000, s6;
	s4 =	ssub.s32 $0x2, s4;
	s7 =	sshll.u32 s5, $0x7  }
0x6: {  	[smem:$0x7FF] =	sst s2;
	s5 =	smul.u32 $0x280, s5;
	s7 =	sand.u32 $0x380, s7  }
0x7: {  	s31 =	sshrl.u32 s4, $0x1;
	_ =	strace $0x80000047;
	s6 =	sor.u32 s6, s7  }
0x8: {  	s5 =	sadd.s32 s5, s3;
	s7 =	ssub.s32 s4, s31;
	s6 =	sshrl.u32 s6, $0x3  }
0x9: {  	s6 =	sadd.s32 s6, s3;
	s3 =	sadd.s32 $0x5800, s5;
	s5 =	smax.u32 s7, $0x1  }
0xa: {  	v0 =	vimm.f32 $0.0e+00;
	v1 =	vimm.f32 $1.000000000e+00;
	s7 =	simm.s32 $0x1400;
	s4 =	sadd.s32 $0xA800, s6;
	s6 =	simm.s32 $0x1  }
.LBB2_1:
0xb: {  	s10 =	simm.s32 $0x40;
	s11 =	simm.s32 $0x0  }
.LBB2_2:
0xc: {  	p0 =	sne.s32 s10, $0x9FC0;
	[tilespmem:s11+$0x1400] =	vst v0;
	s11 =	smov.u32 s10;
	s10 =	sadd.s32 $0x40, s10  }
.Ltmp0:
0xd: {  	(pc) =	sbr.rel @p0 .LBB2_2-.Ltmp0, $2  }
0xe: {  	_ =	sdelay $0x2  }
0xf: {  	s11 =	sshra.s32 s11, $0x2  }
0x10: {  	[tilespmem:s11+$0x1400] =	vst v0;
	s10 =	simm.s32 $0x0  }
0x11: {  	[tilespmem:s10], [sflag:$0x1] =	stream.linear.gather [hbm4b:s3+s10], $0x1400, $0x38;
	[tilespmem:$0x3C00] =	vst v63  }
0x12: {  	_ =	swait.ge [sflag:s6], $0x1400  }
0x13: {  	[sflag:s6] =	ssyncset.done $0x0  }
0x14: {  	[sflag:s6] =	ssyncadd.s32 $0xFFFFEC00  }
.LBB2_4:
0x15: {  	s11 =	sshra.s32 s10, $0x2  }
0x16: {  	v2 =	vld [tilespmem:s11+$0x0];
	_ =	sdelay $0x7  }
0x17: {  	[tilespmem:v2+s7+$0x0] =	vst.idx.add.f32.msk $0xffff, v1  }
0x18: {  	v2 =	vld [tilespmem:s11+$0x10];
	_ =	sdelay $0x7  }
0x19: {  	[tilespmem:v2+s7+$0x0] =	vst.idx.add.f32.msk $0xffff, v1  }
0x1a: {  	v2 =	vld [tilespmem:s11+$0x20];
	_ =	sdelay $0x7  }
0x1b: {  	[tilespmem:v2+s7+$0x0] =	vst.idx.add.f32.msk $0xffff, v1  }
0x1c: {  	v2 =	vld [tilespmem:s11+$0x30];
	_ =	sdelay $0x7  }
0x1d: {  	[tilespmem:v2+s7+$0x0] =	vst.idx.add.f32.msk $0xffff, v1  }
0x1e: {  	v2 =	vld [tilespmem:s11+$0x40];
	_ =	sdelay $0x7  }
0x1f: {  	[tilespmem:v2+s7+$0x0] =	vst.idx.add.f32.msk $0xffff, v1  }
0x20: {  	v2 =	vld [tilespmem:s11+$0x50];
	_ =	sdelay $0x7  }
0x21: {  	[tilespmem:v2+s7+$0x0] =	vst.idx.add.f32.msk $0xffff, v1  }
0x22: {  	v2 =	vld [tilespmem:s11+$0x60];
	_ =	sdelay $0x7  }
0x23: {  	[tilespmem:v2+s7+$0x0] =	vst.idx.add.f32.msk $0xffff, v1  }
0x24: {  	v2 =	vld [tilespmem:s11+$0x70];
	_ =	sdelay $0x2  }
0x25: {  	p0 =	sne.s32 s10, $0x4E00  }
.Ltmp1:
0x26: {  	_ = 	snop;
	(pc) =	sbr.rel @p0 .LBB2_4-.Ltmp1, $2  }
0x27: {  	_ =	sdelay $0x2  }
0x28: {  	s10 =	sadd.s32 $0x200, s10;
	[tilespmem:v2+s7+$0x0] =	vst.idx.add.f32.msk $0xffff, v1  }
0x29: {  	s2 =	sadd.s32 $0x1, s2  }
0x2a: {  	p0 =	sne.s32 s2, s5  }
.Ltmp2:
0x2b: {  	_ = 	snop;
	(pc) =	sbr.rel @p0 .LBB2_1-.Ltmp2, $4  }
0x2c: {  	[hbm4b:s4+s8] =	stream.strided.scatter [tilespmem:s7], [sflag:$0x1], $0x2800, s9, s8, $0x38;
	[tilespmem:$0x3C00] =	vst v63  }
0x2d: {  	_ =	swait.ge [sflag:s6], $0x2800  }
0x2e: {  	[sflag:s6] =	ssyncset.done $0x0  }
0x2f: {  	[sflag:s6] =	ssyncadd.s32 $0xFFFFD800  }
0x30: {  	_ =	sfence.sel $0x180000  }
0x31: {  	[bflag:$0x0] =	sbarrier.arrive $0xFFFF  }
0x32: {  	p0 =	sne.s32 s0, $0x0;
	_ =	strace $0x90000047  }
0x33: {  	s0 =	sadd.s32 @!p0 $0x100000, s1;
	[bflag:$0x2] =	sbarrier.arrive $0xFFFF  }
0x34: {  	[sflag:s0] =	ssyncadd.tile.s32 @!p0 $0x1;
	_ =	shalt  }
.Lfunc_end2:
_tile_overlayer_lowered:
.L_overlay_start_2:
0x35: {  	(tag) =	ssettag $0x2  }
0x36: {  	s0 =	rddreg [dreg:$0x0];
	s2 =	stileid.u32  }
0x37: {  	s1 =	rddreg [dreg:$0x1];
	p0 =	sne.s32 s2, $0x0  }
0x38: {  	s3 =	rddreg [dreg:$0x2];
	[bflag:$0x3] =	sbarrier.arrive $0xFFFF;
	s2 =	simm.s32 @!p0 $0x1C01  }
0x39: {  	[timem:s3], [sflag:s2] =	dma.local @!p0 [hbm:s0], s1  }
0x3a: {  	s0 =	simm.s32 @!p0 $0x1  }
0x3b: {  	_ =	swait.ge @!p0 [sflag:s0], s1  }
0x3c: {  	s1 =	ssub.s32 @!p0 $0x0, s1;
	[sflag:s0] =	ssyncset.done @!p0 $0x0  }
0x3d: {  	[sflag:s0] =	ssyncadd.s32 @!p0 s1  }
0x3e: {  	[bflag:$0x3] =	sbarrier.arrive $0xFFFF  }
0x3f: {  	_ =	shalt  }

// kernel: kernel.14.cloned.1.call-start
scs
__scs_entry_jumppad:
0x0: {  	(pc) =	sbr.rel $0x88, $3  }
0x1: {  	(tag) =	ssettag $0x0;
	lr =	simm.s32 $0x1  }
0x2: {  	[smem:$0x3F87] =	sst lr;
	_ =	strace $0xD0000000  }
0x3: {  	_ = 	snop  }
0x4: {  	_ = 	snop  }
0x5: {  	_ = 	snop  }
0x6: {  	_ = 	snop  }
0x7: {  	_ = 	snop  }
__scs_overlays_trampoline_lowered:
0x8: {  	[smem:$0x3F96] =	sst s0  }
0x9: {  	[smem:$0x3F97] =	sst s1  }
0xa: {  	[smem:$0x3F98] =	sst s2  }
0xb: {  	[smem:$0x3F99] =	sst s3  }
0xc: {  	[smem:$0x3F9A] =	sst s4  }
0xd: {  	[smem:$0x3F9B] =	sst s5  }
0xe: {  	[smem:$0x3F9C] =	sst s6  }
0xf: {  	[smem:$0x3F9D] =	sst s7  }
0x10: {  	[smem:$0x3F9E] =	sst s8  }
0x11: {  	[smem:$0x3F9F] =	sst s9;
	s0 =	simm.s32 @!p0 $0x0  }
0x12: {  	s1 =	sld [smem:$0x3F85];
	s0 =	simm.s32 @p0 $0x1  }
0x13: {  	[smem:$0x3FA0] =	sst s0;
	s0 =	simm.s32 @!p1 $0x0  }
0x14: {  	s2 =	sld [smem:$0x3F84];
	s0 =	simm.s32 @p1 $0x1  }
0x15: {  	[smem:$0x3FA1] =	sst s0;
	s0 =	simm.s32 @!p2 $0x0  }
0x16: {  	s3 =	sld [smem:$0x3FDB];
	s0 =	simm.s32 @p2 $0x1  }
0x17: {  	s4 =	simm.s32 $0x1BF5;
	[smem:$0x3FA3] =	sst s0  }
0x18: {  	s0 =	sld [smem:$0x3F86];
	_ =	swait.ge [sflag:s4], $0x0  }
0x19: {  	s7 =	sld [smem:$0x3F87]  }
0x1a: {  	s8 =	sadd.s32 $0xFFFFE003, lr  }
0x1b: {  	s9 =	sadd.s32 $0xFFFFFEF7, lr;
	s5 =	simm.s32 $0xFFFFFFFF;
	p2 =	slt.u32 s8, $0xFFFFF086  }
0x1c: {  	p1 =	slt.u32 s9, $0xF7A;
	s5 =	simm.s32 @!p2 $0x0  }
0x1d: {  	s5 =	simm.s32 @p1 $0x1;
	p0 =	seq.s32 s7, s2  }
0x1e: {  	s7 =	smul.u32 @!p0 $0xF7A, s2;
	p2 =	seq.s32 @!p0 s5, $0x0  }
0x1f: {  	s9 =	smul.u32 $0xF7A, s1;
	s8 =	simm.s32 @!p0 $0x1BF5;
	p2 =	por !p2, p0  }
0x20: {  	[sflag:s8] =	ssyncset.s32 @!p0 $0xFFFFF086;
	s6 =	sadd.s32 @!p0 s3, s7;
	s7 =	simm.s32 @!p0 $0x108  }
0x21: {  	s3 =	sadd.s32 s3, s9;
	s6 =	sadd.s32 @!p0 $0x88, s6;
	s7 =	simm.s32 @p2 $0x1082  }
0x22: {  	[simem:s7], [sflag:s8] =	dma.local @!p0 [hbm:s6], $0xF7A  }
0x23: {  	s9 =	sor.u32 $0xD0000000, s2;
	s6 =	simm.s32 $0x108;
	_ =	swait.ge @!p0 [sflag:s8], $0x0  }
0x24: {  	s3 =	sadd.s32 $0x88, s3;
	s6 =	simm.s32 @!p1 $0x1082;
	[sflag:s4] =	ssyncset.s32 $0xFFFFF086  }
0x25: {  	[simem:s6], [sflag:s4] =	dma.local [hbm:s3], $0xF7A  }
0x26: {  	[smem:$0x3F87] =	sst s1;
	(tag) =	ssettag s2;
	_ =	strace s9  }
0x27: {  	s1 =	sld [smem:$0x3F97]  }
0x28: {  	s2 =	sld [smem:$0x3F98]  }
0x29: {  	s4 =	sld [smem:$0x3F9A]  }
0x2a: {  	p0 =	seq.s32 s5, $0x0;
	s5 =	sld [smem:$0x3F9B]  }
0x2b: {  	s6 =	sld [smem:$0x3F9C]  }
0x2c: {  	s7 =	sld [smem:$0x3F9D]  }
0x2d: {  	s3 =	simm.s32 $0x108;
	s8 =	sld [smem:$0x3F9E]  }
0x2e: {  	s3 =	simm.s32 @!p0 $0x1082;
	s9 =	sld [smem:$0x3F9F]  }
0x2f: {  	lr =	sadd.s32 s0, s3;
	s0 =	sld [smem:$0x3F96]  }
0x30: {  	s3 =	sld [smem:$0x3F99]  }
0x31: {  	[smem:$0x3FA2] =	sst s10  }
0x32: {  	s10 =	sld [smem:$0x3FA0];
	_ =	sdelay $0x3  }
0x33: {  	p0 =	seq.s32 s10, $0x1;
	s10 =	sld [smem:$0x3FA2];
	_ =	sdelay $0x3  }
0x34: {  	[smem:$0x3FA2] =	sst s10  }
0x35: {  	s10 =	sld [smem:$0x3FA1];
	_ =	sdelay $0x3  }
0x36: {  	p1 =	seq.s32 s10, $0x1;
	s10 =	sld [smem:$0x3FA2];
	_ =	sdelay $0x3  }
0x37: {  	[smem:$0x3FA2] =	sst s10  }
0x38: {  	s10 =	sld [smem:$0x3FA3]  }
0x39: {  	_ = 	snop;
	(pc) =	sbr.ind lr, $3  }
0x3a: {  	_ = 	snop  }
0x3b: {  	_ = 	snop  }
0x3c: {  	p2 =	seq.s32 s10, $0x1;
	s10 =	sld [smem:$0x3FA2]  }
0x3d: {  	_ =	shalt  }
0x3e: {  	_ =	shalt  }
0x3f: {  	_ =	shalt  }
0x40: {  	_ =	shalt  }
0x41: {  	_ =	shalt  }
0x42: {  	_ =	shalt  }
0x43: {  	_ =	shalt  }
0x44: {  	_ =	shalt  }
0x45: {  	_ =	shalt  }
0x46: {  	_ =	shalt  }
0x47: {  	_ =	shalt  }
0x48: {  	_ =	shalt  }
0x49: {  	_ =	shalt  }
0x4a: {  	_ =	shalt  }
0x4b: {  	_ =	shalt  }
0x4c: {  	_ =	shalt  }
0x4d: {  	_ =	shalt  }
0x4e: {  	_ =	shalt  }
0x4f: {  	_ =	shalt  }
0x50: {  	_ =	shalt  }
0x51: {  	_ =	shalt  }
0x52: {  	_ =	shalt  }
0x53: {  	_ =	shalt  }
0x54: {  	_ =	shalt  }
0x55: {  	_ =	shalt  }
0x56: {  	_ =	shalt  }
0x57: {  	_ =	shalt  }
0x58: {  	_ =	shalt  }
0x59: {  	_ =	shalt  }
0x5a: {  	_ =	shalt  }
0x5b: {  	_ =	shalt  }
0x5c: {  	_ =	shalt  }
0x5d: {  	_ =	shalt  }
0x5e: {  	_ =	shalt  }
0x5f: {  	_ =	shalt  }
0x60: {  	_ =	shalt  }
0x61: {  	_ =	shalt  }
0x62: {  	_ =	shalt  }
0x63: {  	_ =	shalt  }
0x64: {  	_ =	shalt  }
0x65: {  	_ =	shalt  }
0x66: {  	_ =	shalt  }
0x67: {  	_ =	shalt  }
0x68: {  	_ =	shalt  }
0x69: {  	_ =	shalt  }
0x6a: {  	_ =	shalt  }
0x6b: {  	_ =	shalt  }
0x6c: {  	_ =	shalt  }
0x6d: {  	_ =	shalt  }
0x6e: {  	_ =	shalt  }
0x6f: {  	_ =	shalt  }
0x70: {  	_ =	shalt  }
0x71: {  	_ =	shalt  }
0x72: {  	_ =	shalt  }
0x73: {  	_ =	shalt  }
0x74: {  	_ =	shalt  }
0x75: {  	_ =	shalt  }
0x76: {  	_ =	shalt  }
0x77: {  	_ =	shalt  }
0x78: {  	_ =	shalt  }
0x79: {  	_ =	shalt  }
0x7a: {  	_ =	shalt  }
0x7b: {  	_ =	shalt  }
0x7c: {  	_ =	shalt  }
0x7d: {  	_ =	shalt  }
0x7e: {  	_ =	shalt  }
0x7f: {  	_ =	shalt  }
0x80: {  	_ =	shalt  }
0x81: {  	_ =	shalt  }
0x82: {  	_ =	shalt  }
0x83: {  	_ =	shalt  }
0x84: {  	_ =	shalt  }
0x85: {  	_ =	shalt  }
0x86: {  	_ =	shalt  }
0x87: {  	_ =	shalt  }
.Lfunc_end0:
.L_simem_size_0:
called_computation.1_lowered:
.L_overlay_start_0:
0x88: {  	s2 =	sld [smem:$0x3FD9]  }
0x89: {  	s3 =	sld [smem:$0x3FFE];
	_ =	sdelay $0x1  }
0x8a: {  	s1 =	srdreg.scid  }
0x8b: {  	s0 =	sand.u32 $0x1, s1  }
0x8c: {  	s16 =	sshll.u32 s0, $0xA;
	s2 =	sadd.s32 s3, s2  }
0x8d: {  	s2 =	sadd.s32 s2, s16  }
0x8e: {  	[smem:$0x3FAE] =	sst s2  }
0x8f: {  	_ = 	snop  }
0x90: {  	(tm) =	ssettm $0x1  }
0x91: {  	s17 =	sld [smem:$0x3FFB];
	_ =	sdelay $0x3  }
0x92: {  	_ =	strace s17  }
0x93: {  	s2 =	sld [smem:$0x3FFC];
	_ =	sdelay $0x3  }
0x94: {  	_ =	strace s2  }
0x95: {  	s2 =	sld [smem:$0x3FFD];
	_ =	sdelay $0x3  }
0x96: {  	_ =	strace s2  }
0x97: {  	_ =	strace $0x8FFFFFFF  }
0x98: {  	s18 =	sld [smem:$0x3FDB];
	_ =	sdelay $0x1  }
0x99: {  	s19 =	simm.s32 $_scs_section_size  }
0x9a: {  	s4 =	simm.s32 $_size__tile_overlayer_lowered;
	s5 =	simm.s32 $_tile_overlayer_lowered  }
0x9b: {  	s22 =	simm.s32 $0x1BFF;
	s21 =	sshll.u32 s5, $0x1;
	s2 =	sadd.s32 s19, s18  }
0x9c: {  	s6 =	simm.s32 $0x0;
	s20 =	sshll.u32 s4, $0x1;
	s4 =	sadd.s32 s21, s2  }
0x9d: {  	[timem:s6], [sflag:s22] =	dma.local [hbm:s4], s20  }
0x9e: {  	_ =	swait.ge [sflag:s22], s20  }
0x9f: {  	s3 =	ssub.s32 $0x0, s20;
	[sflag:s22] =	ssyncset.done $0x0  }
0xa0: {  	[sflag:s22] =	ssyncadd.s32 s3;
	_ =	sdelay $0x1  }
0xa1: {  	s23 =	simm.s32 $0x1B8B  }
0xa2: {  	_ =	swait.ge [sflag:s23], $0x1  }
0xa3: {  	[sflag:s23] =	ssyncset.done $0x0  }
0xa4: {  	s25 =	simm.s32 $0x1B8E;
	s24 =	sld [smem:$0x3FFE];
	[sflag:s23] =	ssyncadd.s32 $0xFFFFFFFF  }
0xa5: {  	s26 =	simm.s32 $execute0_lowered;
	[smem:$0x3FD2] =	sst s25  }
0xa6: {  	s4 =	sshll.u32 s26, $0x1;
	_ =	strace $0x80000049;
	[dreg:$0x1] =	wrdreg $0xFFFFFFFF  }
0xa7: {  	s28 =	simm.s32 $_size_execute0_lowered;
	s2 =	sadd.s32 s2, s4;
	[dreg:$0x0] =	wrdreg $0x0  }
0xa8: {  	s4 =	sshll.u32 s28, $0x1;
	[dreg:$0x2] =	wrdreg s2  }
0xa9: {  	[dreg:$0x3] =	wrdreg s4  }
0xaa: {  	[dreg:$0x4] =	wrdreg $0xC0  }
0xab: {  	_ =	task [dreg:s6], $0x5FFFF  }
0xac: {  	[dreg:$0x1] =	wrdreg $0xFFFFFFFF  }
0xad: {  	[dreg:$0x0] =	wrdreg $0x60  }
0xae: {  	[dreg:$0x2] =	wrdreg s24  }
0xaf: {  	[dreg:$0x3] =	wrdreg $0x150000  }
0xb0: {  	[dreg:$0x4] =	wrdreg $0x9  }
0xb1: {  	_ =	task.clear_ibuf [dreg:s6], $0x5FFFF;
	_ =	strace $0x90000049  }
0xb2: {  	s29 =	simm.s32 $0x9;
	_ =	strace $0x8000004B  }
0xb3: {  	_ =	swait.ge [sflag:s29], $0x1  }
0xb4: {  	[sflag:s29] =	ssyncadd.s32 $0xFFFFFFFF  }
0xb5: {  	_ =	strace $0x9000004B  }
0xb6: {  	_ =	sfence  }
0xb7: {  	s30 =	sld [smem:$0x0];
	_ =	sdelay $0x2  }
0xb8: {  	s31 =	sshll.u32 s1, $0xD;
	s1 =	sshrl.u32 s1, $0x2  }
0xb9: {  	s3 =	sand.u32 $0x4000, s31;
	s1 =	sadd.s32 s1, s30  }
0xba: {  	s0 =	sor.u32 s3, s0;
	s1 =	sshll.u32 s1, $0x11  }
0xbb: {  	s0 =	sor.u32 s1, s0  }
0xbc: {  	s0 =	sadd.s32 $0x8F2B, s0  }
0xbd: {  	[sflag:s0] =	ssyncadd.remote.s32 $0x1  }
0xbe: {  	_ =	sfence.sel $0xFFFF  }
0xbf: {  	[dreg:$0x0] =	wrdreg $0xFFFFFFFF;
	(pc) =	sbr.abs _section_cstart, $3  }
0xc0: {  	[dreg:$0x1] =	wrdreg $0xFFFFFFFF  }
0xc1: {  	_ =	task.clear_ibuf [dreg:s6], $0x2FFFF;
	_ =	strace $0x9FFFFFFF  }
0xc2: {  	(tm) =	ssettm $0x7FFFFFFF  }
0xc3: {  	_ =	shalt  }
tec
execute0_lowered:
.L_overlay_start_1:
0x0: {  	(tag) =	ssettag $0x1  }
0x1: {  	s5 =	rddreg [dreg:$0x0]  }
0x2: {  	s1 =	srdreg.scid;
	s0 =	stileid.u32  }
0x3: {  	s2 =	rddreg [dreg:$0x1];
	s3 =	simm.s32 $0x0;
	s18 =	simm.s32 $0x5000  }
0x4: {  	s19 =	simm.s32 $0x9000;
	s20 =	simm.s32 $0x100;
	s4 =	smul.u32 $0x50, s0  }
0x5: {  	s21 =	simm.s32 $0xD000;
	s22 =	simm.s32 $0x0;
	s8 =	smul.u32 $0x140, s0  }
0x6: {  	s6 =	sand.u32 $0x1, s1;
	s1 =	rddreg [dreg:$0x2];
	s9 =	smul.u32 $0x28000, s0  }
0x7: {  	[smem:$0x7FF] =	sst s3;
	s12 =	sadd.s32 $0x28800, s5;
	s28 =	smul.u32 $0x500, s0  }
0x8: {  	s13 =	sadd.s32 $0x82800, s5;
	s30 =	sshll.u32 s0, $0x6;
	s31 =	smul.u32 $0x2800, s0  }
0x9: {  	s7 =	smul.u32 $0x500, s6;
	_ =	strace $0x8000004A;
	s24 =	ssub.s32 $0x2, s6  }
0xa: {  	s6 =	smul.u32 $0x2800, s6;
	s10 =	sshrl.u32 s24, $0x1;
	s25 =	sshrl.u32 s9, $0x2  }
0xb: {  	s17 =	sshrl.u32 s31, $0x3;
	s7 =	sadd.s32 s4, s7;
	s4 =	sadd.s32 $0x32800, s5  }
0xc: {  	s14 =	ssub.s32 s24, s10;
	s15 =	sadd.s32 s25, s2;
	s26 =	sadd.s32 s8, s6  }
0xd: {  	s6 =	sor.u32 $0x1C05, s30;
	s8 =	sadd.s32 s12, s28;
	s12 =	sadd.s32 s12, s17  }
0xe: {  	s17 =	simm.s32 $0x80;
	s7 =	sshll.u32 s7, $0x4;
	s29 =	sshll.u32 s26, $0x4  }
0xf: {  	s12 =	sadd.s32 $0x5000, s12;
	s14 =	smax.u32 s14, $0x1;
	s15 =	sshrl.u32 s15, $0x3  }
0x10: {  	s11 =	sadd.s32 s7, s5;
	s5 =	sadd.s32 s4, s29;
	s16 =	sadd.s32 $0x14000, s29  }
0x11: {  	s9 =	sadd.s32 s13, s29;
	s7 =	sadd.s32 $0x14800, s11;
	s10 =	sadd.s32 s4, s16  }
0x12: {  	s11 =	sadd.s32 $0x1E800, s11;
	s13 =	sadd.s32 s13, s16;
	s16 =	simm.s32 $0x5  }
.LBB2_1:
0x13: {  	[spmem:s15], [sflag:s6] =	dma.local [hbm:s5], $0x1400  }
0x14: {  	_ =	swait.ge [sflag:s16], $0x1400  }
0x15: {  	[sflag:s16] =	ssyncset.done $0x0  }
0x16: {  	[sflag:s16] =	ssyncadd.s32 $0xFFFFEC00  }
0x17: {  	[bflag:$0x0] =	sbarrier.arrive $0xFFFF  }
0x18: {  	[tilespmem:s3], [sflag:$0x5] =	stream.linear.gather [hbm4b:s7+s3], $0x2800, $0x38;
	[tilespmem:$0x1F000] =	vst v63  }
0x19: {  	_ =	swait.ge [sflag:s16], $0x2800  }
0x1a: {  	[sflag:s16] =	ssyncset.done $0x0  }
0x1b: {  	s23 =	simm.s32 $0x2800;
	[sflag:s16] =	ssyncadd.s32 $0xFFFFD800  }
0x1c: {  	[tilespmem:s23], [sflag:$0x5] =	stream.linear.gather [hbm4b:s8+s3], $0x2800, $0x38;
	[tilespmem:$0x1F000] =	vst v63  }
0x1d: {  	_ =	swait.ge [sflag:s16], $0x2800  }
0x1e: {  	[sflag:s16] =	ssyncset.done $0x0  }
0x1f: {  	[sflag:s16] =	ssyncadd.s32 $0xFFFFD800;
	(ifvalue) =	ssetifvalue $0xFFFFFFFF  }
0x20: {  	(ifvalue) =	ssetifvalue $0xFFFFFFFF  }
0x21: {  	[tilespmem:s18], [sflag:$0x1] =	stream.indirect.gather [hbm4b:s4+s17], $0x80, s3, s17, $0x40b8;
	[tilespmem:$0x1F000] =	vst v63  }
0x22: {  	(ifvalue) =	ssetifvalue $0xFFFFFFFF  }
0x23: {  	s24 =	simm.s32 $0x0;
	(ifvalue) =	ssetifvalue $0xFFFFFFFF  }
0x24: {  	[tilespmem:s19], [sflag:$0x2] =	stream.indirect.gather [hbm4b:s4+s17], $0x80, s17, s17, $0x40b8;
	[tilespmem:$0x1F000] =	vst v63  }
0x25: {  	s26 =	simm.s32 $0x3;
	s24 =	sand.u32 $0x3, s24;
	(ifvalue) =	ssetifvalue $0xFFFFFFFF  }
0x26: {  	s28 =	simm.s32 $0x180;
	s25 =	sadd.s32 $0x1, s24;
	(ifvalue) =	ssetifvalue $0xFFFFFFFF  }
0x27: {  	[tilespmem:s21], [sflag:$0x3] =	stream.indirect.gather [hbm4b:s4+s17], $0x80, s20, s17, $0x40b8;
	[tilespmem:$0x1F000] =	vst v63  }
0x28: {  	p0 =	por $0x0, $0x0;
	s29 =	sshll.u32 s24, $0xE;
	_ =	swait.ge [sflag:s25], $0x4000  }
0x29: {  	s24 =	sand.u32 @!p0 $0x3, s26;
	s26 =	simm.s32 @!p0 $0x80;
	[sflag:s25] =	ssyncset.done $0x0  }
0x2a: {  	[sflag:s25] =	ssyncadd.s32 $0xFFFFC000;
	s25 =	sshll.u32 @!p0 s24, $0xE;
	(ifvalue) =	ssetifvalue @!p0 $0xFFFFFFFF  }
0x2b: {  	s24 =	sadd.s32 @!p0 $0x1, s24;
	s25 =	sadd.s32 @!p0 $0x5000, s25;
	(ifvalue) =	ssetifvalue @!p0 $0xFFFFFFFF  }
0x2c: {  	[tilespmem:s25], [sflag:s24] =	stream.indirect.gather @!p0 [hbm4b:s4+s26], $0x80, s28, s26, $0x40b8;
	[tilespmem:$0x1F000] =	vst v63  }
0x2d: {  	s31 =	sadd.s32 $0x5000, s29;
	s24 =	simm.s32 $0x4;
	(ifvalue) =	ssetifvalue $0xFFFFFFFF  }
0x2e: {  	[spmem:s2] =	stream.indirect.scatter.add.f32 [tilespmem:s31], [sflag:$0x5], $0x80, s23, s17, $0x40b8;
	[tilespmem:$0x1F000] =	vst v63  }
0x2f: {  	s26 =	simm.s32 $0x5;
	s23 =	simm.s32 $0x2880;
	_ =	swait.ge [sflag:s16], $0x4000  }
0x30: {  	s28 =	simm.s32 $0x1;
	s25 =	simm.s32 $0x200;
	[sflag:s16] =	ssyncset.done $0x0  }
.LBB2_2:
0x31: {  	s29 =	sand.u32 $0x3, s28  }
0x32: {  	[sflag:s16] =	ssyncadd.s32 $0xFFFFC000;
	s30 =	smov.u32 s26;
	s26 =	sadd.s32 $0x1, s26  }
0x33: {  	p0 =	sne.s32 s26, $0x53;
	s31 =	sadd.s32 $0x1, s29;
	s29 =	sshll.u32 s29, $0xE  }
0x34: {  	_ =	swait.ge [sflag:s31], $0x4000  }
0x35: {  	p1 =	sgt.u32 s28, $0x4C;
	[sflag:s31] =	ssyncset.done $0x0  }
0x36: {  	s28 =	sand.u32 @!p1 $0x3, s24;
	s24 =	smov.u32 s30;
	[sflag:s31] =	ssyncadd.s32 $0xFFFFC000  }
0x37: {  	s30 =	sshll.u32 @!p1 s28, $0xE;
	s28 =	sadd.s32 @!p1 $0x1, s28;
	(ifvalue) =	ssetifvalue @!p1 $0xFFFFFFFF  }
0x38: {  	s30 =	sadd.s32 @!p1 $0x5000, s30;
	s31 =	simm.s32 @!p1 $0x80;
	(ifvalue) =	ssetifvalue @!p1 $0xFFFFFFFF  }
0x39: {  	[tilespmem:s30], [sflag:s28] =	stream.indirect.gather @!p1 [hbm4b:s4+s31], $0x80, s25, s31, $0x40b8;
	[tilespmem:$0x1F000] =	vst v63  }
.Ltmp0:
0x3a: {  	_ = 	snop;
	(pc) =	sbr.rel @p0 .LBB2_2-.Ltmp0, $4  }
0x3b: {  	s28 =	sadd.s32 $0x5000, s29;
	(ifvalue) =	ssetifvalue $0xFFFFFFFF  }
0x3c: {  	[spmem:s2] =	stream.indirect.scatter.add.f32 [tilespmem:s28], [sflag:$0x5], $0x80, s23, s17, $0x40b8;
	[tilespmem:$0x1F000] =	vst v63  }
0x3d: {  	s23 =	sadd.s32 $0x80, s23;
	_ =	swait.ge [sflag:s16], $0x4000  }
0x3e: {  	s25 =	sadd.s32 $0x80, s25;
	s28 =	sadd.s32 $0xFFFFFFFD, s24;
	[sflag:s16] =	ssyncset.done $0x0  }
0x3f: {  	s26 =	sand.u32 $0x3, s28  }
0x40: {  	[sflag:s16] =	ssyncadd.s32 $0xFFFFC000;
	p0 =	sgt.u32 s28, $0x4C;
	s29 =	sadd.s32 $0x1, s26  }
0x41: {  	s24 =	sand.u32 @!p0 $0x3, s24;
	_ =	swait.ge [sflag:s29], $0x4000  }
0x42: {  	s26 =	sshll.u32 s26, $0xE;
	s28 =	sshll.u32 @!p0 s24, $0xE;
	[sflag:s29] =	ssyncset.done $0x0  }
0x43: {  	s24 =	sadd.s32 @!p0 $0x1, s24;
	[sflag:s29] =	ssyncadd.s32 $0xFFFFC000;
	(ifvalue) =	ssetifvalue @!p0 $0xFFFFFFFF  }
0x44: {  	s28 =	sadd.s32 @!p0 $0x5000, s28;
	s29 =	simm.s32 @!p0 $0x80;
	(ifvalue) =	ssetifvalue @!p0 $0xFFFFFFFF  }
0x45: {  	[tilespmem:s28], [sflag:s24] =	stream.indirect.gather @!p0 [hbm4b:s4+s29], $0x80, s25, s29, $0x40b8;
	[tilespmem:$0x1F000] =	vst v63  }
0x46: {  	s29 =	sadd.s32 $0x5000, s26;
	(ifvalue) =	ssetifvalue $0xFFFFFFFF  }
0x47: {  	[spmem:s2] =	stream.indirect.scatter.add.f32 [tilespmem:s29], [sflag:$0x5], $0x80, s23, s17, $0x40b8;
	[tilespmem:$0x1F000] =	vst v63  }
0x48: {  	_ =	swait.ge [sflag:s16], $0x4000  }
0x49: {  	[sflag:s16] =	ssyncset.done $0x0  }
0x4a: {  	[sflag:s16] =	ssyncadd.s32 $0xFFFFC000  }
0x4b: {  	[bflag:$0x0] =	sbarrier.arrive $0xFFFF  }
0x4c: {  	[hbm:s9], [sflag:s6] =	dma.local [spmem:s15], $0x1400  }
0x4d: {  	_ =	swait.ge [sflag:s16], $0x1400  }
0x4e: {  	[sflag:s16] =	ssyncset.done $0x0  }
0x4f: {  	[sflag:s16] =	ssyncadd.s32 $0xFFFFEC00  }
0x50: {  	[bflag:$0x0] =	sbarrier.arrive $0xFFFF  }
0x51: {  	[spmem:s15], [sflag:s6] =	dma.local [hbm:s10], $0x1400  }
0x52: {  	_ =	swait.ge [sflag:s16], $0x1400  }
0x53: {  	[sflag:s16] =	ssyncset.done $0x0  }
0x54: {  	[sflag:s16] =	ssyncadd.s32 $0xFFFFEC00  }
0x55: {  	[bflag:$0x0] =	sbarrier.arrive $0xFFFF  }
0x56: {  	[tilespmem:s3], [sflag:$0x5] =	stream.linear.gather [hbm4b:s11+s3], $0x2800, $0x38;
	[tilespmem:$0x1F000] =	vst v63  }
0x57: {  	_ =	swait.ge [sflag:s16], $0x2800  }
0x58: {  	[sflag:s16] =	ssyncset.done $0x0  }
0x59: {  	s23 =	simm.s32 $0x2800;
	[sflag:s16] =	ssyncadd.s32 $0xFFFFD800  }
0x5a: {  	[tilespmem:s23], [sflag:$0x5] =	stream.linear.gather [hbm4b:s12+s3], $0x2800, $0x38;
	[tilespmem:$0x1F000] =	vst v63  }
0x5b: {  	_ =	swait.ge [sflag:s16], $0x2800  }
0x5c: {  	[sflag:s16] =	ssyncset.done $0x0  }
0x5d: {  	[sflag:s16] =	ssyncadd.s32 $0xFFFFD800;
	(ifvalue) =	ssetifvalue $0xFFFFFFFF  }
0x5e: {  	(ifvalue) =	ssetifvalue $0xFFFFFFFF  }
0x5f: {  	[tilespmem:s18], [sflag:$0x1] =	stream.indirect.gather [hbm4b:s4+s17], $0x80, s3, s17, $0x40b8;
	[tilespmem:$0x1F000] =	vst v63  }
0x60: {  	(ifvalue) =	ssetifvalue $0xFFFFFFFF  }
0x61: {  	s30 =	simm.s32 $0x0;
	(ifvalue) =	ssetifvalue $0xFFFFFFFF  }
0x62: {  	[tilespmem:s19], [sflag:$0x2] =	stream.indirect.gather [hbm4b:s4+s17], $0x80, s17, s17, $0x40b8;
	[tilespmem:$0x1F000] =	vst v63  }
0x63: {  	s24 =	sand.u32 $0x3, s30;
	s26 =	simm.s32 $0x3;
	(ifvalue) =	ssetifvalue $0xFFFFFFFF  }
0x64: {  	s28 =	simm.s32 $0x180;
	s31 =	sadd.s32 $0x1, s24;
	(ifvalue) =	ssetifvalue $0xFFFFFFFF  }
0x65: {  	[tilespmem:s21], [sflag:$0x3] =	stream.indirect.gather [hbm4b:s4+s17], $0x80, s20, s17, $0x40b8;
	[tilespmem:$0x1F000] =	vst v63  }
0x66: {  	p0 =	por $0x0, $0x0;
	s30 =	sshll.u32 s24, $0xE;
	_ =	swait.ge [sflag:s31], $0x4000  }
0x67: {  	s24 =	sand.u32 @!p0 $0x3, s26;
	s26 =	simm.s32 @!p0 $0x80;
	[sflag:s31] =	ssyncset.done $0x0  }
0x68: {  	s25 =	sshll.u32 @!p0 s24, $0xE;
	[sflag:s31] =	ssyncadd.s32 $0xFFFFC000;
	(ifvalue) =	ssetifvalue @!p0 $0xFFFFFFFF  }
0x69: {  	s24 =	sadd.s32 @!p0 $0x1, s24;
	s25 =	sadd.s32 @!p0 $0x5000, s25;
	(ifvalue) =	ssetifvalue @!p0 $0xFFFFFFFF  }
0x6a: {  	[tilespmem:s25], [sflag:s24] =	stream.indirect.gather @!p0 [hbm4b:s4+s26], $0x80, s28, s26, $0x40b8;
	[tilespmem:$0x1F000] =	vst v63  }
0x6b: {  	s31 =	sadd.s32 $0x5000, s30;
	s24 =	simm.s32 $0x4;
	(ifvalue) =	ssetifvalue $0xFFFFFFFF  }
0x6c: {  	[spmem:s2] =	stream.indirect.scatter.add.f32 [tilespmem:s31], [sflag:$0x5], $0x80, s23, s17, $0x40b8;
	[tilespmem:$0x1F000] =	vst v63  }
0x6d: {  	s26 =	simm.s32 $0x5;
	s28 =	simm.s32 $0x1;
	_ =	swait.ge [sflag:s16], $0x4000  }
0x6e: {  	s25 =	simm.s32 $0x200;
	s23 =	simm.s32 $0x2880;
	[sflag:s16] =	ssyncset.done $0x0  }
.LBB2_4:
0x6f: {  	s29 =	sand.u32 $0x3, s28  }
0x70: {  	[sflag:s16] =	ssyncadd.s32 $0xFFFFC000;
	s30 =	smov.u32 s26;
	s26 =	sadd.s32 $0x1, s26  }
0x71: {  	p0 =	sne.s32 s26, $0x53;
	s31 =	sadd.s32 $0x1, s29;
	s29 =	sshll.u32 s29, $0xE  }
0x72: {  	_ =	swait.ge [sflag:s31], $0x4000  }
0x73: {  	p1 =	sgt.u32 s28, $0x4C;
	[sflag:s31] =	ssyncset.done $0x0  }
0x74: {  	s28 =	sand.u32 @!p1 $0x3, s24;
	s24 =	smov.u32 s30;
	[sflag:s31] =	ssyncadd.s32 $0xFFFFC000  }
0x75: {  	s30 =	sshll.u32 @!p1 s28, $0xE;
	s28 =	sadd.s32 @!p1 $0x1, s28;
	(ifvalue) =	ssetifvalue @!p1 $0xFFFFFFFF  }
0x76: {  	s30 =	sadd.s32 @!p1 $0x5000, s30;
	s31 =	simm.s32 @!p1 $0x80;
	(ifvalue) =	ssetifvalue @!p1 $0xFFFFFFFF  }
0x77: {  	[tilespmem:s30], [sflag:s28] =	stream.indirect.gather @!p1 [hbm4b:s4+s31], $0x80, s25, s31, $0x40b8;
	[tilespmem:$0x1F000] =	vst v63  }
.Ltmp1:
0x78: {  	_ = 	snop;
	(pc) =	sbr.rel @p0 .LBB2_4-.Ltmp1, $4  }
0x79: {  	s28 =	sadd.s32 $0x5000, s29;
	(ifvalue) =	ssetifvalue $0xFFFFFFFF  }
0x7a: {  	[spmem:s2] =	stream.indirect.scatter.add.f32 [tilespmem:s28], [sflag:$0x5], $0x80, s23, s17, $0x40b8;
	[tilespmem:$0x1F000] =	vst v63  }
0x7b: {  	s23 =	sadd.s32 $0x80, s23;
	_ =	swait.ge [sflag:s16], $0x4000  }
0x7c: {  	s25 =	sadd.s32 $0x80, s25;
	s28 =	sadd.s32 $0xFFFFFFFD, s24;
	[sflag:s16] =	ssyncset.done $0x0  }
0x7d: {  	s26 =	sand.u32 $0x3, s28  }
0x7e: {  	[sflag:s16] =	ssyncadd.s32 $0xFFFFC000;
	p0 =	sgt.u32 s28, $0x4C;
	s29 =	sadd.s32 $0x1, s26  }
0x7f: {  	s24 =	sand.u32 @!p0 $0x3, s24;
	_ =	swait.ge [sflag:s29], $0x4000  }
0x80: {  	s26 =	sshll.u32 s26, $0xE;
	s28 =	sshll.u32 @!p0 s24, $0xE;
	[sflag:s29] =	ssyncset.done $0x0  }
0x81: {  	s24 =	sadd.s32 @!p0 $0x1, s24;
	[sflag:s29] =	ssyncadd.s32 $0xFFFFC000;
	(ifvalue) =	ssetifvalue @!p0 $0xFFFFFFFF  }
0x82: {  	s28 =	sadd.s32 @!p0 $0x5000, s28;
	s29 =	simm.s32 @!p0 $0x80;
	(ifvalue) =	ssetifvalue @!p0 $0xFFFFFFFF  }
0x83: {  	[tilespmem:s28], [sflag:s24] =	stream.indirect.gather @!p0 [hbm4b:s4+s29], $0x80, s25, s29, $0x40b8;
	[tilespmem:$0x1F000] =	vst v63  }
0x84: {  	s31 =	sadd.s32 $0x5000, s26;
	(ifvalue) =	ssetifvalue $0xFFFFFFFF  }
0x85: {  	[spmem:s2] =	stream.indirect.scatter.add.f32 [tilespmem:s31], [sflag:$0x5], $0x80, s23, s17, $0x40b8;
	[tilespmem:$0x1F000] =	vst v63  }
0x86: {  	_ =	swait.ge [sflag:s16], $0x4000  }
0x87: {  	[sflag:s16] =	ssyncset.done $0x0  }
0x88: {  	s22 =	sadd.s32 $0x1, s22;
	[sflag:s16] =	ssyncadd.s32 $0xFFFFC000  }
0x89: {  	p0 =	sne.s32 s22, s14;
	[bflag:$0x0] =	sbarrier.arrive $0xFFFF  }
0x8a: {  	[hbm:s13], [sflag:s6] =	dma.local [spmem:s15], $0x1400  }
.Ltmp2:
0x8b: {  	_ =	swait.ge [sflag:s16], $0x1400;
	(pc) =	sbr.rel @p0 .LBB2_1-.Ltmp2, $3  }
0x8c: {  	[sflag:s16] =	ssyncset.done $0x0  }
0x8d: {  	[sflag:s16] =	ssyncadd.s32 $0xFFFFEC00  }
0x8e: {  	[bflag:$0x0] =	sbarrier.arrive $0xFFFF;
	_ =	sdelay $0x1  }
0x8f: {  	_ =	sfence.sel $0x180000  }
0x90: {  	[bflag:$0x0] =	sbarrier.arrive $0xFFFF  }
0x91: {  	p0 =	sne.s32 s0, $0x0;
	_ =	strace $0x9000004A  }
0x92: {  	s0 =	sadd.s32 @!p0 $0x100000, s1;
	[bflag:$0x2] =	sbarrier.arrive $0xFFFF  }
0x93: {  	[sflag:s0] =	ssyncadd.tile.s32 @!p0 $0x1;
	_ =	shalt  }
.Lfunc_end2:
_tile_overlayer_lowered:
.L_overlay_start_2:
0x94: {  	(tag) =	ssettag $0x2  }
0x95: {  	s0 =	rddreg [dreg:$0x0];
	s2 =	stileid.u32  }
0x96: {  	s1 =	rddreg [dreg:$0x1];
	p0 =	sne.s32 s2, $0x0  }
0x97: {  	s3 =	rddreg [dreg:$0x2];
	[bflag:$0x3] =	sbarrier.arrive $0xFFFF;
	s2 =	simm.s32 @!p0 $0x1C05  }
0x98: {  	[timem:s3], [sflag:s2] =	dma.local @!p0 [hbm:s0], s1  }
0x99: {  	s0 =	simm.s32 @!p0 $0x5  }
0x9a: {  	_ =	swait.ge @!p0 [sflag:s0], s1  }
0x9b: {  	s1 =	ssub.s32 @!p0 $0x0, s1;
	[sflag:s0] =	ssyncset.done @!p0 $0x0  }
0x9c: {  	[sflag:s0] =	ssyncadd.s32 @!p0 s1  }
0x9d: {  	[bflag:$0x3] =	sbarrier.arrive $0xFFFF  }
0x9e: {  	_ =	shalt  }

// kernel: kernel.17.cloned.1.call-start
scs
__scs_entry_jumppad:
0x0: {  	(pc) =	sbr.rel $0x88, $3  }
0x1: {  	(tag) =	ssettag $0x0;
	lr =	simm.s32 $0x1  }
0x2: {  	[smem:$0x3F87] =	sst lr;
	_ =	strace $0xD0000000  }
0x3: {  	_ = 	snop  }
0x4: {  	_ = 	snop  }
0x5: {  	_ = 	snop  }
0x6: {  	_ = 	snop  }
0x7: {  	_ = 	snop  }
__scs_overlays_trampoline_lowered:
0x8: {  	[smem:$0x3F96] =	sst s0  }
0x9: {  	[smem:$0x3F97] =	sst s1  }
0xa: {  	[smem:$0x3F98] =	sst s2  }
0xb: {  	[smem:$0x3F99] =	sst s3  }
0xc: {  	[smem:$0x3F9A] =	sst s4  }
0xd: {  	[smem:$0x3F9B] =	sst s5  }
0xe: {  	[smem:$0x3F9C] =	sst s6  }
0xf: {  	[smem:$0x3F9D] =	sst s7  }
0x10: {  	[smem:$0x3F9E] =	sst s8  }
0x11: {  	[smem:$0x3F9F] =	sst s9;
	s0 =	simm.s32 @!p0 $0x0  }
0x12: {  	s1 =	sld [smem:$0x3F85];
	s0 =	simm.s32 @p0 $0x1  }
0x13: {  	[smem:$0x3FA0] =	sst s0;
	s0 =	simm.s32 @!p1 $0x0  }
0x14: {  	s2 =	sld [smem:$0x3F84];
	s0 =	simm.s32 @p1 $0x1  }
0x15: {  	[smem:$0x3FA1] =	sst s0;
	s0 =	simm.s32 @!p2 $0x0  }
0x16: {  	s3 =	sld [smem:$0x3FDB];
	s0 =	simm.s32 @p2 $0x1  }
0x17: {  	s4 =	simm.s32 $0x1BF5;
	[smem:$0x3FA3] =	sst s0  }
0x18: {  	s0 =	sld [smem:$0x3F86];
	_ =	swait.ge [sflag:s4], $0x0  }
0x19: {  	s7 =	sld [smem:$0x3F87]  }
0x1a: {  	s8 =	sadd.s32 $0xFFFFE003, lr  }
0x1b: {  	s9 =	sadd.s32 $0xFFFFFEF7, lr;
	s5 =	simm.s32 $0xFFFFFFFF;
	p2 =	slt.u32 s8, $0xFFFFF086  }
0x1c: {  	p1 =	slt.u32 s9, $0xF7A;
	s5 =	simm.s32 @!p2 $0x0  }
0x1d: {  	s5 =	simm.s32 @p1 $0x1;
	p0 =	seq.s32 s7, s2  }
0x1e: {  	s7 =	smul.u32 @!p0 $0xF7A, s2;
	p2 =	seq.s32 @!p0 s5, $0x0  }
0x1f: {  	s9 =	smul.u32 $0xF7A, s1;
	s8 =	simm.s32 @!p0 $0x1BF5;
	p2 =	por !p2, p0  }
0x20: {  	[sflag:s8] =	ssyncset.s32 @!p0 $0xFFFFF086;
	s6 =	sadd.s32 @!p0 s3, s7;
	s7 =	simm.s32 @!p0 $0x108  }
0x21: {  	s3 =	sadd.s32 s3, s9;
	s6 =	sadd.s32 @!p0 $0x88, s6;
	s7 =	simm.s32 @p2 $0x1082  }
0x22: {  	[simem:s7], [sflag:s8] =	dma.local @!p0 [hbm:s6], $0xF7A  }
0x23: {  	s9 =	sor.u32 $0xD0000000, s2;
	s6 =	simm.s32 $0x108;
	_ =	swait.ge @!p0 [sflag:s8], $0x0  }
0x24: {  	s3 =	sadd.s32 $0x88, s3;
	s6 =	simm.s32 @!p1 $0x1082;
	[sflag:s4] =	ssyncset.s32 $0xFFFFF086  }
0x25: {  	[simem:s6], [sflag:s4] =	dma.local [hbm:s3], $0xF7A  }
0x26: {  	[smem:$0x3F87] =	sst s1;
	(tag) =	ssettag s2;
	_ =	strace s9  }
0x27: {  	s1 =	sld [smem:$0x3F97]  }
0x28: {  	s2 =	sld [smem:$0x3F98]  }
0x29: {  	s4 =	sld [smem:$0x3F9A]  }
0x2a: {  	p0 =	seq.s32 s5, $0x0;
	s5 =	sld [smem:$0x3F9B]  }
0x2b: {  	s6 =	sld [smem:$0x3F9C]  }
0x2c: {  	s7 =	sld [smem:$0x3F9D]  }
0x2d: {  	s3 =	simm.s32 $0x108;
	s8 =	sld [smem:$0x3F9E]  }
0x2e: {  	s3 =	simm.s32 @!p0 $0x1082;
	s9 =	sld [smem:$0x3F9F]  }
0x2f: {  	lr =	sadd.s32 s0, s3;
	s0 =	sld [smem:$0x3F96]  }
0x30: {  	s3 =	sld [smem:$0x3F99]  }
0x31: {  	[smem:$0x3FA2] =	sst s10  }
0x32: {  	s10 =	sld [smem:$0x3FA0];
	_ =	sdelay $0x3  }
0x33: {  	p0 =	seq.s32 s10, $0x1;
	s10 =	sld [smem:$0x3FA2];
	_ =	sdelay $0x3  }
0x34: {  	[smem:$0x3FA2] =	sst s10  }
0x35: {  	s10 =	sld [smem:$0x3FA1];
	_ =	sdelay $0x3  }
0x36: {  	p1 =	seq.s32 s10, $0x1;
	s10 =	sld [smem:$0x3FA2];
	_ =	sdelay $0x3  }
0x37: {  	[smem:$0x3FA2] =	sst s10  }
0x38: {  	s10 =	sld [smem:$0x3FA3]  }
0x39: {  	_ = 	snop;
	(pc) =	sbr.ind lr, $3  }
0x3a: {  	_ = 	snop  }
0x3b: {  	_ = 	snop  }
0x3c: {  	p2 =	seq.s32 s10, $0x1;
	s10 =	sld [smem:$0x3FA2]  }
0x3d: {  	_ =	shalt  }
0x3e: {  	_ =	shalt  }
0x3f: {  	_ =	shalt  }
0x40: {  	_ =	shalt  }
0x41: {  	_ =	shalt  }
0x42: {  	_ =	shalt  }
0x43: {  	_ =	shalt  }
0x44: {  	_ =	shalt  }
0x45: {  	_ =	shalt  }
0x46: {  	_ =	shalt  }
0x47: {  	_ =	shalt  }
0x48: {  	_ =	shalt  }
0x49: {  	_ =	shalt  }
0x4a: {  	_ =	shalt  }
0x4b: {  	_ =	shalt  }
0x4c: {  	_ =	shalt  }
0x4d: {  	_ =	shalt  }
0x4e: {  	_ =	shalt  }
0x4f: {  	_ =	shalt  }
0x50: {  	_ =	shalt  }
0x51: {  	_ =	shalt  }
0x52: {  	_ =	shalt  }
0x53: {  	_ =	shalt  }
0x54: {  	_ =	shalt  }
0x55: {  	_ =	shalt  }
0x56: {  	_ =	shalt  }
0x57: {  	_ =	shalt  }
0x58: {  	_ =	shalt  }
0x59: {  	_ =	shalt  }
0x5a: {  	_ =	shalt  }
0x5b: {  	_ =	shalt  }
0x5c: {  	_ =	shalt  }
0x5d: {  	_ =	shalt  }
0x5e: {  	_ =	shalt  }
0x5f: {  	_ =	shalt  }
0x60: {  	_ =	shalt  }
0x61: {  	_ =	shalt  }
0x62: {  	_ =	shalt  }
0x63: {  	_ =	shalt  }
0x64: {  	_ =	shalt  }
0x65: {  	_ =	shalt  }
0x66: {  	_ =	shalt  }
0x67: {  	_ =	shalt  }
0x68: {  	_ =	shalt  }
0x69: {  	_ =	shalt  }
0x6a: {  	_ =	shalt  }
0x6b: {  	_ =	shalt  }
0x6c: {  	_ =	shalt  }
0x6d: {  	_ =	shalt  }
0x6e: {  	_ =	shalt  }
0x6f: {  	_ =	shalt  }
0x70: {  	_ =	shalt  }
0x71: {  	_ =	shalt  }
0x72: {  	_ =	shalt  }
0x73: {  	_ =	shalt  }
0x74: {  	_ =	shalt  }
0x75: {  	_ =	shalt  }
0x76: {  	_ =	shalt  }
0x77: {  	_ =	shalt  }
0x78: {  	_ =	shalt  }
0x79: {  	_ =	shalt  }
0x7a: {  	_ =	shalt  }
0x7b: {  	_ =	shalt  }
0x7c: {  	_ =	shalt  }
0x7d: {  	_ =	shalt  }
0x7e: {  	_ =	shalt  }
0x7f: {  	_ =	shalt  }
0x80: {  	_ =	shalt  }
0x81: {  	_ =	shalt  }
0x82: {  	_ =	shalt  }
0x83: {  	_ =	shalt  }
0x84: {  	_ =	shalt  }
0x85: {  	_ =	shalt  }
0x86: {  	_ =	shalt  }
0x87: {  	_ =	shalt  }
.Lfunc_end0:
.L_simem_size_0:
called_computation.2_lowered:
.L_overlay_start_0:
0x88: {  	s2 =	sld [smem:$0x3FD9]  }
0x89: {  	s3 =	sld [smem:$0x3FFE];
	_ =	sdelay $0x1  }
0x8a: {  	s1 =	srdreg.scid  }
0x8b: {  	s0 =	sand.u32 $0x1, s1  }
0x8c: {  	s16 =	sshll.u32 s0, $0xA;
	s2 =	sadd.s32 s3, s2  }
0x8d: {  	s2 =	sadd.s32 s2, s16  }
0x8e: {  	[smem:$0x3FAE] =	sst s2  }
0x8f: {  	_ = 	snop  }
0x90: {  	(tm) =	ssettm $0x1  }
0x91: {  	s17 =	sld [smem:$0x3FFB];
	_ =	sdelay $0x3  }
0x92: {  	_ =	strace s17  }
0x93: {  	s2 =	sld [smem:$0x3FFC];
	_ =	sdelay $0x3  }
0x94: {  	_ =	strace s2  }
0x95: {  	s2 =	sld [smem:$0x3FFD];
	_ =	sdelay $0x3  }
0x96: {  	_ =	strace s2  }
0x97: {  	_ =	strace $0x8FFFFFFF  }
0x98: {  	s18 =	sld [smem:$0x3FDB];
	_ =	sdelay $0x1  }
0x99: {  	s19 =	simm.s32 $_scs_section_size  }
0x9a: {  	s4 =	simm.s32 $_size__tile_overlayer_lowered;
	s5 =	simm.s32 $_tile_overlayer_lowered  }
0x9b: {  	s22 =	simm.s32 $0x1BFF;
	s21 =	sshll.u32 s5, $0x1;
	s2 =	sadd.s32 s19, s18  }
0x9c: {  	s6 =	simm.s32 $0x0;
	s20 =	sshll.u32 s4, $0x1;
	s4 =	sadd.s32 s21, s2  }
0x9d: {  	[timem:s6], [sflag:s22] =	dma.local [hbm:s4], s20  }
0x9e: {  	_ =	swait.ge [sflag:s22], s20  }
0x9f: {  	s3 =	ssub.s32 $0x0, s20;
	[sflag:s22] =	ssyncset.done $0x0  }
0xa0: {  	[sflag:s22] =	ssyncadd.s32 s3;
	_ =	sdelay $0x1  }
0xa1: {  	s23 =	simm.s32 $0x1B8B  }
0xa2: {  	_ =	swait.ge [sflag:s23], $0x1  }
0xa3: {  	[sflag:s23] =	ssyncset.done $0x0  }
0xa4: {  	s25 =	simm.s32 $0x1B8E;
	s24 =	sld [smem:$0x3FFE];
	[sflag:s23] =	ssyncadd.s32 $0xFFFFFFFF  }
0xa5: {  	s26 =	simm.s32 $execute0_lowered;
	[smem:$0x3FD2] =	sst s25  }
0xa6: {  	s4 =	sshll.u32 s26, $0x1;
	_ =	strace $0x8000004C;
	[dreg:$0x1] =	wrdreg $0xFFFFFFFF  }
0xa7: {  	s28 =	simm.s32 $_size_execute0_lowered;
	s2 =	sadd.s32 s2, s4;
	[dreg:$0x0] =	wrdreg $0x0  }
0xa8: {  	s4 =	sshll.u32 s28, $0x1;
	[dreg:$0x2] =	wrdreg s2  }
0xa9: {  	[dreg:$0x3] =	wrdreg s4  }
0xaa: {  	[dreg:$0x4] =	wrdreg $0xC0  }
0xab: {  	_ =	task [dreg:s6], $0x5FFFF  }
0xac: {  	[dreg:$0x1] =	wrdreg $0xFFFFFFFF  }
0xad: {  	[dreg:$0x0] =	wrdreg $0x60  }
0xae: {  	[dreg:$0x2] =	wrdreg s24  }
0xaf: {  	[dreg:$0x3] =	wrdreg $0x150000  }
0xb0: {  	[dreg:$0x4] =	wrdreg $0x9  }
0xb1: {  	_ =	task.clear_ibuf [dreg:s6], $0x5FFFF;
	_ =	strace $0x9000004C  }
0xb2: {  	s29 =	simm.s32 $0x9;
	_ =	strace $0x8000004E  }
0xb3: {  	_ =	swait.ge [sflag:s29], $0x1  }
0xb4: {  	[sflag:s29] =	ssyncadd.s32 $0xFFFFFFFF  }
0xb5: {  	_ =	strace $0x9000004E  }
0xb6: {  	_ =	sfence  }
0xb7: {  	s30 =	sld [smem:$0x0];
	_ =	sdelay $0x2  }
0xb8: {  	s31 =	sshll.u32 s1, $0xD;
	s1 =	sshrl.u32 s1, $0x2  }
0xb9: {  	s3 =	sand.u32 $0x4000, s31;
	s1 =	sadd.s32 s1, s30  }
0xba: {  	s0 =	sor.u32 s3, s0;
	s1 =	sshll.u32 s1, $0x11  }
0xbb: {  	s0 =	sor.u32 s1, s0  }
0xbc: {  	s0 =	sadd.s32 $0x8F2B, s0  }
0xbd: {  	[sflag:s0] =	ssyncadd.remote.s32 $0x1  }
0xbe: {  	_ =	sfence.sel $0xFFFF  }
0xbf: {  	[dreg:$0x0] =	wrdreg $0xFFFFFFFF;
	(pc) =	sbr.abs _section_cstart, $3  }
0xc0: {  	[dreg:$0x1] =	wrdreg $0xFFFFFFFF  }
0xc1: {  	_ =	task.clear_ibuf [dreg:s6], $0x2FFFF;
	_ =	strace $0x9FFFFFFF  }
0xc2: {  	(tm) =	ssettm $0x7FFFFFFF  }
0xc3: {  	_ =	shalt  }
tec
execute0_lowered:
.L_overlay_start_1:
0x0: {  	(tag) =	ssettag $0x1  }
0x1: {  	s5 =	rddreg [dreg:$0x0]  }
0x2: {  	s1 =	srdreg.scid;
	s0 =	stileid.u32  }
0x3: {  	s2 =	rddreg [dreg:$0x1];
	s3 =	simm.s32 $0x0;
	s18 =	simm.s32 $0x5000  }
0x4: {  	s19 =	simm.s32 $0x9000;
	s20 =	simm.s32 $0x100;
	s4 =	smul.u32 $0x50, s0  }
0x5: {  	s21 =	simm.s32 $0xD000;
	s22 =	simm.s32 $0x0;
	s8 =	smul.u32 $0x140, s0  }
0x6: {  	s6 =	sand.u32 $0x1, s1;
	s1 =	rddreg [dreg:$0x2];
	s9 =	smul.u32 $0x28000, s0  }
0x7: {  	[smem:$0x7FF] =	sst s3;
	s12 =	sadd.s32 $0x28800, s5;
	s28 =	smul.u32 $0x500, s0  }
0x8: {  	s13 =	sadd.s32 $0x82800, s5;
	s30 =	sshll.u32 s0, $0x6;
	s31 =	smul.u32 $0x2800, s0  }
0x9: {  	s7 =	smul.u32 $0x500, s6;
	_ =	strace $0x8000004D;
	s24 =	ssub.s32 $0x2, s6  }
0xa: {  	s6 =	smul.u32 $0x2800, s6;
	s10 =	sshrl.u32 s24, $0x1;
	s25 =	sshrl.u32 s9, $0x2  }
0xb: {  	s17 =	sshrl.u32 s31, $0x3;
	s7 =	sadd.s32 s4, s7;
	s4 =	sadd.s32 $0x32800, s5  }
0xc: {  	s14 =	ssub.s32 s24, s10;
	s15 =	sadd.s32 s25, s2;
	s26 =	sadd.s32 s8, s6  }
0xd: {  	s6 =	sor.u32 $0x1C05, s30;
	s8 =	sadd.s32 s12, s28;
	s12 =	sadd.s32 s12, s17  }
0xe: {  	s17 =	simm.s32 $0x80;
	s7 =	sshll.u32 s7, $0x4;
	s29 =	sshll.u32 s26, $0x4  }
0xf: {  	s12 =	sadd.s32 $0x5000, s12;
	s14 =	smax.u32 s14, $0x1;
	s15 =	sshrl.u32 s15, $0x3  }
0x10: {  	s11 =	sadd.s32 s7, s5;
	s5 =	sadd.s32 s4, s29;
	s16 =	sadd.s32 $0x14000, s29  }
0x11: {  	s9 =	sadd.s32 s13, s29;
	s7 =	sadd.s32 $0x14800, s11;
	s10 =	sadd.s32 s4, s16  }
0x12: {  	s11 =	sadd.s32 $0x1E800, s11;
	s13 =	sadd.s32 s13, s16;
	s16 =	simm.s32 $0x5  }
.LBB2_1:
0x13: {  	[spmem:s15], [sflag:s6] =	dma.local [hbm:s5], $0x1400  }
0x14: {  	_ =	swait.ge [sflag:s16], $0x1400  }
0x15: {  	[sflag:s16] =	ssyncset.done $0x0  }
0x16: {  	[sflag:s16] =	ssyncadd.s32 $0xFFFFEC00  }
0x17: {  	[bflag:$0x0] =	sbarrier.arrive $0xFFFF  }
0x18: {  	[tilespmem:s3], [sflag:$0x5] =	stream.linear.gather [hbm4b:s7+s3], $0x2800, $0x38;
	[tilespmem:$0x1F000] =	vst v63  }
0x19: {  	_ =	swait.ge [sflag:s16], $0x2800  }
0x1a: {  	[sflag:s16] =	ssyncset.done $0x0  }
0x1b: {  	s23 =	simm.s32 $0x2800;
	[sflag:s16] =	ssyncadd.s32 $0xFFFFD800  }
0x1c: {  	[tilespmem:s23], [sflag:$0x5] =	stream.linear.gather [hbm4b:s8+s3], $0x2800, $0x38;
	[tilespmem:$0x1F000] =	vst v63  }
0x1d: {  	_ =	swait.ge [sflag:s16], $0x2800  }
0x1e: {  	[sflag:s16] =	ssyncset.done $0x0  }
0x1f: {  	[sflag:s16] =	ssyncadd.s32 $0xFFFFD800;
	(ifvalue) =	ssetifvalue $0xFFFFFFFF  }
0x20: {  	(ifvalue) =	ssetifvalue $0xFFFFFFFF  }
0x21: {  	[tilespmem:s18], [sflag:$0x1] =	stream.indirect.gather [hbm4b:s4+s17], $0x80, s3, s17, $0x40b8;
	[tilespmem:$0x1F000] =	vst v63  }
0x22: {  	(ifvalue) =	ssetifvalue $0xFFFFFFFF  }
0x23: {  	s24 =	simm.s32 $0x0;
	(ifvalue) =	ssetifvalue $0xFFFFFFFF  }
0x24: {  	[tilespmem:s19], [sflag:$0x2] =	stream.indirect.gather [hbm4b:s4+s17], $0x80, s17, s17, $0x40b8;
	[tilespmem:$0x1F000] =	vst v63  }
0x25: {  	s26 =	simm.s32 $0x3;
	s24 =	sand.u32 $0x3, s24;
	(ifvalue) =	ssetifvalue $0xFFFFFFFF  }
0x26: {  	s28 =	simm.s32 $0x180;
	s25 =	sadd.s32 $0x1, s24;
	(ifvalue) =	ssetifvalue $0xFFFFFFFF  }
0x27: {  	[tilespmem:s21], [sflag:$0x3] =	stream.indirect.gather [hbm4b:s4+s17], $0x80, s20, s17, $0x40b8;
	[tilespmem:$0x1F000] =	vst v63  }
0x28: {  	p0 =	por $0x0, $0x0;
	s29 =	sshll.u32 s24, $0xE;
	_ =	swait.ge [sflag:s25], $0x4000  }
0x29: {  	s24 =	sand.u32 @!p0 $0x3, s26;
	s26 =	simm.s32 @!p0 $0x80;
	[sflag:s25] =	ssyncset.done $0x0  }
0x2a: {  	[sflag:s25] =	ssyncadd.s32 $0xFFFFC000;
	s25 =	sshll.u32 @!p0 s24, $0xE;
	(ifvalue) =	ssetifvalue @!p0 $0xFFFFFFFF  }
0x2b: {  	s24 =	sadd.s32 @!p0 $0x1, s24;
	s25 =	sadd.s32 @!p0 $0x5000, s25;
	(ifvalue) =	ssetifvalue @!p0 $0xFFFFFFFF  }
0x2c: {  	[tilespmem:s25], [sflag:s24] =	stream.indirect.gather @!p0 [hbm4b:s4+s26], $0x80, s28, s26, $0x40b8;
	[tilespmem:$0x1F000] =	vst v63  }
0x2d: {  	s31 =	sadd.s32 $0x5000, s29;
	s24 =	simm.s32 $0x4;
	(ifvalue) =	ssetifvalue $0xFFFFFFFF  }
0x2e: {  	[spmem:s2] =	stream.indirect.scatter.add.f32 [tilespmem:s31], [sflag:$0x5], $0x80, s23, s17, $0x40b8;
	[tilespmem:$0x1F000] =	vst v63  }
0x2f: {  	s26 =	simm.s32 $0x5;
	s23 =	simm.s32 $0x2880;
	_ =	swait.ge [sflag:s16], $0x4000  }
0x30: {  	s28 =	simm.s32 $0x1;
	s25 =	simm.s32 $0x200;
	[sflag:s16] =	ssyncset.done $0x0  }
.LBB2_2:
0x31: {  	s29 =	sand.u32 $0x3, s28  }
0x32: {  	[sflag:s16] =	ssyncadd.s32 $0xFFFFC000;
	s30 =	smov.u32 s26;
	s26 =	sadd.s32 $0x1, s26  }
0x33: {  	p0 =	sne.s32 s26, $0x53;
	s31 =	sadd.s32 $0x1, s29;
	s29 =	sshll.u32 s29, $0xE  }
0x34: {  	_ =	swait.ge [sflag:s31], $0x4000  }
0x35: {  	p1 =	sgt.u32 s28, $0x4C;
	[sflag:s31] =	ssyncset.done $0x0  }
0x36: {  	s28 =	sand.u32 @!p1 $0x3, s24;
	s24 =	smov.u32 s30;
	[sflag:s31] =	ssyncadd.s32 $0xFFFFC000  }
0x37: {  	s30 =	sshll.u32 @!p1 s28, $0xE;
	s28 =	sadd.s32 @!p1 $0x1, s28;
	(ifvalue) =	ssetifvalue @!p1 $0xFFFFFFFF  }
0x38: {  	s30 =	sadd.s32 @!p1 $0x5000, s30;
	s31 =	simm.s32 @!p1 $0x80;
	(ifvalue) =	ssetifvalue @!p1 $0xFFFFFFFF  }
0x39: {  	[tilespmem:s30], [sflag:s28] =	stream.indirect.gather @!p1 [hbm4b:s4+s31], $0x80, s25, s31, $0x40b8;
	[tilespmem:$0x1F000] =	vst v63  }
.Ltmp0:
0x3a: {  	_ = 	snop;
	(pc) =	sbr.rel @p0 .LBB2_2-.Ltmp0, $4  }
0x3b: {  	s28 =	sadd.s32 $0x5000, s29;
	(ifvalue) =	ssetifvalue $0xFFFFFFFF  }
0x3c: {  	[spmem:s2] =	stream.indirect.scatter.add.f32 [tilespmem:s28], [sflag:$0x5], $0x80, s23, s17, $0x40b8;
	[tilespmem:$0x1F000] =	vst v63  }
0x3d: {  	s23 =	sadd.s32 $0x80, s23;
	_ =	swait.ge [sflag:s16], $0x4000  }
0x3e: {  	s25 =	sadd.s32 $0x80, s25;
	s28 =	sadd.s32 $0xFFFFFFFD, s24;
	[sflag:s16] =	ssyncset.done $0x0  }
0x3f: {  	s26 =	sand.u32 $0x3, s28  }
0x40: {  	[sflag:s16] =	ssyncadd.s32 $0xFFFFC000;
	p0 =	sgt.u32 s28, $0x4C;
	s29 =	sadd.s32 $0x1, s26  }
0x41: {  	s24 =	sand.u32 @!p0 $0x3, s24;
	_ =	swait.ge [sflag:s29], $0x4000  }
0x42: {  	s26 =	sshll.u32 s26, $0xE;
	s28 =	sshll.u32 @!p0 s24, $0xE;
	[sflag:s29] =	ssyncset.done $0x0  }
0x43: {  	s24 =	sadd.s32 @!p0 $0x1, s24;
	[sflag:s29] =	ssyncadd.s32 $0xFFFFC000;
	(ifvalue) =	ssetifvalue @!p0 $0xFFFFFFFF  }
0x44: {  	s28 =	sadd.s32 @!p0 $0x5000, s28;
	s29 =	simm.s32 @!p0 $0x80;
	(ifvalue) =	ssetifvalue @!p0 $0xFFFFFFFF  }
0x45: {  	[tilespmem:s28], [sflag:s24] =	stream.indirect.gather @!p0 [hbm4b:s4+s29], $0x80, s25, s29, $0x40b8;
	[tilespmem:$0x1F000] =	vst v63  }
0x46: {  	s29 =	sadd.s32 $0x5000, s26;
	(ifvalue) =	ssetifvalue $0xFFFFFFFF  }
0x47: {  	[spmem:s2] =	stream.indirect.scatter.add.f32 [tilespmem:s29], [sflag:$0x5], $0x80, s23, s17, $0x40b8;
	[tilespmem:$0x1F000] =	vst v63  }
0x48: {  	_ =	swait.ge [sflag:s16], $0x4000  }
0x49: {  	[sflag:s16] =	ssyncset.done $0x0  }
0x4a: {  	[sflag:s16] =	ssyncadd.s32 $0xFFFFC000  }
0x4b: {  	[bflag:$0x0] =	sbarrier.arrive $0xFFFF  }
0x4c: {  	[hbm:s9], [sflag:s6] =	dma.local [spmem:s15], $0x1400  }
0x4d: {  	_ =	swait.ge [sflag:s16], $0x1400  }
0x4e: {  	[sflag:s16] =	ssyncset.done $0x0  }
0x4f: {  	[sflag:s16] =	ssyncadd.s32 $0xFFFFEC00  }
0x50: {  	[bflag:$0x0] =	sbarrier.arrive $0xFFFF  }
0x51: {  	[spmem:s15], [sflag:s6] =	dma.local [hbm:s10], $0x1400  }
0x52: {  	_ =	swait.ge [sflag:s16], $0x1400  }
0x53: {  	[sflag:s16] =	ssyncset.done $0x0  }
0x54: {  	[sflag:s16] =	ssyncadd.s32 $0xFFFFEC00  }
0x55: {  	[bflag:$0x0] =	sbarrier.arrive $0xFFFF  }
0x56: {  	[tilespmem:s3], [sflag:$0x5] =	stream.linear.gather [hbm4b:s11+s3], $0x2800, $0x38;
	[tilespmem:$0x1F000] =	vst v63  }
0x57: {  	_ =	swait.ge [sflag:s16], $0x2800  }
0x58: {  	[sflag:s16] =	ssyncset.done $0x0  }
0x59: {  	s23 =	simm.s32 $0x2800;
	[sflag:s16] =	ssyncadd.s32 $0xFFFFD800  }
0x5a: {  	[tilespmem:s23], [sflag:$0x5] =	stream.linear.gather [hbm4b:s12+s3], $0x2800, $0x38;
	[tilespmem:$0x1F000] =	vst v63  }
0x5b: {  	_ =	swait.ge [sflag:s16], $0x2800  }
0x5c: {  	[sflag:s16] =	ssyncset.done $0x0  }
0x5d: {  	[sflag:s16] =	ssyncadd.s32 $0xFFFFD800;
	(ifvalue) =	ssetifvalue $0xFFFFFFFF  }
0x5e: {  	(ifvalue) =	ssetifvalue $0xFFFFFFFF  }
0x5f: {  	[tilespmem:s18], [sflag:$0x1] =	stream.indirect.gather [hbm4b:s4+s17], $0x80, s3, s17, $0x40b8;
	[tilespmem:$0x1F000] =	vst v63  }
0x60: {  	(ifvalue) =	ssetifvalue $0xFFFFFFFF  }
0x61: {  	s30 =	simm.s32 $0x0;
	(ifvalue) =	ssetifvalue $0xFFFFFFFF  }
0x62: {  	[tilespmem:s19], [sflag:$0x2] =	stream.indirect.gather [hbm4b:s4+s17], $0x80, s17, s17, $0x40b8;
	[tilespmem:$0x1F000] =	vst v63  }
0x63: {  	s24 =	sand.u32 $0x3, s30;
	s26 =	simm.s32 $0x3;
	(ifvalue) =	ssetifvalue $0xFFFFFFFF  }
0x64: {  	s28 =	simm.s32 $0x180;
	s31 =	sadd.s32 $0x1, s24;
	(ifvalue) =	ssetifvalue $0xFFFFFFFF  }
0x65: {  	[tilespmem:s21], [sflag:$0x3] =	stream.indirect.gather [hbm4b:s4+s17], $0x80, s20, s17, $0x40b8;
	[tilespmem:$0x1F000] =	vst v63  }
0x66: {  	p0 =	por $0x0, $0x0;
	s30 =	sshll.u32 s24, $0xE;
	_ =	swait.ge [sflag:s31], $0x4000  }
0x67: {  	s24 =	sand.u32 @!p0 $0x3, s26;
	s26 =	simm.s32 @!p0 $0x80;
	[sflag:s31] =	ssyncset.done $0x0  }
0x68: {  	s25 =	sshll.u32 @!p0 s24, $0xE;
	[sflag:s31] =	ssyncadd.s32 $0xFFFFC000;
	(ifvalue) =	ssetifvalue @!p0 $0xFFFFFFFF  }
0x69: {  	s24 =	sadd.s32 @!p0 $0x1, s24;
	s25 =	sadd.s32 @!p0 $0x5000, s25;
	(ifvalue) =	ssetifvalue @!p0 $0xFFFFFFFF  }
0x6a: {  	[tilespmem:s25], [sflag:s24] =	stream.indirect.gather @!p0 [hbm4b:s4+s26], $0x80, s28, s26, $0x40b8;
	[tilespmem:$0x1F000] =	vst v63  }
0x6b: {  	s31 =	sadd.s32 $0x5000, s30;
	s24 =	simm.s32 $0x4;
	(ifvalue) =	ssetifvalue $0xFFFFFFFF  }
0x6c: {  	[spmem:s2] =	stream.indirect.scatter.add.f32 [tilespmem:s31], [sflag:$0x5], $0x80, s23, s17, $0x40b8;
	[tilespmem:$0x1F000] =	vst v63  }
0x6d: {  	s26 =	simm.s32 $0x5;
	s28 =	simm.s32 $0x1;
	_ =	swait.ge [sflag:s16], $0x4000  }
0x6e: {  	s25 =	simm.s32 $0x200;
	s23 =	simm.s32 $0x2880;
	[sflag:s16] =	ssyncset.done $0x0  }
.LBB2_4:
0x6f: {  	s29 =	sand.u32 $0x3, s28  }
0x70: {  	[sflag:s16] =	ssyncadd.s32 $0xFFFFC000;
	s30 =	smov.u32 s26;
	s26 =	sadd.s32 $0x1, s26  }
0x71: {  	p0 =	sne.s32 s26, $0x53;
	s31 =	sadd.s32 $0x1, s29;
	s29 =	sshll.u32 s29, $0xE  }
0x72: {  	_ =	swait.ge [sflag:s31], $0x4000  }
0x73: {  	p1 =	sgt.u32 s28, $0x4C;
	[sflag:s31] =	ssyncset.done $0x0  }
0x74: {  	s28 =	sand.u32 @!p1 $0x3, s24;
	s24 =	smov.u32 s30;
	[sflag:s31] =	ssyncadd.s32 $0xFFFFC000  }
0x75: {  	s30 =	sshll.u32 @!p1 s28, $0xE;
	s28 =	sadd.s32 @!p1 $0x1, s28;
	(ifvalue) =	ssetifvalue @!p1 $0xFFFFFFFF  }
0x76: {  	s30 =	sadd.s32 @!p1 $0x5000, s30;
	s31 =	simm.s32 @!p1 $0x80;
	(ifvalue) =	ssetifvalue @!p1 $0xFFFFFFFF  }
0x77: {  	[tilespmem:s30], [sflag:s28] =	stream.indirect.gather @!p1 [hbm4b:s4+s31], $0x80, s25, s31, $0x40b8;
	[tilespmem:$0x1F000] =	vst v63  }
.Ltmp1:
0x78: {  	_ = 	snop;
	(pc) =	sbr.rel @p0 .LBB2_4-.Ltmp1, $4  }
0x79: {  	s28 =	sadd.s32 $0x5000, s29;
	(ifvalue) =	ssetifvalue $0xFFFFFFFF  }
0x7a: {  	[spmem:s2] =	stream.indirect.scatter.add.f32 [tilespmem:s28], [sflag:$0x5], $0x80, s23, s17, $0x40b8;
	[tilespmem:$0x1F000] =	vst v63  }
0x7b: {  	s23 =	sadd.s32 $0x80, s23;
	_ =	swait.ge [sflag:s16], $0x4000  }
0x7c: {  	s25 =	sadd.s32 $0x80, s25;
	s28 =	sadd.s32 $0xFFFFFFFD, s24;
	[sflag:s16] =	ssyncset.done $0x0  }
0x7d: {  	s26 =	sand.u32 $0x3, s28  }
0x7e: {  	[sflag:s16] =	ssyncadd.s32 $0xFFFFC000;
	p0 =	sgt.u32 s28, $0x4C;
	s29 =	sadd.s32 $0x1, s26  }
0x7f: {  	s24 =	sand.u32 @!p0 $0x3, s24;
	_ =	swait.ge [sflag:s29], $0x4000  }
0x80: {  	s26 =	sshll.u32 s26, $0xE;
	s28 =	sshll.u32 @!p0 s24, $0xE;
	[sflag:s29] =	ssyncset.done $0x0  }
0x81: {  	s24 =	sadd.s32 @!p0 $0x1, s24;
	[sflag:s29] =	ssyncadd.s32 $0xFFFFC000;
	(ifvalue) =	ssetifvalue @!p0 $0xFFFFFFFF  }
0x82: {  	s28 =	sadd.s32 @!p0 $0x5000, s28;
	s29 =	simm.s32 @!p0 $0x80;
	(ifvalue) =	ssetifvalue @!p0 $0xFFFFFFFF  }
0x83: {  	[tilespmem:s28], [sflag:s24] =	stream.indirect.gather @!p0 [hbm4b:s4+s29], $0x80, s25, s29, $0x40b8;
	[tilespmem:$0x1F000] =	vst v63  }
0x84: {  	s31 =	sadd.s32 $0x5000, s26;
	(ifvalue) =	ssetifvalue $0xFFFFFFFF  }
0x85: {  	[spmem:s2] =	stream.indirect.scatter.add.f32 [tilespmem:s31], [sflag:$0x5], $0x80, s23, s17, $0x40b8;
	[tilespmem:$0x1F000] =	vst v63  }
0x86: {  	_ =	swait.ge [sflag:s16], $0x4000  }
0x87: {  	[sflag:s16] =	ssyncset.done $0x0  }
0x88: {  	s22 =	sadd.s32 $0x1, s22;
	[sflag:s16] =	ssyncadd.s32 $0xFFFFC000  }
0x89: {  	p0 =	sne.s32 s22, s14;
	[bflag:$0x0] =	sbarrier.arrive $0xFFFF  }
0x8a: {  	[hbm:s13], [sflag:s6] =	dma.local [spmem:s15], $0x1400  }
.Ltmp2:
0x8b: {  	_ =	swait.ge [sflag:s16], $0x1400;
	(pc) =	sbr.rel @p0 .LBB2_1-.Ltmp2, $3  }
0x8c: {  	[sflag:s16] =	ssyncset.done $0x0  }
0x8d: {  	[sflag:s16] =	ssyncadd.s32 $0xFFFFEC00  }
0x8e: {  	[bflag:$0x0] =	sbarrier.arrive $0xFFFF;
	_ =	sdelay $0x1  }
0x8f: {  	_ =	sfence.sel $0x180000  }
0x90: {  	[bflag:$0x0] =	sbarrier.arrive $0xFFFF  }
0x91: {  	p0 =	sne.s32 s0, $0x0;
	_ =	strace $0x9000004D  }
0x92: {  	s0 =	sadd.s32 @!p0 $0x100000, s1;
	[bflag:$0x2] =	sbarrier.arrive $0xFFFF  }
0x93: {  	[sflag:s0] =	ssyncadd.tile.s32 @!p0 $0x1;
	_ =	shalt  }
.Lfunc_end2:
_tile_overlayer_lowered:
.L_overlay_start_2:
0x94: {  	(tag) =	ssettag $0x2  }
0x95: {  	s0 =	rddreg [dreg:$0x0];
	s2 =	stileid.u32  }
0x96: {  	s1 =	rddreg [dreg:$0x1];
	p0 =	sne.s32 s2, $0x0  }
0x97: {  	s3 =	rddreg [dreg:$0x2];
	[bflag:$0x3] =	sbarrier.arrive $0xFFFF;
	s2 =	simm.s32 @!p0 $0x1C05  }
0x98: {  	[timem:s3], [sflag:s2] =	dma.local @!p0 [hbm:s0], s1  }
0x99: {  	s0 =	simm.s32 @!p0 $0x5  }
0x9a: {  	_ =	swait.ge @!p0 [sflag:s0], s1  }
0x9b: {  	s1 =	ssub.s32 @!p0 $0x0, s1;
	[sflag:s0] =	ssyncset.done @!p0 $0x0  }
0x9c: {  	[sflag:s0] =	ssyncadd.s32 @!p0 s1  }
0x9d: {  	[bflag:$0x3] =	sbarrier.arrive $0xFFFF  }
0x9e: {  	_ =	shalt  }

// kernel: kernel.20.cloned.1.call-start
scs
__scs_entry_jumppad:
0x0: {  	(pc) =	sbr.rel $0x88, $3  }
0x1: {  	(tag) =	ssettag $0x0;
	lr =	simm.s32 $0x1  }
0x2: {  	[smem:$0x3F87] =	sst lr;
	_ =	strace $0xD0000000  }
0x3: {  	_ = 	snop  }
0x4: {  	_ = 	snop  }
0x5: {  	_ = 	snop  }
0x6: {  	_ = 	snop  }
0x7: {  	_ = 	snop  }
__scs_overlays_trampoline_lowered:
0x8: {  	[smem:$0x3F96] =	sst s0  }
0x9: {  	[smem:$0x3F97] =	sst s1  }
0xa: {  	[smem:$0x3F98] =	sst s2  }
0xb: {  	[smem:$0x3F99] =	sst s3  }
0xc: {  	[smem:$0x3F9A] =	sst s4  }
0xd: {  	[smem:$0x3F9B] =	sst s5  }
0xe: {  	[smem:$0x3F9C] =	sst s6  }
0xf: {  	[smem:$0x3F9D] =	sst s7  }
0x10: {  	[smem:$0x3F9E] =	sst s8  }
0x11: {  	[smem:$0x3F9F] =	sst s9;
	s0 =	simm.s32 @!p0 $0x0  }
0x12: {  	s1 =	sld [smem:$0x3F85];
	s0 =	simm.s32 @p0 $0x1  }
0x13: {  	[smem:$0x3FA0] =	sst s0;
	s0 =	simm.s32 @!p1 $0x0  }
0x14: {  	s2 =	sld [smem:$0x3F84];
	s0 =	simm.s32 @p1 $0x1  }
0x15: {  	[smem:$0x3FA1] =	sst s0;
	s0 =	simm.s32 @!p2 $0x0  }
0x16: {  	s3 =	sld [smem:$0x3FDB];
	s0 =	simm.s32 @p2 $0x1  }
0x17: {  	s4 =	simm.s32 $0x1BF5;
	[smem:$0x3FA3] =	sst s0  }
0x18: {  	s0 =	sld [smem:$0x3F86];
	_ =	swait.ge [sflag:s4], $0x0  }
0x19: {  	s7 =	sld [smem:$0x3F87]  }
0x1a: {  	s8 =	sadd.s32 $0xFFFFE003, lr  }
0x1b: {  	s9 =	sadd.s32 $0xFFFFFEF7, lr;
	s5 =	simm.s32 $0xFFFFFFFF;
	p2 =	slt.u32 s8, $0xFFFFF086  }
0x1c: {  	p1 =	slt.u32 s9, $0xF7A;
	s5 =	simm.s32 @!p2 $0x0  }
0x1d: {  	s5 =	simm.s32 @p1 $0x1;
	p0 =	seq.s32 s7, s2  }
0x1e: {  	s7 =	smul.u32 @!p0 $0xF7A, s2;
	p2 =	seq.s32 @!p0 s5, $0x0  }
0x1f: {  	s9 =	smul.u32 $0xF7A, s1;
	s8 =	simm.s32 @!p0 $0x1BF5;
	p2 =	por !p2, p0  }
0x20: {  	[sflag:s8] =	ssyncset.s32 @!p0 $0xFFFFF086;
	s6 =	sadd.s32 @!p0 s3, s7;
	s7 =	simm.s32 @!p0 $0x108  }
0x21: {  	s3 =	sadd.s32 s3, s9;
	s6 =	sadd.s32 @!p0 $0x88, s6;
	s7 =	simm.s32 @p2 $0x1082  }
0x22: {  	[simem:s7], [sflag:s8] =	dma.local @!p0 [hbm:s6], $0xF7A  }
0x23: {  	s9 =	sor.u32 $0xD0000000, s2;
	s6 =	simm.s32 $0x108;
	_ =	swait.ge @!p0 [sflag:s8], $0x0  }
0x24: {  	s3 =	sadd.s32 $0x88, s3;
	s6 =	simm.s32 @!p1 $0x1082;
	[sflag:s4] =	ssyncset.s32 $0xFFFFF086  }
0x25: {  	[simem:s6], [sflag:s4] =	dma.local [hbm:s3], $0xF7A  }
0x26: {  	[smem:$0x3F87] =	sst s1;
	(tag) =	ssettag s2;
	_ =	strace s9  }
0x27: {  	s1 =	sld [smem:$0x3F97]  }
0x28: {  	s2 =	sld [smem:$0x3F98]  }
0x29: {  	s4 =	sld [smem:$0x3F9A]  }
0x2a: {  	p0 =	seq.s32 s5, $0x0;
	s5 =	sld [smem:$0x3F9B]  }
0x2b: {  	s6 =	sld [smem:$0x3F9C]  }
0x2c: {  	s7 =	sld [smem:$0x3F9D]  }
0x2d: {  	s3 =	simm.s32 $0x108;
	s8 =	sld [smem:$0x3F9E]  }
0x2e: {  	s3 =	simm.s32 @!p0 $0x1082;
	s9 =	sld [smem:$0x3F9F]  }
0x2f: {  	lr =	sadd.s32 s0, s3;
	s0 =	sld [smem:$0x3F96]  }
0x30: {  	s3 =	sld [smem:$0x3F99]  }
0x31: {  	[smem:$0x3FA2] =	sst s10  }
0x32: {  	s10 =	sld [smem:$0x3FA0];
	_ =	sdelay $0x3  }
0x33: {  	p0 =	seq.s32 s10, $0x1;
	s10 =	sld [smem:$0x3FA2];
	_ =	sdelay $0x3  }
0x34: {  	[smem:$0x3FA2] =	sst s10  }
0x35: {  	s10 =	sld [smem:$0x3FA1];
	_ =	sdelay $0x3  }
0x36: {  	p1 =	seq.s32 s10, $0x1;
	s10 =	sld [smem:$0x3FA2];
	_ =	sdelay $0x3  }
0x37: {  	[smem:$0x3FA2] =	sst s10  }
0x38: {  	s10 =	sld [smem:$0x3FA3]  }
0x39: {  	_ = 	snop;
	(pc) =	sbr.ind lr, $3  }
0x3a: {  	_ = 	snop  }
0x3b: {  	_ = 	snop  }
0x3c: {  	p2 =	seq.s32 s10, $0x1;
	s10 =	sld [smem:$0x3FA2]  }
0x3d: {  	_ =	shalt  }
0x3e: {  	_ =	shalt  }
0x3f: {  	_ =	shalt  }
0x40: {  	_ =	shalt  }
0x41: {  	_ =	shalt  }
0x42: {  	_ =	shalt  }
0x43: {  	_ =	shalt  }
0x44: {  	_ =	shalt  }
0x45: {  	_ =	shalt  }
0x46: {  	_ =	shalt  }
0x47: {  	_ =	shalt  }
0x48: {  	_ =	shalt  }
0x49: {  	_ =	shalt  }
0x4a: {  	_ =	shalt  }
0x4b: {  	_ =	shalt  }
0x4c: {  	_ =	shalt  }
0x4d: {  	_ =	shalt  }
0x4e: {  	_ =	shalt  }
0x4f: {  	_ =	shalt  }
0x50: {  	_ =	shalt  }
0x51: {  	_ =	shalt  }
0x52: {  	_ =	shalt  }
0x53: {  	_ =	shalt  }
0x54: {  	_ =	shalt  }
0x55: {  	_ =	shalt  }
0x56: {  	_ =	shalt  }
0x57: {  	_ =	shalt  }
0x58: {  	_ =	shalt  }
0x59: {  	_ =	shalt  }
0x5a: {  	_ =	shalt  }
0x5b: {  	_ =	shalt  }
0x5c: {  	_ =	shalt  }
0x5d: {  	_ =	shalt  }
0x5e: {  	_ =	shalt  }
0x5f: {  	_ =	shalt  }
0x60: {  	_ =	shalt  }
0x61: {  	_ =	shalt  }
0x62: {  	_ =	shalt  }
0x63: {  	_ =	shalt  }
0x64: {  	_ =	shalt  }
0x65: {  	_ =	shalt  }
0x66: {  	_ =	shalt  }
0x67: {  	_ =	shalt  }
0x68: {  	_ =	shalt  }
0x69: {  	_ =	shalt  }
0x6a: {  	_ =	shalt  }
0x6b: {  	_ =	shalt  }
0x6c: {  	_ =	shalt  }
0x6d: {  	_ =	shalt  }
0x6e: {  	_ =	shalt  }
0x6f: {  	_ =	shalt  }
0x70: {  	_ =	shalt  }
0x71: {  	_ =	shalt  }
0x72: {  	_ =	shalt  }
0x73: {  	_ =	shalt  }
0x74: {  	_ =	shalt  }
0x75: {  	_ =	shalt  }
0x76: {  	_ =	shalt  }
0x77: {  	_ =	shalt  }
0x78: {  	_ =	shalt  }
0x79: {  	_ =	shalt  }
0x7a: {  	_ =	shalt  }
0x7b: {  	_ =	shalt  }
0x7c: {  	_ =	shalt  }
0x7d: {  	_ =	shalt  }
0x7e: {  	_ =	shalt  }
0x7f: {  	_ =	shalt  }
0x80: {  	_ =	shalt  }
0x81: {  	_ =	shalt  }
0x82: {  	_ =	shalt  }
0x83: {  	_ =	shalt  }
0x84: {  	_ =	shalt  }
0x85: {  	_ =	shalt  }
0x86: {  	_ =	shalt  }
0x87: {  	_ =	shalt  }
.Lfunc_end0:
.L_simem_size_0:
called_computation.3_lowered:
.L_overlay_start_0:
0x88: {  	s2 =	sld [smem:$0x3FD9]  }
0x89: {  	s3 =	sld [smem:$0x3FFE];
	_ =	sdelay $0x1  }
0x8a: {  	s1 =	srdreg.scid  }
0x8b: {  	s0 =	sand.u32 $0x1, s1  }
0x8c: {  	s16 =	sshll.u32 s0, $0xA;
	s2 =	sadd.s32 s3, s2  }
0x8d: {  	s2 =	sadd.s32 s2, s16  }
0x8e: {  	[smem:$0x3FAE] =	sst s2  }
0x8f: {  	_ = 	snop  }
0x90: {  	(tm) =	ssettm $0x1  }
0x91: {  	s17 =	sld [smem:$0x3FFB];
	_ =	sdelay $0x3  }
0x92: {  	_ =	strace s17  }
0x93: {  	s2 =	sld [smem:$0x3FFC];
	_ =	sdelay $0x3  }
0x94: {  	_ =	strace s2  }
0x95: {  	s2 =	sld [smem:$0x3FFD];
	_ =	sdelay $0x3  }
0x96: {  	_ =	strace s2  }
0x97: {  	_ =	strace $0x8FFFFFFF  }
0x98: {  	s18 =	sld [smem:$0x3FDB];
	_ =	sdelay $0x1  }
0x99: {  	s19 =	simm.s32 $_scs_section_size  }
0x9a: {  	s4 =	simm.s32 $_size__tile_overlayer_lowered;
	s5 =	simm.s32 $_tile_overlayer_lowered  }
0x9b: {  	s22 =	simm.s32 $0x1BFF;
	s21 =	sshll.u32 s5, $0x1;
	s2 =	sadd.s32 s19, s18  }
0x9c: {  	s6 =	simm.s32 $0x0;
	s20 =	sshll.u32 s4, $0x1;
	s4 =	sadd.s32 s21, s2  }
0x9d: {  	[timem:s6], [sflag:s22] =	dma.local [hbm:s4], s20  }
0x9e: {  	_ =	swait.ge [sflag:s22], s20  }
0x9f: {  	s3 =	ssub.s32 $0x0, s20;
	[sflag:s22] =	ssyncset.done $0x0  }
0xa0: {  	[sflag:s22] =	ssyncadd.s32 s3;
	_ =	sdelay $0x1  }
0xa1: {  	s23 =	simm.s32 $0x1B8B  }
0xa2: {  	_ =	swait.ge [sflag:s23], $0x1  }
0xa3: {  	[sflag:s23] =	ssyncset.done $0x0  }
0xa4: {  	s25 =	simm.s32 $0x1B8E;
	s24 =	sld [smem:$0x3FFE];
	[sflag:s23] =	ssyncadd.s32 $0xFFFFFFFF  }
0xa5: {  	s26 =	simm.s32 $execute0_lowered;
	[smem:$0x3FD2] =	sst s25  }
0xa6: {  	s4 =	sshll.u32 s26, $0x1;
	_ =	strace $0x8000004F;
	[dreg:$0x1] =	wrdreg $0xFFFFFFFF  }
0xa7: {  	s28 =	simm.s32 $_size_execute0_lowered;
	s2 =	sadd.s32 s2, s4;
	[dreg:$0x0] =	wrdreg $0x0  }
0xa8: {  	s4 =	sshll.u32 s28, $0x1;
	[dreg:$0x2] =	wrdreg s2  }
0xa9: {  	[dreg:$0x3] =	wrdreg s4  }
0xaa: {  	[dreg:$0x4] =	wrdreg $0xC0  }
0xab: {  	_ =	task [dreg:s6], $0x5FFFF  }
0xac: {  	[dreg:$0x1] =	wrdreg $0xFFFFFFFF  }
0xad: {  	[dreg:$0x0] =	wrdreg $0x60  }
0xae: {  	[dreg:$0x2] =	wrdreg s24  }
0xaf: {  	[dreg:$0x3] =	wrdreg $0x150000  }
0xb0: {  	[dreg:$0x4] =	wrdreg $0x9  }
0xb1: {  	_ =	task.clear_ibuf [dreg:s6], $0x5FFFF;
	_ =	strace $0x9000004F  }
0xb2: {  	s29 =	simm.s32 $0x9;
	_ =	strace $0x80000051  }
0xb3: {  	_ =	swait.ge [sflag:s29], $0x1  }
0xb4: {  	[sflag:s29] =	ssyncadd.s32 $0xFFFFFFFF  }
0xb5: {  	_ =	strace $0x90000051  }
0xb6: {  	_ =	sfence  }
0xb7: {  	s30 =	sld [smem:$0x0];
	_ =	sdelay $0x2  }
0xb8: {  	s31 =	sshll.u32 s1, $0xD;
	s1 =	sshrl.u32 s1, $0x2  }
0xb9: {  	s3 =	sand.u32 $0x4000, s31;
	s1 =	sadd.s32 s1, s30  }
0xba: {  	s0 =	sor.u32 s3, s0;
	s1 =	sshll.u32 s1, $0x11  }
0xbb: {  	s0 =	sor.u32 s1, s0  }
0xbc: {  	s0 =	sadd.s32 $0x8F2B, s0  }
0xbd: {  	[sflag:s0] =	ssyncadd.remote.s32 $0x1  }
0xbe: {  	_ =	sfence.sel $0xFFFF  }
0xbf: {  	[dreg:$0x0] =	wrdreg $0xFFFFFFFF;
	(pc) =	sbr.abs _section_cstart, $3  }
0xc0: {  	[dreg:$0x1] =	wrdreg $0xFFFFFFFF  }
0xc1: {  	_ =	task.clear_ibuf [dreg:s6], $0x2FFFF;
	_ =	strace $0x9FFFFFFF  }
0xc2: {  	(tm) =	ssettm $0x7FFFFFFF  }
0xc3: {  	_ =	shalt  }
tec
execute0_lowered:
.L_overlay_start_1:
0x0: {  	(tag) =	ssettag $0x1  }
0x1: {  	s5 =	rddreg [dreg:$0x0]  }
0x2: {  	s1 =	srdreg.scid;
	s0 =	stileid.u32  }
0x3: {  	s2 =	rddreg [dreg:$0x1];
	s3 =	simm.s32 $0x0;
	s18 =	simm.s32 $0x5000  }
0x4: {  	s19 =	simm.s32 $0x9000;
	s20 =	simm.s32 $0x100;
	s4 =	smul.u32 $0x50, s0  }
0x5: {  	s21 =	simm.s32 $0xD000;
	s22 =	simm.s32 $0x0;
	s8 =	smul.u32 $0x140, s0  }
0x6: {  	s6 =	sand.u32 $0x1, s1;
	s1 =	rddreg [dreg:$0x2];
	s9 =	smul.u32 $0x28000, s0  }
0x7: {  	[smem:$0x7FF] =	sst s3;
	s12 =	sadd.s32 $0x28800, s5;
	s28 =	smul.u32 $0x500, s0  }
0x8: {  	s13 =	sadd.s32 $0x82800, s5;
	s30 =	sshll.u32 s0, $0x6;
	s31 =	smul.u32 $0x2800, s0  }
0x9: {  	s7 =	smul.u32 $0x500, s6;
	_ =	strace $0x80000050;
	s24 =	ssub.s32 $0x2, s6  }
0xa: {  	s6 =	smul.u32 $0x2800, s6;
	s10 =	sshrl.u32 s24, $0x1;
	s25 =	sshrl.u32 s9, $0x2  }
0xb: {  	s17 =	sshrl.u32 s31, $0x3;
	s7 =	sadd.s32 s4, s7;
	s4 =	sadd.s32 $0x32800, s5  }
0xc: {  	s14 =	ssub.s32 s24, s10;
	s15 =	sadd.s32 s25, s2;
	s26 =	sadd.s32 s8, s6  }
0xd: {  	s6 =	sor.u32 $0x1C05, s30;
	s8 =	sadd.s32 s12, s28;
	s12 =	sadd.s32 s12, s17  }
0xe: {  	s17 =	simm.s32 $0x80;
	s7 =	sshll.u32 s7, $0x4;
	s29 =	sshll.u32 s26, $0x4  }
0xf: {  	s12 =	sadd.s32 $0x5000, s12;
	s14 =	smax.u32 s14, $0x1;
	s15 =	sshrl.u32 s15, $0x3  }
0x10: {  	s11 =	sadd.s32 s7, s5;
	s5 =	sadd.s32 s4, s29;
	s16 =	sadd.s32 $0x14000, s29  }
0x11: {  	s9 =	sadd.s32 s13, s29;
	s7 =	sadd.s32 $0x14800, s11;
	s10 =	sadd.s32 s4, s16  }
0x12: {  	s11 =	sadd.s32 $0x1E800, s11;
	s13 =	sadd.s32 s13, s16;
	s16 =	simm.s32 $0x5  }
.LBB2_1:
0x13: {  	[spmem:s15], [sflag:s6] =	dma.local [hbm:s5], $0x1400  }
0x14: {  	_ =	swait.ge [sflag:s16], $0x1400  }
0x15: {  	[sflag:s16] =	ssyncset.done $0x0  }
0x16: {  	[sflag:s16] =	ssyncadd.s32 $0xFFFFEC00  }
0x17: {  	[bflag:$0x0] =	sbarrier.arrive $0xFFFF  }
0x18: {  	[tilespmem:s3], [sflag:$0x5] =	stream.linear.gather [hbm4b:s7+s3], $0x2800, $0x38;
	[tilespmem:$0x1F000] =	vst v63  }
0x19: {  	_ =	swait.ge [sflag:s16], $0x2800  }
0x1a: {  	[sflag:s16] =	ssyncset.done $0x0  }
0x1b: {  	s23 =	simm.s32 $0x2800;
	[sflag:s16] =	ssyncadd.s32 $0xFFFFD800  }
0x1c: {  	[tilespmem:s23], [sflag:$0x5] =	stream.linear.gather [hbm4b:s8+s3], $0x2800, $0x38;
	[tilespmem:$0x1F000] =	vst v63  }
0x1d: {  	_ =	swait.ge [sflag:s16], $0x2800  }
0x1e: {  	[sflag:s16] =	ssyncset.done $0x0  }
0x1f: {  	[sflag:s16] =	ssyncadd.s32 $0xFFFFD800;
	(ifvalue) =	ssetifvalue $0xFFFFFFFF  }
0x20: {  	(ifvalue) =	ssetifvalue $0xFFFFFFFF  }
0x21: {  	[tilespmem:s18], [sflag:$0x1] =	stream.indirect.gather [hbm4b:s4+s17], $0x80, s3, s17, $0x40b8;
	[tilespmem:$0x1F000] =	vst v63  }
0x22: {  	(ifvalue) =	ssetifvalue $0xFFFFFFFF  }
0x23: {  	s24 =	simm.s32 $0x0;
	(ifvalue) =	ssetifvalue $0xFFFFFFFF  }
0x24: {  	[tilespmem:s19], [sflag:$0x2] =	stream.indirect.gather [hbm4b:s4+s17], $0x80, s17, s17, $0x40b8;
	[tilespmem:$0x1F000] =	vst v63  }
0x25: {  	s26 =	simm.s32 $0x3;
	s24 =	sand.u32 $0x3, s24;
	(ifvalue) =	ssetifvalue $0xFFFFFFFF  }
0x26: {  	s28 =	simm.s32 $0x180;
	s25 =	sadd.s32 $0x1, s24;
	(ifvalue) =	ssetifvalue $0xFFFFFFFF  }
0x27: {  	[tilespmem:s21], [sflag:$0x3] =	stream.indirect.gather [hbm4b:s4+s17], $0x80, s20, s17, $0x40b8;
	[tilespmem:$0x1F000] =	vst v63  }
0x28: {  	p0 =	por $0x0, $0x0;
	s29 =	sshll.u32 s24, $0xE;
	_ =	swait.ge [sflag:s25], $0x4000  }
0x29: {  	s24 =	sand.u32 @!p0 $0x3, s26;
	s26 =	simm.s32 @!p0 $0x80;
	[sflag:s25] =	ssyncset.done $0x0  }
0x2a: {  	[sflag:s25] =	ssyncadd.s32 $0xFFFFC000;
	s25 =	sshll.u32 @!p0 s24, $0xE;
	(ifvalue) =	ssetifvalue @!p0 $0xFFFFFFFF  }
0x2b: {  	s24 =	sadd.s32 @!p0 $0x1, s24;
	s25 =	sadd.s32 @!p0 $0x5000, s25;
	(ifvalue) =	ssetifvalue @!p0 $0xFFFFFFFF  }
0x2c: {  	[tilespmem:s25], [sflag:s24] =	stream.indirect.gather @!p0 [hbm4b:s4+s26], $0x80, s28, s26, $0x40b8;
	[tilespmem:$0x1F000] =	vst v63  }
0x2d: {  	s31 =	sadd.s32 $0x5000, s29;
	s24 =	simm.s32 $0x4;
	(ifvalue) =	ssetifvalue $0xFFFFFFFF  }
0x2e: {  	[spmem:s2] =	stream.indirect.scatter.add.f32 [tilespmem:s31], [sflag:$0x5], $0x80, s23, s17, $0x40b8;
	[tilespmem:$0x1F000] =	vst v63  }
0x2f: {  	s26 =	simm.s32 $0x5;
	s23 =	simm.s32 $0x2880;
	_ =	swait.ge [sflag:s16], $0x4000  }
0x30: {  	s28 =	simm.s32 $0x1;
	s25 =	simm.s32 $0x200;
	[sflag:s16] =	ssyncset.done $0x0  }
.LBB2_2:
0x31: {  	s29 =	sand.u32 $0x3, s28  }
0x32: {  	[sflag:s16] =	ssyncadd.s32 $0xFFFFC000;
	s30 =	smov.u32 s26;
	s26 =	sadd.s32 $0x1, s26  }
0x33: {  	p0 =	sne.s32 s26, $0x53;
	s31 =	sadd.s32 $0x1, s29;
	s29 =	sshll.u32 s29, $0xE  }
0x34: {  	_ =	swait.ge [sflag:s31], $0x4000  }
0x35: {  	p1 =	sgt.u32 s28, $0x4C;
	[sflag:s31] =	ssyncset.done $0x0  }
0x36: {  	s28 =	sand.u32 @!p1 $0x3, s24;
	s24 =	smov.u32 s30;
	[sflag:s31] =	ssyncadd.s32 $0xFFFFC000  }
0x37: {  	s30 =	sshll.u32 @!p1 s28, $0xE;
	s28 =	sadd.s32 @!p1 $0x1, s28;
	(ifvalue) =	ssetifvalue @!p1 $0xFFFFFFFF  }
0x38: {  	s30 =	sadd.s32 @!p1 $0x5000, s30;
	s31 =	simm.s32 @!p1 $0x80;
	(ifvalue) =	ssetifvalue @!p1 $0xFFFFFFFF  }
0x39: {  	[tilespmem:s30], [sflag:s28] =	stream.indirect.gather @!p1 [hbm4b:s4+s31], $0x80, s25, s31, $0x40b8;
	[tilespmem:$0x1F000] =	vst v63  }
.Ltmp0:
0x3a: {  	_ = 	snop;
	(pc) =	sbr.rel @p0 .LBB2_2-.Ltmp0, $4  }
0x3b: {  	s28 =	sadd.s32 $0x5000, s29;
	(ifvalue) =	ssetifvalue $0xFFFFFFFF  }
0x3c: {  	[spmem:s2] =	stream.indirect.scatter.add.f32 [tilespmem:s28], [sflag:$0x5], $0x80, s23, s17, $0x40b8;
	[tilespmem:$0x1F000] =	vst v63  }
0x3d: {  	s23 =	sadd.s32 $0x80, s23;
	_ =	swait.ge [sflag:s16], $0x4000  }
0x3e: {  	s25 =	sadd.s32 $0x80, s25;
	s28 =	sadd.s32 $0xFFFFFFFD, s24;
	[sflag:s16] =	ssyncset.done $0x0  }
0x3f: {  	s26 =	sand.u32 $0x3, s28  }
0x40: {  	[sflag:s16] =	ssyncadd.s32 $0xFFFFC000;
	p0 =	sgt.u32 s28, $0x4C;
	s29 =	sadd.s32 $0x1, s26  }
0x41: {  	s24 =	sand.u32 @!p0 $0x3, s24;
	_ =	swait.ge [sflag:s29], $0x4000  }
0x42: {  	s26 =	sshll.u32 s26, $0xE;
	s28 =	sshll.u32 @!p0 s24, $0xE;
	[sflag:s29] =	ssyncset.done $0x0  }
0x43: {  	s24 =	sadd.s32 @!p0 $0x1, s24;
	[sflag:s29] =	ssyncadd.s32 $0xFFFFC000;
	(ifvalue) =	ssetifvalue @!p0 $0xFFFFFFFF  }
0x44: {  	s28 =	sadd.s32 @!p0 $0x5000, s28;
	s29 =	simm.s32 @!p0 $0x80;
	(ifvalue) =	ssetifvalue @!p0 $0xFFFFFFFF  }
0x45: {  	[tilespmem:s28], [sflag:s24] =	stream.indirect.gather @!p0 [hbm4b:s4+s29], $0x80, s25, s29, $0x40b8;
	[tilespmem:$0x1F000] =	vst v63  }
0x46: {  	s29 =	sadd.s32 $0x5000, s26;
	(ifvalue) =	ssetifvalue $0xFFFFFFFF  }
0x47: {  	[spmem:s2] =	stream.indirect.scatter.add.f32 [tilespmem:s29], [sflag:$0x5], $0x80, s23, s17, $0x40b8;
	[tilespmem:$0x1F000] =	vst v63  }
0x48: {  	_ =	swait.ge [sflag:s16], $0x4000  }
0x49: {  	[sflag:s16] =	ssyncset.done $0x0  }
0x4a: {  	[sflag:s16] =	ssyncadd.s32 $0xFFFFC000  }
0x4b: {  	[bflag:$0x0] =	sbarrier.arrive $0xFFFF  }
0x4c: {  	[hbm:s9], [sflag:s6] =	dma.local [spmem:s15], $0x1400  }
0x4d: {  	_ =	swait.ge [sflag:s16], $0x1400  }
0x4e: {  	[sflag:s16] =	ssyncset.done $0x0  }
0x4f: {  	[sflag:s16] =	ssyncadd.s32 $0xFFFFEC00  }
0x50: {  	[bflag:$0x0] =	sbarrier.arrive $0xFFFF  }
0x51: {  	[spmem:s15], [sflag:s6] =	dma.local [hbm:s10], $0x1400  }
0x52: {  	_ =	swait.ge [sflag:s16], $0x1400  }
0x53: {  	[sflag:s16] =	ssyncset.done $0x0  }
0x54: {  	[sflag:s16] =	ssyncadd.s32 $0xFFFFEC00  }
0x55: {  	[bflag:$0x0] =	sbarrier.arrive $0xFFFF  }
0x56: {  	[tilespmem:s3], [sflag:$0x5] =	stream.linear.gather [hbm4b:s11+s3], $0x2800, $0x38;
	[tilespmem:$0x1F000] =	vst v63  }
0x57: {  	_ =	swait.ge [sflag:s16], $0x2800  }
0x58: {  	[sflag:s16] =	ssyncset.done $0x0  }
0x59: {  	s23 =	simm.s32 $0x2800;
	[sflag:s16] =	ssyncadd.s32 $0xFFFFD800  }
0x5a: {  	[tilespmem:s23], [sflag:$0x5] =	stream.linear.gather [hbm4b:s12+s3], $0x2800, $0x38;
	[tilespmem:$0x1F000] =	vst v63  }
0x5b: {  	_ =	swait.ge [sflag:s16], $0x2800  }
0x5c: {  	[sflag:s16] =	ssyncset.done $0x0  }
0x5d: {  	[sflag:s16] =	ssyncadd.s32 $0xFFFFD800;
	(ifvalue) =	ssetifvalue $0xFFFFFFFF  }
0x5e: {  	(ifvalue) =	ssetifvalue $0xFFFFFFFF  }
0x5f: {  	[tilespmem:s18], [sflag:$0x1] =	stream.indirect.gather [hbm4b:s4+s17], $0x80, s3, s17, $0x40b8;
	[tilespmem:$0x1F000] =	vst v63  }
0x60: {  	(ifvalue) =	ssetifvalue $0xFFFFFFFF  }
0x61: {  	s30 =	simm.s32 $0x0;
	(ifvalue) =	ssetifvalue $0xFFFFFFFF  }
0x62: {  	[tilespmem:s19], [sflag:$0x2] =	stream.indirect.gather [hbm4b:s4+s17], $0x80, s17, s17, $0x40b8;
	[tilespmem:$0x1F000] =	vst v63  }
0x63: {  	s24 =	sand.u32 $0x3, s30;
	s26 =	simm.s32 $0x3;
	(ifvalue) =	ssetifvalue $0xFFFFFFFF  }
0x64: {  	s28 =	simm.s32 $0x180;
	s31 =	sadd.s32 $0x1, s24;
	(ifvalue) =	ssetifvalue $0xFFFFFFFF  }
0x65: {  	[tilespmem:s21], [sflag:$0x3] =	stream.indirect.gather [hbm4b:s4+s17], $0x80, s20, s17, $0x40b8;
	[tilespmem:$0x1F000] =	vst v63  }
0x66: {  	p0 =	por $0x0, $0x0;
	s30 =	sshll.u32 s24, $0xE;
	_ =	swait.ge [sflag:s31], $0x4000  }
0x67: {  	s24 =	sand.u32 @!p0 $0x3, s26;
	s26 =	simm.s32 @!p0 $0x80;
	[sflag:s31] =	ssyncset.done $0x0  }
0x68: {  	s25 =	sshll.u32 @!p0 s24, $0xE;
	[sflag:s31] =	ssyncadd.s32 $0xFFFFC000;
	(ifvalue) =	ssetifvalue @!p0 $0xFFFFFFFF  }
0x69: {  	s24 =	sadd.s32 @!p0 $0x1, s24;
	s25 =	sadd.s32 @!p0 $0x5000, s25;
	(ifvalue) =	ssetifvalue @!p0 $0xFFFFFFFF  }
0x6a: {  	[tilespmem:s25], [sflag:s24] =	stream.indirect.gather @!p0 [hbm4b:s4+s26], $0x80, s28, s26, $0x40b8;
	[tilespmem:$0x1F000] =	vst v63  }
0x6b: {  	s31 =	sadd.s32 $0x5000, s30;
	s24 =	simm.s32 $0x4;
	(ifvalue) =	ssetifvalue $0xFFFFFFFF  }
0x6c: {  	[spmem:s2] =	stream.indirect.scatter.add.f32 [tilespmem:s31], [sflag:$0x5], $0x80, s23, s17, $0x40b8;
	[tilespmem:$0x1F000] =	vst v63  }
0x6d: {  	s26 =	simm.s32 $0x5;
	s28 =	simm.s32 $0x1;
	_ =	swait.ge [sflag:s16], $0x4000  }
0x6e: {  	s25 =	simm.s32 $0x200;
	s23 =	simm.s32 $0x2880;
	[sflag:s16] =	ssyncset.done $0x0  }
.LBB2_4:
0x6f: {  	s29 =	sand.u32 $0x3, s28  }
0x70: {  	[sflag:s16] =	ssyncadd.s32 $0xFFFFC000;
	s30 =	smov.u32 s26;
	s26 =	sadd.s32 $0x1, s26  }
0x71: {  	p0 =	sne.s32 s26, $0x53;
	s31 =	sadd.s32 $0x1, s29;
	s29 =	sshll.u32 s29, $0xE  }
0x72: {  	_ =	swait.ge [sflag:s31], $0x4000  }
0x73: {  	p1 =	sgt.u32 s28, $0x4C;
	[sflag:s31] =	ssyncset.done $0x0  }
0x74: {  	s28 =	sand.u32 @!p1 $0x3, s24;
	s24 =	smov.u32 s30;
	[sflag:s31] =	ssyncadd.s32 $0xFFFFC000  }
0x75: {  	s30 =	sshll.u32 @!p1 s28, $0xE;
	s28 =	sadd.s32 @!p1 $0x1, s28;
	(ifvalue) =	ssetifvalue @!p1 $0xFFFFFFFF  }
0x76: {  	s30 =	sadd.s32 @!p1 $0x5000, s30;
	s31 =	simm.s32 @!p1 $0x80;
	(ifvalue) =	ssetifvalue @!p1 $0xFFFFFFFF  }
0x77: {  	[tilespmem:s30], [sflag:s28] =	stream.indirect.gather @!p1 [hbm4b:s4+s31], $0x80, s25, s31, $0x40b8;
	[tilespmem:$0x1F000] =	vst v63  }
.Ltmp1:
0x78: {  	_ = 	snop;
	(pc) =	sbr.rel @p0 .LBB2_4-.Ltmp1, $4  }
0x79: {  	s28 =	sadd.s32 $0x5000, s29;
	(ifvalue) =	ssetifvalue $0xFFFFFFFF  }
0x7a: {  	[spmem:s2] =	stream.indirect.scatter.add.f32 [tilespmem:s28], [sflag:$0x5], $0x80, s23, s17, $0x40b8;
	[tilespmem:$0x1F000] =	vst v63  }
0x7b: {  	s23 =	sadd.s32 $0x80, s23;
	_ =	swait.ge [sflag:s16], $0x4000  }
0x7c: {  	s25 =	sadd.s32 $0x80, s25;
	s28 =	sadd.s32 $0xFFFFFFFD, s24;
	[sflag:s16] =	ssyncset.done $0x0  }
0x7d: {  	s26 =	sand.u32 $0x3, s28  }
0x7e: {  	[sflag:s16] =	ssyncadd.s32 $0xFFFFC000;
	p0 =	sgt.u32 s28, $0x4C;
	s29 =	sadd.s32 $0x1, s26  }
0x7f: {  	s24 =	sand.u32 @!p0 $0x3, s24;
	_ =	swait.ge [sflag:s29], $0x4000  }
0x80: {  	s26 =	sshll.u32 s26, $0xE;
	s28 =	sshll.u32 @!p0 s24, $0xE;
	[sflag:s29] =	ssyncset.done $0x0  }
0x81: {  	s24 =	sadd.s32 @!p0 $0x1, s24;
	[sflag:s29] =	ssyncadd.s32 $0xFFFFC000;
	(ifvalue) =	ssetifvalue @!p0 $0xFFFFFFFF  }
0x82: {  	s28 =	sadd.s32 @!p0 $0x5000, s28;
	s29 =	simm.s32 @!p0 $0x80;
	(ifvalue) =	ssetifvalue @!p0 $0xFFFFFFFF  }
0x83: {  	[tilespmem:s28], [sflag:s24] =	stream.indirect.gather @!p0 [hbm4b:s4+s29], $0x80, s25, s29, $0x40b8;
	[tilespmem:$0x1F000] =	vst v63  }
0x84: {  	s31 =	sadd.s32 $0x5000, s26;
	(ifvalue) =	ssetifvalue $0xFFFFFFFF  }
0x85: {  	[spmem:s2] =	stream.indirect.scatter.add.f32 [tilespmem:s31], [sflag:$0x5], $0x80, s23, s17, $0x40b8;
	[tilespmem:$0x1F000] =	vst v63  }
0x86: {  	_ =	swait.ge [sflag:s16], $0x4000  }
0x87: {  	[sflag:s16] =	ssyncset.done $0x0  }
0x88: {  	s22 =	sadd.s32 $0x1, s22;
	[sflag:s16] =	ssyncadd.s32 $0xFFFFC000  }
0x89: {  	p0 =	sne.s32 s22, s14;
	[bflag:$0x0] =	sbarrier.arrive $0xFFFF  }
0x8a: {  	[hbm:s13], [sflag:s6] =	dma.local [spmem:s15], $0x1400  }
.Ltmp2:
0x8b: {  	_ =	swait.ge [sflag:s16], $0x1400;
	(pc) =	sbr.rel @p0 .LBB2_1-.Ltmp2, $3  }
0x8c: {  	[sflag:s16] =	ssyncset.done $0x0  }
0x8d: {  	[sflag:s16] =	ssyncadd.s32 $0xFFFFEC00  }
0x8e: {  	[bflag:$0x0] =	sbarrier.arrive $0xFFFF;
	_ =	sdelay $0x1  }
0x8f: {  	_ =	sfence.sel $0x180000  }
0x90: {  	[bflag:$0x0] =	sbarrier.arrive $0xFFFF  }
0x91: {  	p0 =	sne.s32 s0, $0x0;
	_ =	strace $0x90000050  }
0x92: {  	s0 =	sadd.s32 @!p0 $0x100000, s1;
	[bflag:$0x2] =	sbarrier.arrive $0xFFFF  }
0x93: {  	[sflag:s0] =	ssyncadd.tile.s32 @!p0 $0x1;
	_ =	shalt  }
.Lfunc_end2:
_tile_overlayer_lowered:
.L_overlay_start_2:
0x94: {  	(tag) =	ssettag $0x2  }
0x95: {  	s0 =	rddreg [dreg:$0x0];
	s2 =	stileid.u32  }
0x96: {  	s1 =	rddreg [dreg:$0x1];
	p0 =	sne.s32 s2, $0x0  }
0x97: {  	s3 =	rddreg [dreg:$0x2];
	[bflag:$0x3] =	sbarrier.arrive $0xFFFF;
	s2 =	simm.s32 @!p0 $0x1C05  }
0x98: {  	[timem:s3], [sflag:s2] =	dma.local @!p0 [hbm:s0], s1  }
0x99: {  	s0 =	simm.s32 @!p0 $0x5  }
0x9a: {  	_ =	swait.ge @!p0 [sflag:s0], s1  }
0x9b: {  	s1 =	ssub.s32 @!p0 $0x0, s1;
	[sflag:s0] =	ssyncset.done @!p0 $0x0  }
0x9c: {  	[sflag:s0] =	ssyncadd.s32 @!p0 s1  }
0x9d: {  	[bflag:$0x3] =	sbarrier.arrive $0xFFFF  }
0x9e: {  	_ =	shalt  }

</sc_bundles>
